<compile_context>
chip_gen: v7x
topology: tpu7x:2x2x1
jax: 0.10.2.dev20260603
libtpu: 0.0.44.dev20260713+nightly
codegen_flags: <defaults>
</compile_context>

<pallas_src>
import jax
import jax.numpy as jnp
from jax import lax
from jax.experimental import pallas as pl
from jax.experimental.pallas import tpu as pltpu
from jax.experimental.pallas import tpu_sc as plsc

N = 10000
D = 256
H = 4
HID = 48
OUT = 16

NP = 10016
PW = 5376
KE = 128
EPAD = 32 * PW
ROWS = 2000
BE = 2048

_SC_MESH = dict(core_axis_name="c", subcore_axis_name="s",
                num_cores=2, num_subcores=16)



def _tc_matmul_body(x_ref, wt_ref, o_ref):
    o_ref[...] = jnp.dot(x_ref[...], wt_ref[...],
                         preferred_element_type=jnp.float32)


def _tc_matmul(x, wt):
    n, d = x.shape
    k = wt.shape[1]
    return pl.pallas_call(
        _tc_matmul_body,
        grid=(n // ROWS,),
        in_specs=[
            pl.BlockSpec((ROWS, d), lambda i: (i, 0)),
            pl.BlockSpec((d, k), lambda i: (0, 0)),
        ],
        out_specs=pl.BlockSpec((ROWS, k), lambda i: (i, 0)),
        out_shape=jax.ShapeDtypeStruct((n, k), jnp.float32),
    )(x, wt)


def _tc_edge_body(gs_ref, gd_ref, red_ref, att_ref, ebrow_ref, mask_ref,
                  st_ref, s_ref, msg_ref, ev_ref):
    t = gs_ref[...] + gd_ref[...]
    t = jnp.maximum(t, 0.0) + 0.2 * jnp.minimum(t, 0.0)
    lg = jnp.dot(t * att_ref[...], st_ref[...],
                 preferred_element_type=jnp.float32)
    rb = red_ref[...] * ebrow_ref[...]
    ev = jnp.exp(lg + rb) * mask_ref[...]
    ev_ref[...] = ev
    msg_ref[...] = gs_ref[...] * jnp.dot(
        ev, s_ref[...], preferred_element_type=jnp.float32)


def _tc_edge(gs, gd, red, attrow, ebrow, mask, st, s):
    f = gs.shape[1]
    grid = (EPAD // BE,)
    return pl.pallas_call(
        _tc_edge_body,
        grid=grid,
        in_specs=[
            pl.BlockSpec((BE, f), lambda i: (i, 0)),
            pl.BlockSpec((BE, f), lambda i: (i, 0)),
            pl.BlockSpec((BE, 1), lambda i: (i, 0)),
            pl.BlockSpec((1, f), lambda i: (0, 0)),
            pl.BlockSpec((1, 16), lambda i: (0, 0)),
            pl.BlockSpec((1, 16), lambda i: (0, 0)),
            pl.BlockSpec((f, 16), lambda i: (0, 0)),
            pl.BlockSpec((16, f), lambda i: (0, 0)),
        ],
        out_specs=[
            pl.BlockSpec((BE, f), lambda i: (i, 0)),
            pl.BlockSpec((BE, 16), lambda i: (i, 0)),
        ],
        out_shape=[
            jax.ShapeDtypeStruct((EPAD, f), jnp.float32),
            jax.ShapeDtypeStruct((EPAD, 16), jnp.float32),
        ],
    )(gs, gd, red, attrow, ebrow, mask, st, s)


def _tc_mid_body(a0_ref, a1_ref, d0_ref, d1_ref, res_ref, s1_ref, wt_ref,
                 o_ref):
    den = jnp.maximum(d0_ref[...] + d1_ref[...], 1e-12)
    denb = jnp.dot(den, s1_ref[...], preferred_element_type=jnp.float32)
    v = (a0_ref[...] + a1_ref[...]) / denb + res_ref[...]
    hh = jnp.where(v > 0, v, jnp.exp(v) - 1.0)
    o_ref[...] = jnp.dot(hh, wt_ref[...], preferred_element_type=jnp.float32)


def _tc_mid(agg0, agg1, d0, d1, res, s1, wt):
    n, f = agg0.shape
    k = wt.shape[1]
    return pl.pallas_call(
        _tc_mid_body,
        grid=(n // ROWS,),
        in_specs=[
            pl.BlockSpec((ROWS, f), lambda i: (i, 0)),
            pl.BlockSpec((ROWS, f), lambda i: (i, 0)),
            pl.BlockSpec((ROWS, 16), lambda i: (i, 0)),
            pl.BlockSpec((ROWS, 16), lambda i: (i, 0)),
            pl.BlockSpec((ROWS, f), lambda i: (i, 0)),
            pl.BlockSpec((16, f), lambda i: (0, 0)),
            pl.BlockSpec((f, k), lambda i: (0, 0)),
        ],
        out_specs=pl.BlockSpec((ROWS, k), lambda i: (i, 0)),
        out_shape=jax.ShapeDtypeStruct((n, k), jnp.float32),
    )(agg0, agg1, d0, d1, res, s1, wt)


def _tc_final_body(a0_ref, a1_ref, d0_ref, d1_ref, res_ref, s2_ref, o_ref):
    den = jnp.maximum(d0_ref[...] + d1_ref[...], 1e-12)
    denb = jnp.dot(den, s2_ref[...], preferred_element_type=jnp.float32)
    v = (a0_ref[...] + a1_ref[...]) / denb
    z = 0.25 * (v[:, 0:16] + v[:, 16:32] + v[:, 32:48] + v[:, 48:64])
    z = z + res_ref[...]
    ss = jnp.sum(z * z, axis=1, keepdims=True)
    o_ref[...] = z / jnp.maximum(jnp.sqrt(ss), 1e-12)


def _tc_final(agg0, agg1, d0, d1, res, s2):
    n, f = agg0.shape
    return pl.pallas_call(
        _tc_final_body,
        grid=(n // ROWS,),
        in_specs=[
            pl.BlockSpec((ROWS, f), lambda i: (i, 0)),
            pl.BlockSpec((ROWS, f), lambda i: (i, 0)),
            pl.BlockSpec((ROWS, 16), lambda i: (i, 0)),
            pl.BlockSpec((ROWS, 16), lambda i: (i, 0)),
            pl.BlockSpec((ROWS, OUT), lambda i: (i, 0)),
            pl.BlockSpec((16, f), lambda i: (0, 0)),
        ],
        out_specs=pl.BlockSpec((ROWS, OUT), lambda i: (i, 0)),
        out_shape=jax.ShapeDtypeStruct((n, OUT), jnp.float32),
    )(agg0, agg1, d0, d1, res, s2)



def _make_sc_gather(F):
    KG = 256
    nchunks = PW // KG
    mesh = plsc.VectorSubcoreMesh(**_SC_MESH)

    def body(proj, srcp3, dstp3, gs_out, gd_out,
             sall, dall, psa, pda,
             g1a, g2a, w1a, w2a):
        c = lax.axis_index("c")
        s = lax.axis_index("s")
        wid = s * 2 + c
        base = wid * PW
        pltpu.sync_copy(srcp3.at[pl.ds(wid * nchunks, nchunks)], sall)
        pltpu.sync_copy(dstp3.at[pl.ds(wid * nchunks, nchunks)], dall)

        def chunk(a, _):
            offa = base + a * KG
            ca1 = pltpu.async_copy(proj.at[sall.at[a, 0]], psa, g1a)
            ca2 = pltpu.async_copy(proj.at[dall.at[a, 0]], pda, g2a)
            ca1.wait()
            wa1 = pltpu.async_copy(psa, gs_out.at[pl.ds(offa, KG)], w1a)
            ca2.wait()
            wa2 = pltpu.async_copy(pda, gd_out.at[pl.ds(offa, KG)], w2a)
            wa1.wait()
            wa2.wait()
            return 0
        lax.fori_loop(0, nchunks, chunk, 0)

    return pl.kernel(
        body,
        out_type=(
            jax.ShapeDtypeStruct((EPAD, F), jnp.float32),
            jax.ShapeDtypeStruct((EPAD, F), jnp.float32),
        ),
        mesh=mesh,
        compiler_params=pltpu.CompilerParams(use_tc_tiling_on_sc=False),
        scratch_types=(
            [pltpu.VMEM((nchunks, 1, KG), jnp.int32)] * 2
            + [pltpu.VMEM((KG, F), jnp.float32)] * 2
            + [pltpu.SemaphoreType.DMA] * 4
        ),
    )


def _make_sc_scatter(F, ke):
    nchunks = PW // ke
    GRP = 8 if ke < 128 else nchunks
    rpt = NP // 16
    mesh = plsc.VectorSubcoreMesh(**_SC_MESH)

    def body(rows, dstp3, agg_out, didx8, buf, bufb, agg_sh,
             semla, semlb, semsa, semsb):
        c = lax.axis_index("c")
        s = lax.axis_index("s")
        wid = s * 2 + c
        zero16 = jnp.zeros((16,), jnp.float32)

        def zbuf(r, _):
            for j in range(F // 16):
                buf[r, pl.ds(16 * j, 16)] = zero16
            return 0
        lax.fori_loop(0, ke, zbuf, 0)

        def zsh(i, _):
            pltpu.sync_copy(buf, agg_sh.at[pl.ds(s * rpt + i * ke, ke)])
            return 0
        lax.fori_loop(0, rpt // ke, zsh, 0)
        rem = rpt % ke
        if rem:
            pltpu.sync_copy(buf.at[pl.ds(0, rem)],
                            agg_sh.at[pl.ds(s * rpt + (rpt // ke) * ke, rem)])
        plsc.subcore_barrier()

        base = wid * PW

        def group(g, _):
            pltpu.sync_copy(dstp3.at[pl.ds(wid * nchunks + g * GRP, GRP)],
                            didx8)

            def pair(m, _):
                a = 2 * m
                b = a + 1
                offa = base + (g * GRP + a) * ke
                offb = offa + ke
                la = pltpu.async_copy(rows.at[pl.ds(offa, ke)], buf, semla)
                lb = pltpu.async_copy(rows.at[pl.ds(offb, ke)], bufb, semlb)
                la.wait()
                sa = pltpu.async_copy(buf, agg_sh.at[didx8.at[a, 0]], semsa,
                                      add=True)
                lb.wait()
                sb = pltpu.async_copy(bufb, agg_sh.at[didx8.at[b, 0]], semsb,
                                      add=True)
                sa.wait()
                sb.wait()
                return 0
            lax.fori_loop(0, GRP // 2, pair, 0)
            return 0
        lax.fori_loop(0, nchunks // GRP, group, 0)
        plsc.subcore_barrier()

        pltpu.sync_copy(agg_sh.at[pl.ds(s * rpt, rpt)],
                        agg_out.at[c, pl.ds(s * rpt, rpt)])

    return pl.kernel(
        body,
        out_type=jax.ShapeDtypeStruct((2, NP, F), jnp.float32),
        mesh=mesh,
        compiler_params=pltpu.CompilerParams(use_tc_tiling_on_sc=False),
        scratch_types=(
            [pltpu.VMEM((GRP, 1, ke), jnp.int32)]
            + [pltpu.VMEM((ke, F), jnp.float32)] * 2
            + [pltpu.VMEM_SHARED((NP, F), jnp.float32)]
            + [pltpu.SemaphoreType.DMA] * 4
        ),
    )


_sc_gather1 = _make_sc_gather(H * HID)
_sc_gather2 = _make_sc_gather(H * OUT)
_sc_scat_m1 = _make_sc_scatter(H * HID, 24)
_sc_scat_m2 = _make_sc_scatter(H * OUT, 128)
_sc_scat_e = _make_sc_scatter(16, 128)


def _sel(width):
    s = jnp.zeros((16, 4 * width), jnp.float32)
    for h in range(H):
        s = s.at[h, h * width:(h + 1) * width].set(1.0)
    return s


def _layer(proj, res, src, dst, reduced2d, att, eb_W):
    f = proj.shape[1]
    width = f // H
    st = _sel(width).T
    s = _sel(width)
    attrow = att.reshape(1, f)
    ebrow = jnp.pad(eb_W[:, 0], (0, 16 - H)).reshape(1, 16)
    mask = jnp.pad(jnp.ones((H,), jnp.float32), (0, 16 - H)).reshape(1, 16)
    src3g = src.reshape(EPAD // 256, 1, 256)
    dst3g = dst.reshape(EPAD // 256, 1, 256)
    dst3 = dst.reshape(EPAD // KE, 1, KE)
    gs, gd = (_sc_gather1 if f == H * HID else _sc_gather2)(proj, src3g,
                                                            dst3g)
    msg, ev = _tc_edge(gs, gd, reduced2d, attrow, ebrow, mask, st, s)
    if f == H * HID:
        agg = _sc_scat_m1(msg, dst.reshape(EPAD // 24, 1, 24))
    else:
        agg = _sc_scat_m2(msg, dst3)
    dnp = _sc_scat_e(ev, dst3)
    return agg, dnp


def kernel(x, edge_index, edge_attr, lin1_W, att1, eb1_W, bias1, res1_W,
           lin2_W, att2, eb2_W, bias2, res2_W):
    n = x.shape[0]
    loops = jnp.arange(n, dtype=edge_index.dtype)
    src = jnp.concatenate([edge_index[0], loops])
    dst = jnp.concatenate([edge_index[1], loops])
    reduced = jnp.concatenate(
        [edge_attr[:, 0] + 0.35 * edge_attr[:, 1], jnp.ones((n,), x.dtype)])
    e2 = src.shape[0]
    src = jnp.pad(src, (0, EPAD - e2)).astype(jnp.int32)
    dst = jnp.pad(dst, (0, EPAD - e2),
                  constant_values=N).astype(jnp.int32)
    reduced2d = jnp.pad(reduced, (0, EPAD - e2)).reshape(EPAD, 1)

    wt1 = jnp.concatenate([lin1_W, res1_W], axis=0).T
    both1 = _tc_matmul(x, wt1)
    proj1 = both1[:, :H * HID]
    res1 = both1[:, H * HID:] + bias1[None, :]
    agg1, dn1 = _layer(proj1, res1, src, dst, reduced2d, att1, eb1_W)

    wt2 = jnp.concatenate([lin2_W, res2_W], axis=0).T
    wt2 = jnp.pad(wt2, ((0, 0), (0, 128 - wt2.shape[1])))
    s1 = _sel(HID)
    both2 = _tc_mid(agg1[0, :n], agg1[1, :n], dn1[0, :n], dn1[1, :n],
                    res1, s1, wt2)
    proj2 = both2[:, :H * OUT]
    res2 = both2[:, H * OUT:H * OUT + OUT] + bias2[None, :]
    agg2, dn2 = _layer(proj2, res2, src, dst, reduced2d, att2, eb2_W)

    s2 = _sel(OUT)
    z = _tc_final(agg2[0, :n], agg2[1, :n], dn2[0, :n], dn2[1, :n], res2, s2)
    return z

# --- scband reference (transcript-rebuilt; emitter-appended) ---
"""Pipeline reference for scband-elder-gat-82712480186383 (READ-ONLY COPY).

The authoritative reference and input builder live on the scoring server;
editing this copy changes nothing except your own understanding.
"""

import jax, jax.numpy as jnp
import numpy as np

N = 10000
E = 160000
D = 256
H = 4
HID = 48
OUT = 16


def setup_inputs(seed: int = 0):
    key = jax.random.key(seed)
    ks = jax.random.split(key, 12)
    return {
        "x": jax.random.normal(ks[0], (N, D), dtype=jnp.float32),
        "edge_index": jax.random.randint(ks[1], (2, E), 0, N),
        "edge_attr": jax.random.normal(ks[2], (E, 4), dtype=jnp.float32),
        "lin1_W": jax.random.normal(ks[3], (H * HID, D), dtype=jnp.float32) * 0.05,
        "att1": jax.random.normal(ks[4], (H, HID), dtype=jnp.float32) * 0.1,
        "eb1_W": jax.random.normal(ks[5], (H, 1), dtype=jnp.float32) * 0.1,
        "bias1": jnp.zeros((H * HID,), dtype=jnp.float32),
        "res1_W": jax.random.normal(ks[6], (H * HID, D), dtype=jnp.float32) * 0.05,
        "lin2_W": jax.random.normal(ks[7], (H * OUT, H * HID), dtype=jnp.float32) * 0.05,
        "att2": jax.random.normal(ks[8], (H, OUT), dtype=jnp.float32) * 0.1,
        "eb2_W": jax.random.normal(ks[9], (H, 1), dtype=jnp.float32) * 0.1,
        "bias2": jnp.zeros((OUT,), dtype=jnp.float32),
        "res2_W": jax.random.normal(ks[10], (OUT, H * HID), dtype=jnp.float32) * 0.05,
    }


def _gat_layer(x, src, dst, reduced, lin_W, att, eb_W, bias, res_W, heads, out_ch, concat):
    n = x.shape[0]
    proj = (x @ lin_W.T).reshape(n, heads, out_ch)
    psrc = proj[src]
    pdst = proj[dst]
    logits = jax.nn.leaky_relu(psrc + pdst, negative_slope=0.2)
    logits = (logits * att[None, :, :]).sum(axis=-1)
    logits = logits + reduced[:, None] * eb_W[:, 0][None, :]
    mx = jax.ops.segment_max(logits, dst, num_segments=n)
    ex = jnp.exp(logits - mx[dst])
    denom = jax.ops.segment_sum(ex, dst, num_segments=n)
    attn = ex / jnp.maximum(denom[dst], 1e-12)
    msgs = attn[:, :, None] * psrc
    out = jax.ops.segment_sum(msgs, dst, num_segments=n)
    if concat:
        out = out.reshape(n, heads * out_ch)
    else:
        out = out.mean(axis=1)
    out = out + x @ res_W.T
    return out + bias


def reference(x, edge_index, edge_attr, lin1_W, att1, eb1_W, bias1, res1_W, lin2_W, att2, eb2_W, bias2, res2_W):
    n = x.shape[0]
    loops = jnp.arange(n)
    src = jnp.concatenate([edge_index[0], loops])
    dst = jnp.concatenate([edge_index[1], loops])
    reduced = jnp.concatenate([edge_attr[:, 0] + 0.35 * edge_attr[:, 1], jnp.ones((n,), dtype=x.dtype)])
    h = _gat_layer(x, src, dst, reduced, lin1_W, att1, eb1_W, bias1, res1_W, H, HID, True)
    h = jax.nn.elu(h)
    z = _gat_layer(h, src, dst, reduced, lin2_W, att2, eb2_W, bias2, res2_W, H, OUT, False)
    norm = jnp.linalg.norm(z, axis=-1, keepdims=True)
    return z / jnp.maximum(norm, 1e-12)

if __name__ == "__main__":
    import jax
    _d = setup_inputs()
    print(jax.jit(kernel)(*tuple(_d.values())))

</pallas_src>

<mosaic_0001>
#map = affine_map<(d0, d1) -> (0, 0)>
#map1 = affine_map<(d0, d1) -> (0, 0, 0)>
module attributes {stable_mosaic.version = 14 : i64} {
  func.func @body(%arg0: i32, %arg1: i32, %arg2: memref<10000x64xf32, #tpu.memory_space<hbm>>, %arg3: memref<672x1x256xi32, #tpu.memory_space<hbm>>, %arg4: memref<672x1x256xi32, #tpu.memory_space<hbm>>, %arg5: memref<172032x64xf32, #tpu.memory_space<hbm>>, %arg6: memref<172032x64xf32, #tpu.memory_space<hbm>>, %arg7: memref<21x1x256xi32, #tpu.memory_space<vmem>>, %arg8: memref<21x1x256xi32, #tpu.memory_space<vmem>>, %arg9: memref<256x64xf32, #tpu.memory_space<vmem>>, %arg10: memref<256x64xf32, #tpu.memory_space<vmem>>, %arg11: memref<!tpu.dma_semaphore, #tpu.memory_space<semaphore_mem>>, %arg12: memref<!tpu.dma_semaphore, #tpu.memory_space<semaphore_mem>>, %arg13: memref<!tpu.dma_semaphore, #tpu.memory_space<semaphore_mem>>, %arg14: memref<!tpu.dma_semaphore, #tpu.memory_space<semaphore_mem>>) attributes {dimension_semantics = [#tpu.dimension_semantics<core_parallel>, #tpu.dimension_semantics<subcore_parallel>], iteration_bounds = array<i64: 2, 16>, scalar_prefetch = 0 : i64, scratch_operands = 8 : i64, tpu.core_type = #tpu.core_type<sc_vector_subcore>, window_params = [{transform_indices = #map}, {transform_indices = #map1}, {transform_indices = #map1}, {transform_indices = #map}, {transform_indices = #map}]} {
    %mul3A = arith.constant 2 : i32
    %mul3A_0 = arith.muli %arg1, %mul3A : i32
    %add3A = arith.addi %mul3A_0, %arg0 : i32
    %mul3A_1 = arith.constant 5376 : i32
    %mul3A_2 = arith.muli %add3A, %mul3A_1 : i32
    %mul3A_3 = arith.constant 21 : i32
    %mul3A_4 = arith.muli %add3A, %mul3A_3 : i32
    "tpu.region"() ({
      %run_scoped3A = tpu.sem_alloc : memref<!tpu.dma_semaphore, #tpu.memory_space<semaphore_mem>>
      %dma_start3A = arith.constant 0 : i32
      %dma_start3A_13 = arith.constant 0 : i32
      %dma_start3A_14 = tpu.memref_slice %arg3[%mul3A_4, %dma_start3A, %dma_start3A_13] : memref<672x1x256xi32, #tpu.memory_space<hbm>> -> memref<21x1x256xi32, #tpu.memory_space<hbm>>
      %dma_start3A_15 = arith.constant 0 : i32
      %dma_start3A_16 = arith.constant 0 : i32
      %dma_start3A_17 = tpu.memref_slice %arg3[%mul3A_4, %dma_start3A_15, %dma_start3A_16] : memref<672x1x256xi32, #tpu.memory_space<hbm>> -> memref<21x1x256xi32, #tpu.memory_space<hbm>>
      tpu.enqueue_dma source(%dma_start3A_17 : memref<21x1x256xi32, #tpu.memory_space<hbm>>) target(%arg7 : memref<21x1x256xi32, #tpu.memory_space<vmem>>) target_semaphore(%run_scoped3A : memref<!tpu.dma_semaphore, #tpu.memory_space<semaphore_mem>>)
      %dma_wait3A = arith.constant 0 : i32
      %dma_wait3A_18 = arith.constant 0 : i32
      %dma_wait3A_19 = tpu.memref_slice %arg3[%mul3A_4, %dma_wait3A, %dma_wait3A_18] : memref<672x1x256xi32, #tpu.memory_space<hbm>> -> memref<21x1x256xi32, #tpu.memory_space<hbm>>
      %dma_wait3A_20 = arith.constant 0 : i32
      %dma_wait3A_21 = arith.constant 0 : i32
      %dma_wait3A_22 = tpu.memref_slice %arg3[%mul3A_4, %dma_wait3A_20, %dma_wait3A_21] : memref<672x1x256xi32, #tpu.memory_space<hbm>> -> memref<21x1x256xi32, #tpu.memory_space<hbm>>
      tpu.wait_dma2 semaphore(%run_scoped3A : memref<!tpu.dma_semaphore, #tpu.memory_space<semaphore_mem>>) src(%dma_wait3A_22 : memref<21x1x256xi32, #tpu.memory_space<hbm>>) dst(%arg7 : memref<21x1x256xi32, #tpu.memory_space<vmem>>)
      tpu.yield
    }) : () -> ()
    %mul3A_5 = arith.constant 21 : i32
    %mul3A_6 = arith.muli %add3A, %mul3A_5 : i32
    "tpu.region"() ({
      %run_scoped3A = tpu.sem_alloc : memref<!tpu.dma_semaphore, #tpu.memory_space<semaphore_mem>>
      %dma_start3A = arith.constant 0 : i32
      %dma_start3A_13 = arith.constant 0 : i32
      %dma_start3A_14 = tpu.memref_slice %arg4[%mul3A_6, %dma_start3A, %dma_start3A_13] : memref<672x1x256xi32, #tpu.memory_space<hbm>> -> memref<21x1x256xi32, #tpu.memory_space<hbm>>
      %dma_start3A_15 = arith.constant 0 : i32
      %dma_start3A_16 = arith.constant 0 : i32
      %dma_start3A_17 = tpu.memref_slice %arg4[%mul3A_6, %dma_start3A_15, %dma_start3A_16] : memref<672x1x256xi32, #tpu.memory_space<hbm>> -> memref<21x1x256xi32, #tpu.memory_space<hbm>>
      tpu.enqueue_dma source(%dma_start3A_17 : memref<21x1x256xi32, #tpu.memory_space<hbm>>) target(%arg8 : memref<21x1x256xi32, #tpu.memory_space<vmem>>) target_semaphore(%run_scoped3A : memref<!tpu.dma_semaphore, #tpu.memory_space<semaphore_mem>>)
      %dma_wait3A = arith.constant 0 : i32
      %dma_wait3A_18 = arith.constant 0 : i32
      %dma_wait3A_19 = tpu.memref_slice %arg4[%mul3A_6, %dma_wait3A, %dma_wait3A_18] : memref<672x1x256xi32, #tpu.memory_space<hbm>> -> memref<21x1x256xi32, #tpu.memory_space<hbm>>
      %dma_wait3A_20 = arith.constant 0 : i32
      %dma_wait3A_21 = arith.constant 0 : i32
      %dma_wait3A_22 = tpu.memref_slice %arg4[%mul3A_6, %dma_wait3A_20, %dma_wait3A_21] : memref<672x1x256xi32, #tpu.memory_space<hbm>> -> memref<21x1x256xi32, #tpu.memory_space<hbm>>
      tpu.wait_dma2 semaphore(%run_scoped3A : memref<!tpu.dma_semaphore, #tpu.memory_space<semaphore_mem>>) src(%dma_wait3A_22 : memref<21x1x256xi32, #tpu.memory_space<hbm>>) dst(%arg8 : memref<21x1x256xi32, #tpu.memory_space<vmem>>)
      tpu.yield
    }) : () -> ()
    %scan3A = arith.constant 0 : i32
    %scan3A_7 = arith.constant 0 : i32
    %scan3A_8 = arith.constant 21 : i32
    %scan3A_9 = arith.addi %scan3A_7, %scan3A_8 : i32
    %scan3A_10 = arith.constant 1 : i32
    %scan3A_11 = scf.for %scan3A_13 = %scan3A_7 to %scan3A_9 step %scan3A_10 iter_args(%scan3A_14 = %scan3A) -> (i32)  : i32 {
      %mul3A_15 = arith.constant 256 : i32
      %mul3A_16 = arith.muli %scan3A_13, %mul3A_15 : i32
      %add3A_17 = arith.addi %mul3A_2, %mul3A_16 : i32
      %dma_start3A = arith.constant 0 : i32
      %dma_start3A_18 = arith.constant 0 : i32
      %dma_start3A_19 = tpu.memref_slice %arg7[%scan3A_13, %dma_start3A, %dma_start3A_18] : memref<21x1x256xi32, #tpu.memory_space<vmem>> -> memref<1x1x256xi32, #tpu.memory_space<vmem>>
      %dma_start3A_20 = tpu.memref_squeeze %dma_start3A_19 : memref<1x1x256xi32, #tpu.memory_space<vmem>> -> memref<256xi32, #tpu.memory_space<vmem>>
      %dma_start3A_21 = arith.constant 0 : i32
      %dma_start3A_22 = arith.constant 0 : i32
      %dma_start3A_23 = tpu.memref_slice %arg2[%dma_start3A_21, %dma_start3A_22] : memref<10000x64xf32, #tpu.memory_space<hbm>> -> memref<10000x64xf32, #tpu.memory_space<hbm>>
      tpu.enqueue_indirect_dma source(%dma_start3A_23 : memref<10000x64xf32, #tpu.memory_space<hbm>>) target(%arg9 : memref<256x64xf32, #tpu.memory_space<vmem>>) offsets(%dma_start3A_20 : memref<256xi32, #tpu.memory_space<vmem>>) semaphore(%arg11 : memref<!tpu.dma_semaphore, #tpu.memory_space<semaphore_mem>>)
      %dma_start3A_24 = arith.constant 0 : i32
      %dma_start3A_25 = arith.constant 0 : i32
      %dma_start3A_26 = tpu.memref_slice %arg8[%scan3A_13, %dma_start3A_24, %dma_start3A_25] : memref<21x1x256xi32, #tpu.memory_space<vmem>> -> memref<1x1x256xi32, #tpu.memory_space<vmem>>
      %dma_start3A_27 = tpu.memref_squeeze %dma_start3A_26 : memref<1x1x256xi32, #tpu.memory_space<vmem>> -> memref<256xi32, #tpu.memory_space<vmem>>
      %dma_start3A_28 = arith.constant 0 : i32
      %dma_start3A_29 = arith.constant 0 : i32
      %dma_start3A_30 = tpu.memref_slice %arg2[%dma_start3A_28, %dma_start3A_29] : memref<10000x64xf32, #tpu.memory_space<hbm>> -> memref<10000x64xf32, #tpu.memory_space<hbm>>
      tpu.enqueue_indirect_dma source(%dma_start3A_30 : memref<10000x64xf32, #tpu.memory_space<hbm>>) target(%arg10 : memref<256x64xf32, #tpu.memory_space<vmem>>) offsets(%dma_start3A_27 : memref<256xi32, #tpu.memory_space<vmem>>) semaphore(%arg12 : memref<!tpu.dma_semaphore, #tpu.memory_space<semaphore_mem>>)
      %dma_wait3A = arith.constant 0 : i32
      %dma_wait3A_31 = arith.constant 0 : i32
      %dma_wait3A_32 = tpu.memref_slice %arg7[%scan3A_13, %dma_wait3A, %dma_wait3A_31] : memref<21x1x256xi32, #tpu.memory_space<vmem>> -> memref<1x1x256xi32, #tpu.memory_space<vmem>>
      %dma_wait3A_33 = tpu.memref_squeeze %dma_wait3A_32 : memref<1x1x256xi32, #tpu.memory_space<vmem>> -> memref<256xi32, #tpu.memory_space<vmem>>
      %dma_wait3A_34 = arith.constant 0 : i32
      %dma_wait3A_35 = arith.constant 0 : i32
      %dma_wait3A_36 = tpu.memref_slice %arg2[%dma_wait3A_34, %dma_wait3A_35] : memref<10000x64xf32, #tpu.memory_space<hbm>> -> memref<10000x64xf32, #tpu.memory_space<hbm>>
      tpu.wait_indirect_dma semaphore(%arg11 : memref<!tpu.dma_semaphore, #tpu.memory_space<semaphore_mem>>) src(%dma_wait3A_36 : memref<10000x64xf32, #tpu.memory_space<hbm>>) dst(%arg9 : memref<256x64xf32, #tpu.memory_space<vmem>>)
      %dma_start3A_37 = arith.constant 0 : i32
      %dma_start3A_38 = tpu.memref_slice %arg5[%add3A_17, %dma_start3A_37] : memref<172032x64xf32, #tpu.memory_space<hbm>> -> memref<256x64xf32, #tpu.memory_space<hbm>>
      %dma_start3A_39 = arith.constant 0 : i32
      %dma_start3A_40 = tpu.memref_slice %arg5[%add3A_17, %dma_start3A_39] : memref<172032x64xf32, #tpu.memory_space<hbm>> -> memref<256x64xf32, #tpu.memory_space<hbm>>
      tpu.enqueue_dma source(%arg9 : memref<256x64xf32, #tpu.memory_space<vmem>>) target(%dma_start3A_40 : memref<256x64xf32, #tpu.memory_space<hbm>>) target_semaphore(%arg13 : memref<!tpu.dma_semaphore, #tpu.memory_space<semaphore_mem>>)
      %dma_wait3A_41 = arith.constant 0 : i32
      %dma_wait3A_42 = arith.constant 0 : i32
      %dma_wait3A_43 = tpu.memref_slice %arg8[%scan3A_13, %dma_wait3A_41, %dma_wait3A_42] : memref<21x1x256xi32, #tpu.memory_space<vmem>> -> memref<1x1x256xi32, #tpu.memory_space<vmem>>
      %dma_wait3A_44 = tpu.memref_squeeze %dma_wait3A_43 : memref<1x1x256xi32, #tpu.memory_space<vmem>> -> memref<256xi32, #tpu.memory_space<vmem>>
      %dma_wait3A_45 = arith.constant 0 : i32
      %dma_wait3A_46 = arith.constant 0 : i32
      %dma_wait3A_47 = tpu.memref_slice %arg2[%dma_wait3A_45, %dma_wait3A_46] : memref<10000x64xf32, #tpu.memory_space<hbm>> -> memref<10000x64xf32, #tpu.memory_space<hbm>>
      tpu.wait_indirect_dma semaphore(%arg12 : memref<!tpu.dma_semaphore, #tpu.memory_space<semaphore_mem>>) src(%dma_wait3A_47 : memref<10000x64xf32, #tpu.memory_space<hbm>>) dst(%arg10 : memref<256x64xf32, #tpu.memory_space<vmem>>)
      %dma_start3A_48 = arith.constant 0 : i32
      %dma_start3A_49 = tpu.memref_slice %arg6[%add3A_17, %dma_start3A_48] : memref<172032x64xf32, #tpu.memory_space<hbm>> -> memref<256x64xf32, #tpu.memory_space<hbm>>
      %dma_start3A_50 = arith.constant 0 : i32
      %dma_start3A_51 = tpu.memref_slice %arg6[%add3A_17, %dma_start3A_50] : memref<172032x64xf32, #tpu.memory_space<hbm>> -> memref<256x64xf32, #tpu.memory_space<hbm>>
      tpu.enqueue_dma source(%arg10 : memref<256x64xf32, #tpu.memory_space<vmem>>) target(%dma_start3A_51 : memref<256x64xf32, #tpu.memory_space<hbm>>) target_semaphore(%arg14 : memref<!tpu.dma_semaphore, #tpu.memory_space<semaphore_mem>>)
      %dma_wait3A_52 = arith.constant 0 : i32
      %dma_wait3A_53 = tpu.memref_slice %arg5[%add3A_17, %dma_wait3A_52] : memref<172032x64xf32, #tpu.memory_space<hbm>> -> memref<256x64xf32, #tpu.memory_space<hbm>>
      %dma_wait3A_54 = arith.constant 0 : i32
      %dma_wait3A_55 = tpu.memref_slice %arg5[%add3A_17, %dma_wait3A_54] : memref<172032x64xf32, #tpu.memory_space<hbm>> -> memref<256x64xf32, #tpu.memory_space<hbm>>
      tpu.wait_dma2 semaphore(%arg13 : memref<!tpu.dma_semaphore, #tpu.memory_space<semaphore_mem>>) src(%arg9 : memref<256x64xf32, #tpu.memory_space<vmem>>) dst(%dma_wait3A_55 : memref<256x64xf32, #tpu.memory_space<hbm>>)
      %dma_wait3A_56 = arith.constant 0 : i32
      %dma_wait3A_57 = tpu.memref_slice %arg6[%add3A_17, %dma_wait3A_56] : memref<172032x64xf32, #tpu.memory_space<hbm>> -> memref<256x64xf32, #tpu.memory_space<hbm>>
      %dma_wait3A_58 = arith.constant 0 : i32
      %dma_wait3A_59 = tpu.memref_slice %arg6[%add3A_17, %dma_wait3A_58] : memref<172032x64xf32, #tpu.memory_space<hbm>> -> memref<256x64xf32, #tpu.memory_space<hbm>>
      tpu.wait_dma2 semaphore(%arg14 : memref<!tpu.dma_semaphore, #tpu.memory_space<semaphore_mem>>) src(%arg10 : memref<256x64xf32, #tpu.memory_space<vmem>>) dst(%dma_wait3A_59 : memref<256x64xf32, #tpu.memory_space<hbm>>)
      %scan3A_60 = arith.constant 0 : i32
      scf.yield %scan3A_60 : i32
    }
    %scan3A_12 = arith.constant 21 : i32
    return
  }
}

#map = affine_map<(d0, d1) -> (0, 0)>
#map1 = affine_map<(d0, d1) -> (0, 0, 0)>
module attributes {stable_mosaic.version = 14 : i64} {
  func.func @body(%arg0: i32, %arg1: i32, %arg2: memref<172032x16xf32, #tpu.memory_space<hbm>>, %arg3: memref<1344x1x128xi32, #tpu.memory_space<hbm>>, %arg4: memref<2x10016x16xf32, #tpu.memory_space<hbm>>, %arg5: memref<42x1x128xi32, #tpu.memory_space<vmem>>, %arg6: memref<128x16xf32, #tpu.memory_space<vmem>>, %arg7: memref<128x16xf32, #tpu.memory_space<vmem>>, %arg8: memref<10016x16xf32, #tpu.memory_space<vmem_shared>>, %arg9: memref<!tpu.dma_semaphore, #tpu.memory_space<semaphore_mem>>, %arg10: memref<!tpu.dma_semaphore, #tpu.memory_space<semaphore_mem>>, %arg11: memref<!tpu.dma_semaphore, #tpu.memory_space<semaphore_mem>>, %arg12: memref<!tpu.dma_semaphore, #tpu.memory_space<semaphore_mem>>) attributes {dimension_semantics = [#tpu.dimension_semantics<core_parallel>, #tpu.dimension_semantics<subcore_parallel>], iteration_bounds = array<i64: 2, 16>, scalar_prefetch = 0 : i64, scratch_operands = 8 : i64, tpu.core_type = #tpu.core_type<sc_vector_subcore>, window_params = [{transform_indices = #map}, {transform_indices = #map1}, {transform_indices = #map1}]} {
    %mul3A = arith.constant 2 : i32
    %mul3A_0 = arith.muli %arg1, %mul3A : i32
    %add3A = arith.addi %mul3A_0, %arg0 : i32
    %broadcast_in_dim3A = arith.constant 0.000000e+00 : f32
    %broadcast_in_dim3A_1 = vector.broadcast %broadcast_in_dim3A : f32 to vector<16xf32>
    %scan3A = arith.constant 0 : i32
    %scan3A_2 = arith.constant 0 : i32
    %scan3A_3 = arith.constant 128 : i32
    %scan3A_4 = arith.addi %scan3A_2, %scan3A_3 : i32
    %scan3A_5 = arith.constant 1 : i32
    %scan3A_6 = scf.for %scan3A_42 = %scan3A_2 to %scan3A_4 step %scan3A_5 iter_args(%scan3A_43 = %scan3A) -> (i32)  : i32 {
      %swap3A = arith.index_cast %scan3A_42 : i32 to index
      %swap3A_44 = arith.constant 0 : index
      %swap3A_45 = tpu.vector_load %arg6[%swap3A, %swap3A_44] {strides = array<i32>} : memref<128x16xf32, #tpu.memory_space<vmem>>, vector<1x16xf32>,
      %swap3A_46 = vector.shape_cast %swap3A_45 : vector<1x16xf32> to vector<16xf32>
      %swap3A_47 = vector.shape_cast %broadcast_in_dim3A_1 : vector<16xf32> to vector<1x16xf32>
      tpu.vector_store %arg6[%swap3A, %swap3A_44], %swap3A_47 {strides = array<i32>} : memref<128x16xf32, #tpu.memory_space<vmem>>, vector<1x16xf32>,
      %scan3A_48 = arith.constant 0 : i32
      scf.yield %scan3A_48 : i32
    }
    %scan3A_7 = arith.constant 128 : i32
    %scan3A_8 = arith.constant 0 : i32
    %scan3A_9 = arith.constant 0 : i32
    %scan3A_10 = arith.constant 4 : i32
    %scan3A_11 = arith.addi %scan3A_9, %scan3A_10 : i32
    %scan3A_12 = arith.constant 1 : i32
    %scan3A_13 = scf.for %scan3A_42 = %scan3A_9 to %scan3A_11 step %scan3A_12 iter_args(%scan3A_43 = %scan3A_8) -> (i32)  : i32 {
      %mul3A_44 = arith.constant 626 : i32
      %mul3A_45 = arith.muli %arg1, %mul3A_44 : i32
      %mul3A_46 = arith.constant 128 : i32
      %mul3A_47 = arith.muli %scan3A_42, %mul3A_46 : i32
      %add3A_48 = arith.addi %mul3A_45, %mul3A_47 : i32
      "tpu.region"() ({
        %run_scoped3A = tpu.sem_alloc : memref<!tpu.dma_semaphore, #tpu.memory_space<semaphore_mem>>
        %dma_start3A = arith.constant 0 : i32
        %dma_start3A_50 = tpu.memref_slice %arg8[%add3A_48, %dma_start3A] : memref<10016x16xf32, #tpu.memory_space<vmem_shared>> -> memref<128x16xf32, #tpu.memory_space<vmem_shared>>
        %dma_start3A_51 = arith.constant 0 : i32
        %dma_start3A_52 = tpu.memref_slice %arg8[%add3A_48, %dma_start3A_51] : memref<10016x16xf32, #tpu.memory_space<vmem_shared>> -> memref<128x16xf32, #tpu.memory_space<vmem_shared>>
        tpu.enqueue_dma source(%arg6 : memref<128x16xf32, #tpu.memory_space<vmem>>) target(%dma_start3A_52 : memref<128x16xf32, #tpu.memory_space<vmem_shared>>) target_semaphore(%run_scoped3A : memref<!tpu.dma_semaphore, #tpu.memory_space<semaphore_mem>>)
        %dma_wait3A = arith.constant 0 : i32
        %dma_wait3A_53 = tpu.memref_slice %arg8[%add3A_48, %dma_wait3A] : memref<10016x16xf32, #tpu.memory_space<vmem_shared>> -> memref<128x16xf32, #tpu.memory_space<vmem_shared>>
        %dma_wait3A_54 = arith.constant 0 : i32
        %dma_wait3A_55 = tpu.memref_slice %arg8[%add3A_48, %dma_wait3A_54] : memref<10016x16xf32, #tpu.memory_space<vmem_shared>> -> memref<128x16xf32, #tpu.memory_space<vmem_shared>>
        tpu.wait_dma2 semaphore(%run_scoped3A : memref<!tpu.dma_semaphore, #tpu.memory_space<semaphore_mem>>) src(%arg6 : memref<128x16xf32, #tpu.memory_space<vmem>>) dst(%dma_wait3A_55 : memref<128x16xf32, #tpu.memory_space<vmem_shared>>)
        tpu.yield
      }) : () -> ()
      %scan3A_49 = arith.constant 0 : i32
      scf.yield %scan3A_49 : i32
    }
    %scan3A_14 = arith.constant 4 : i32
    %mul3A_15 = arith.constant 626 : i32
    %mul3A_16 = arith.muli %arg1, %mul3A_15 : i32
    %add3A_17 = arith.constant 512 : i32
    %add3A_18 = arith.addi %mul3A_16, %add3A_17 : i32
    "tpu.region"() ({
      %run_scoped3A = tpu.sem_alloc : memref<!tpu.dma_semaphore, #tpu.memory_space<semaphore_mem>>
      %dma_start3A = arith.constant 0 : i32
      %dma_start3A_42 = arith.constant 0 : i32
      %dma_start3A_43 = tpu.memref_slice %arg6[%dma_start3A, %dma_start3A_42] : memref<128x16xf32, #tpu.memory_space<vmem>> -> memref<114x16xf32, #tpu.memory_space<vmem>>
      %dma_start3A_44 = arith.constant 0 : i32
      %dma_start3A_45 = tpu.memref_slice %arg8[%add3A_18, %dma_start3A_44] : memref<10016x16xf32, #tpu.memory_space<vmem_shared>> -> memref<114x16xf32, #tpu.memory_space<vmem_shared>>
      %dma_start3A_46 = arith.constant 0 : i32
      %dma_start3A_47 = tpu.memref_slice %arg8[%add3A_18, %dma_start3A_46] : memref<10016x16xf32, #tpu.memory_space<vmem_shared>> -> memref<114x16xf32, #tpu.memory_space<vmem_shared>>
      %dma_start3A_48 = arith.constant 0 : i32
      %dma_start3A_49 = arith.constant 0 : i32
      %dma_start3A_50 = tpu.memref_slice %arg6[%dma_start3A_48, %dma_start3A_49] : memref<128x16xf32, #tpu.memory_space<vmem>> -> memref<114x16xf32, #tpu.memory_space<vmem>>
      tpu.enqueue_dma source(%dma_start3A_50 : memref<114x16xf32, #tpu.memory_space<vmem>>) target(%dma_start3A_47 : memref<114x16xf32, #tpu.memory_space<vmem_shared>>) target_semaphore(%run_scoped3A : memref<!tpu.dma_semaphore, #tpu.memory_space<semaphore_mem>>)
      %dma_wait3A = arith.constant 0 : i32
      %dma_wait3A_51 = arith.constant 0 : i32
      %dma_wait3A_52 = tpu.memref_slice %arg6[%dma_wait3A, %dma_wait3A_51] : memref<128x16xf32, #tpu.memory_space<vmem>> -> memref<114x16xf32, #tpu.memory_space<vmem>>
      %dma_wait3A_53 = arith.constant 0 : i32
      %dma_wait3A_54 = tpu.memref_slice %arg8[%add3A_18, %dma_wait3A_53] : memref<10016x16xf32, #tpu.memory_space<vmem_shared>> -> memref<114x16xf32, #tpu.memory_space<vmem_shared>>
      %dma_wait3A_55 = arith.constant 0 : i32
      %dma_wait3A_56 = tpu.memref_slice %arg8[%add3A_18, %dma_wait3A_55] : memref<10016x16xf32, #tpu.memory_space<vmem_shared>> -> memref<114x16xf32, #tpu.memory_space<vmem_shared>>
      %dma_wait3A_57 = arith.constant 0 : i32
      %dma_wait3A_58 = arith.constant 0 : i32
      %dma_wait3A_59 = tpu.memref_slice %arg6[%dma_wait3A_57, %dma_wait3A_58] : memref<128x16xf32, #tpu.memory_space<vmem>> -> memref<114x16xf32, #tpu.memory_space<vmem>>
      tpu.wait_dma2 semaphore(%run_scoped3A : memref<!tpu.dma_semaphore, #tpu.memory_space<semaphore_mem>>) src(%dma_wait3A_59 : memref<114x16xf32, #tpu.memory_space<vmem>>) dst(%dma_wait3A_56 : memref<114x16xf32, #tpu.memory_space<vmem_shared>>)
      tpu.yield
    }) : () -> ()
    %barrier3A = arith.constant 0 : index
    tpu.barrier barrier_id(%barrier3A)
    %mul3A_19 = arith.constant 5376 : i32
    %mul3A_20 = arith.muli %add3A, %mul3A_19 : i32
    %scan3A_21 = arith.constant 0 : i32
    %scan3A_22 = arith.constant 0 : i32
    %mul3A_23 = arith.constant 42 : i32
    %mul3A_24 = arith.muli %add3A, %mul3A_23 : i32
    %mul3A_25 = arith.constant 42 : i32
    %mul3A_26 = arith.muli %scan3A_22, %mul3A_25 : i32
    %add3A_27 = arith.addi %mul3A_24, %mul3A_26 : i32
    "tpu.region"() ({
      %run_scoped3A = tpu.sem_alloc : memref<!tpu.dma_semaphore, #tpu.memory_space<semaphore_mem>>
      %dma_start3A = arith.constant 0 : i32
      %dma_start3A_42 = arith.constant 0 : i32
      %dma_start3A_43 = tpu.memref_slice %arg3[%add3A_27, %dma_start3A, %dma_start3A_42] : memref<1344x1x128xi32, #tpu.memory_space<hbm>> -> memref<42x1x128xi32, #tpu.memory_space<hbm>>
      %dma_start3A_44 = arith.constant 0 : i32
      %dma_start3A_45 = arith.constant 0 : i32
      %dma_start3A_46 = tpu.memref_slice %arg3[%add3A_27, %dma_start3A_44, %dma_start3A_45] : memref<1344x1x128xi32, #tpu.memory_space<hbm>> -> memref<42x1x128xi32, #tpu.memory_space<hbm>>
      tpu.enqueue_dma source(%dma_start3A_46 : memref<42x1x128xi32, #tpu.memory_space<hbm>>) target(%arg5 : memref<42x1x128xi32, #tpu.memory_space<vmem>>) target_semaphore(%run_scoped3A : memref<!tpu.dma_semaphore, #tpu.memory_space<semaphore_mem>>)
      %dma_wait3A = arith.constant 0 : i32
      %dma_wait3A_47 = arith.constant 0 : i32
      %dma_wait3A_48 = tpu.memref_slice %arg3[%add3A_27, %dma_wait3A, %dma_wait3A_47] : memref<1344x1x128xi32, #tpu.memory_space<hbm>> -> memref<42x1x128xi32, #tpu.memory_space<hbm>>
      %dma_wait3A_49 = arith.constant 0 : i32
      %dma_wait3A_50 = arith.constant 0 : i32
      %dma_wait3A_51 = tpu.memref_slice %arg3[%add3A_27, %dma_wait3A_49, %dma_wait3A_50] : memref<1344x1x128xi32, #tpu.memory_space<hbm>> -> memref<42x1x128xi32, #tpu.memory_space<hbm>>
      tpu.wait_dma2 semaphore(%run_scoped3A : memref<!tpu.dma_semaphore, #tpu.memory_space<semaphore_mem>>) src(%dma_wait3A_51 : memref<42x1x128xi32, #tpu.memory_space<hbm>>) dst(%arg5 : memref<42x1x128xi32, #tpu.memory_space<vmem>>)
      tpu.yield
    }) : () -> ()
    %scan3A_28 = arith.constant 0 : i32
    %scan3A_29 = arith.constant 0 : i32
    %scan3A_30 = arith.constant 21 : i32
    %scan3A_31 = arith.addi %scan3A_29, %scan3A_30 : i32
    %scan3A_32 = arith.constant 1 : i32
    %scan3A_33 = scf.for %scan3A_42 = %scan3A_29 to %scan3A_31 step %scan3A_32 iter_args(%scan3A_43 = %scan3A_28) -> (i32)  : i32 {
      %mul3A_44 = arith.constant 2 : i32
      %mul3A_45 = arith.muli %mul3A_44, %scan3A_42 : i32
      %add3A_46 = arith.constant 1 : i32
      %add3A_47 = arith.addi %mul3A_45, %add3A_46 : i32
      %mul3A_48 = arith.constant 42 : i32
      %mul3A_49 = arith.muli %scan3A_22, %mul3A_48 : i32
      %add3A_50 = arith.addi %mul3A_49, %mul3A_45 : i32
      %mul3A_51 = arith.constant 128 : i32
      %mul3A_52 = arith.muli %add3A_50, %mul3A_51 : i32
      %add3A_53 = arith.addi %mul3A_20, %mul3A_52 : i32
      %add3A_54 = arith.constant 128 : i32
      %add3A_55 = arith.addi %add3A_53, %add3A_54 : i32
      %dma_start3A = arith.constant 0 : i32
      %dma_start3A_56 = tpu.memref_slice %arg2[%add3A_53, %dma_start3A] : memref<172032x16xf32, #tpu.memory_space<hbm>> -> memref<128x16xf32, #tpu.memory_space<hbm>>
      %dma_start3A_57 = arith.constant 0 : i32
      %dma_start3A_58 = tpu.memref_slice %arg2[%add3A_53, %dma_start3A_57] : memref<172032x16xf32, #tpu.memory_space<hbm>> -> memref<128x16xf32, #tpu.memory_space<hbm>>
      tpu.enqueue_dma source(%dma_start3A_58 : memref<128x16xf32, #tpu.memory_space<hbm>>) target(%arg6 : memref<128x16xf32, #tpu.memory_space<vmem>>) target_semaphore(%arg9 : memref<!tpu.dma_semaphore, #tpu.memory_space<semaphore_mem>>)
      %dma_start3A_59 = arith.constant 0 : i32
      %dma_start3A_60 = tpu.memref_slice %arg2[%add3A_55, %dma_start3A_59] : memref<172032x16xf32, #tpu.memory_space<hbm>> -> memref<128x16xf32, #tpu.memory_space<hbm>>
      %dma_start3A_61 = arith.constant 0 : i32
      %dma_start3A_62 = tpu.memref_slice %arg2[%add3A_55, %dma_start3A_61] : memref<172032x16xf32, #tpu.memory_space<hbm>> -> memref<128x16xf32, #tpu.memory_space<hbm>>
      tpu.enqueue_dma source(%dma_start3A_62 : memref<128x16xf32, #tpu.memory_space<hbm>>) target(%arg7 : memref<128x16xf32, #tpu.memory_space<vmem>>) target_semaphore(%arg10 : memref<!tpu.dma_semaphore, #tpu.memory_space<semaphore_mem>>)
      %dma_wait3A = arith.constant 0 : i32
      %dma_wait3A_63 = tpu.memref_slice %arg2[%add3A_53, %dma_wait3A] : memref<172032x16xf32, #tpu.memory_space<hbm>> -> memref<128x16xf32, #tpu.memory_space<hbm>>
      %dma_wait3A_64 = arith.constant 0 : i32
      %dma_wait3A_65 = tpu.memref_slice %arg2[%add3A_53, %dma_wait3A_64] : memref<172032x16xf32, #tpu.memory_space<hbm>> -> memref<128x16xf32, #tpu.memory_space<hbm>>
      tpu.wait_dma2 semaphore(%arg9 : memref<!tpu.dma_semaphore, #tpu.memory_space<semaphore_mem>>) src(%dma_wait3A_65 : memref<128x16xf32, #tpu.memory_space<hbm>>) dst(%arg6 : memref<128x16xf32, #tpu.memory_space<vmem>>)
      %dma_start3A_66 = arith.constant 0 : i32
      %dma_start3A_67 = arith.constant 0 : i32
      %dma_start3A_68 = tpu.memref_slice %arg5[%mul3A_45, %dma_start3A_66, %dma_start3A_67] : memref<42x1x128xi32, #tpu.memory_space<vmem>> -> memref<1x1x128xi32, #tpu.memory_space<vmem>>
      %dma_start3A_69 = tpu.memref_squeeze %dma_start3A_68 : memref<1x1x128xi32, #tpu.memory_space<vmem>> -> memref<128xi32, #tpu.memory_space<vmem>>
      %dma_start3A_70 = arith.constant 0 : i32
      %dma_start3A_71 = arith.constant 0 : i32
      %dma_start3A_72 = tpu.memref_slice %arg8[%dma_start3A_70, %dma_start3A_71] : memref<10016x16xf32, #tpu.memory_space<vmem_shared>> -> memref<10016x16xf32, #tpu.memory_space<vmem_shared>>
      tpu.enqueue_indirect_dma source(%arg6 : memref<128x16xf32, #tpu.memory_space<vmem>>) target(%dma_start3A_72 : memref<10016x16xf32, #tpu.memory_space<vmem_shared>>) offsets(%dma_start3A_69 : memref<128xi32, #tpu.memory_space<vmem>>) semaphore(%arg11 : memref<!tpu.dma_semaphore, #tpu.memory_space<semaphore_mem>>) {add = true}
      %dma_wait3A_73 = arith.constant 0 : i32
      %dma_wait3A_74 = tpu.memref_slice %arg2[%add3A_55, %dma_wait3A_73] : memref<172032x16xf32, #tpu.memory_space<hbm>> -> memref<128x16xf32, #tpu.memory_space<hbm>>
      %dma_wait3A_75 = arith.constant 0 : i32
      %dma_wait3A_76 = tpu.memref_slice %arg2[%add3A_55, %dma_wait3A_75] : memref<172032x16xf32, #tpu.memory_space<hbm>> -> memref<128x16xf32, #tpu.memory_space<hbm>>
      tpu.wait_dma2 semaphore(%arg10 : memref<!tpu.dma_semaphore, #tpu.memory_space<semaphore_mem>>) src(%dma_wait3A_76 : memref<128x16xf32, #tpu.memory_space<hbm>>) dst(%arg7 : memref<128x16xf32, #tpu.memory_space<vmem>>)
      %dma_start3A_77 = arith.constant 0 : i32
      %dma_start3A_78 = arith.constant 0 : i32
      %dma_start3A_79 = tpu.memref_slice %arg5[%add3A_47, %dma_start3A_77, %dma_start3A_78] : memref<42x1x128xi32, #tpu.memory_space<vmem>> -> memref<1x1x128xi32, #tpu.memory_space<vmem>>
      %dma_start3A_80 = tpu.memref_squeeze %dma_start3A_79 : memref<1x1x128xi32, #tpu.memory_space<vmem>> -> memref<128xi32, #tpu.memory_space<vmem>>
      %dma_start3A_81 = arith.constant 0 : i32
      %dma_start3A_82 = arith.constant 0 : i32
      %dma_start3A_83 = tpu.memref_slice %arg8[%dma_start3A_81, %dma_start3A_82] : memref<10016x16xf32, #tpu.memory_space<vmem_shared>> -> memref<10016x16xf32, #tpu.memory_space<vmem_shared>>
      tpu.enqueue_indirect_dma source(%arg7 : memref<128x16xf32, #tpu.memory_space<vmem>>) target(%dma_start3A_83 : memref<10016x16xf32, #tpu.memory_space<vmem_shared>>) offsets(%dma_start3A_80 : memref<128xi32, #tpu.memory_space<vmem>>) semaphore(%arg12 : memref<!tpu.dma_semaphore, #tpu.memory_space<semaphore_mem>>) {add = true}
      %dma_wait3A_84 = arith.constant 0 : i32
      %dma_wait3A_85 = arith.constant 0 : i32
      %dma_wait3A_86 = tpu.memref_slice %arg5[%mul3A_45, %dma_wait3A_84, %dma_wait3A_85] : memref<42x1x128xi32, #tpu.memory_space<vmem>> -> memref<1x1x128xi32, #tpu.memory_space<vmem>>
      %dma_wait3A_87 = tpu.memref_squeeze %dma_wait3A_86 : memref<1x1x128xi32, #tpu.memory_space<vmem>> -> memref<128xi32, #tpu.memory_space<vmem>>
      %dma_wait3A_88 = arith.constant 0 : i32
      %dma_wait3A_89 = arith.constant 0 : i32
      %dma_wait3A_90 = tpu.memref_slice %arg8[%dma_wait3A_88, %dma_wait3A_89] : memref<10016x16xf32, #tpu.memory_space<vmem_shared>> -> memref<10016x16xf32, #tpu.memory_space<vmem_shared>>
      tpu.wait_indirect_dma semaphore(%arg11 : memref<!tpu.dma_semaphore, #tpu.memory_space<semaphore_mem>>) src(%arg6 : memref<128x16xf32, #tpu.memory_space<vmem>>) dst(%dma_wait3A_90 : memref<10016x16xf32, #tpu.memory_space<vmem_shared>>)
      %dma_wait3A_91 = arith.constant 0 : i32
      %dma_wait3A_92 = arith.constant 0 : i32
      %dma_wait3A_93 = tpu.memref_slice %arg5[%add3A_47, %dma_wait3A_91, %dma_wait3A_92] : memref<42x1x128xi32, #tpu.memory_space<vmem>> -> memref<1x1x128xi32, #tpu.memory_space<vmem>>
      %dma_wait3A_94 = tpu.memref_squeeze %dma_wait3A_93 : memref<1x1x128xi32, #tpu.memory_space<vmem>> -> memref<128xi32, #tpu.memory_space<vmem>>
      %dma_wait3A_95 = arith.constant 0 : i32
      %dma_wait3A_96 = arith.constant 0 : i32
      %dma_wait3A_97 = tpu.memref_slice %arg8[%dma_wait3A_95, %dma_wait3A_96] : memref<10016x16xf32, #tpu.memory_space<vmem_shared>> -> memref<10016x16xf32, #tpu.memory_space<vmem_shared>>
      tpu.wait_indirect_dma semaphore(%arg12 : memref<!tpu.dma_semaphore, #tpu.memory_space<semaphore_mem>>) src(%arg7 : memref<128x16xf32, #tpu.memory_space<vmem>>) dst(%dma_wait3A_97 : memref<10016x16xf32, #tpu.memory_space<vmem_shared>>)
      %scan3A_98 = arith.constant 0 : i32
      scf.yield %scan3A_98 : i32
    }
    %scan3A_34 = arith.constant 21 : i32
    %scan3A_35 = arith.constant 0 : i32
    %scan3A_36 = arith.constant 1 : i32
    %barrier3A_37 = arith.constant 0 : index
    tpu.barrier barrier_id(%barrier3A_37)
    %mul3A_38 = arith.constant 626 : i32
    %mul3A_39 = arith.muli %arg1, %mul3A_38 : i32
    %mul3A_40 = arith.constant 626 : i32
    %mul3A_41 = arith.muli %arg1, %mul3A_40 : i32
    "tpu.region"() ({
      %run_scoped3A = tpu.sem_alloc : memref<!tpu.dma_semaphore, #tpu.memory_space<semaphore_mem>>
      %dma_start3A = arith.constant 0 : i32
      %dma_start3A_42 = tpu.memref_slice %arg4[%arg0, %mul3A_41, %dma_start3A] : memref<2x10016x16xf32, #tpu.memory_space<hbm>> -> memref<1x626x16xf32, #tpu.memory_space<hbm>>
      %dma_start3A_43 = tpu.memref_squeeze %dma_start3A_42 : memref<1x626x16xf32, #tpu.memory_space<hbm>> -> memref<626x16xf32, #tpu.memory_space<hbm>>
      %dma_start3A_44 = arith.constant 0 : i32
      %dma_start3A_45 = tpu.memref_slice %arg8[%mul3A_39, %dma_start3A_44] : memref<10016x16xf32, #tpu.memory_space<vmem_shared>> -> memref<626x16xf32, #tpu.memory_space<vmem_shared>>
      tpu.enqueue_dma source(%dma_start3A_45 : memref<626x16xf32, #tpu.memory_space<vmem_shared>>) target(%dma_start3A_43 : memref<626x16xf32, #tpu.memory_space<hbm>>) target_semaphore(%run_scoped3A : memref<!tpu.dma_semaphore, #tpu.memory_space<semaphore_mem>>)
      %dma_wait3A = arith.constant 0 : i32
      %dma_wait3A_46 = tpu.memref_slice %arg4[%arg0, %mul3A_41, %dma_wait3A] : memref<2x10016x16xf32, #tpu.memory_space<hbm>> -> memref<1x626x16xf32, #tpu.memory_space<hbm>>
      %dma_wait3A_47 = tpu.memref_squeeze %dma_wait3A_46 : memref<1x626x16xf32, #tpu.memory_space<hbm>> -> memref<626x16xf32, #tpu.memory_space<hbm>>
      %dma_wait3A_48 = arith.constant 0 : i32
      %dma_wait3A_49 = tpu.memref_slice %arg8[%mul3A_39, %dma_wait3A_48] : memref<10016x16xf32, #tpu.memory_space<vmem_shared>> -> memref<626x16xf32, #tpu.memory_space<vmem_shared>>
      tpu.wait_dma2 semaphore(%run_scoped3A : memref<!tpu.dma_semaphore, #tpu.memory_space<semaphore_mem>>) src(%dma_wait3A_49 : memref<626x16xf32, #tpu.memory_space<vmem_shared>>) dst(%dma_wait3A_47 : memref<626x16xf32, #tpu.memory_space<hbm>>)
      tpu.yield
    }) : () -> ()
    return
  }
}

#map = affine_map<(d0, d1) -> (0, 0)>
#map1 = affine_map<(d0, d1) -> (0, 0, 0)>
module attributes {stable_mosaic.version = 14 : i64} {
  func.func @body(%arg0: i32, %arg1: i32, %arg2: memref<10000x192xf32, #tpu.memory_space<hbm>>, %arg3: memref<672x1x256xi32, #tpu.memory_space<hbm>>, %arg4: memref<672x1x256xi32, #tpu.memory_space<hbm>>, %arg5: memref<172032x192xf32, #tpu.memory_space<hbm>>, %arg6: memref<172032x192xf32, #tpu.memory_space<hbm>>, %arg7: memref<21x1x256xi32, #tpu.memory_space<vmem>>, %arg8: memref<21x1x256xi32, #tpu.memory_space<vmem>>, %arg9: memref<256x192xf32, #tpu.memory_space<vmem>>, %arg10: memref<256x192xf32, #tpu.memory_space<vmem>>, %arg11: memref<!tpu.dma_semaphore, #tpu.memory_space<semaphore_mem>>, %arg12: memref<!tpu.dma_semaphore, #tpu.memory_space<semaphore_mem>>, %arg13: memref<!tpu.dma_semaphore, #tpu.memory_space<semaphore_mem>>, %arg14: memref<!tpu.dma_semaphore, #tpu.memory_space<semaphore_mem>>) attributes {dimension_semantics = [#tpu.dimension_semantics<core_parallel>, #tpu.dimension_semantics<subcore_parallel>], iteration_bounds = array<i64: 2, 16>, scalar_prefetch = 0 : i64, scratch_operands = 8 : i64, tpu.core_type = #tpu.core_type<sc_vector_subcore>, window_params = [{transform_indices = #map}, {transform_indices = #map1}, {transform_indices = #map1}, {transform_indices = #map}, {transform_indices = #map}]} {
    %mul3A = arith.constant 2 : i32
    %mul3A_0 = arith.muli %arg1, %mul3A : i32
    %add3A = arith.addi %mul3A_0, %arg0 : i32
    %mul3A_1 = arith.constant 5376 : i32
    %mul3A_2 = arith.muli %add3A, %mul3A_1 : i32
    %mul3A_3 = arith.constant 21 : i32
    %mul3A_4 = arith.muli %add3A, %mul3A_3 : i32
    "tpu.region"() ({
      %run_scoped3A = tpu.sem_alloc : memref<!tpu.dma_semaphore, #tpu.memory_space<semaphore_mem>>
      %dma_start3A = arith.constant 0 : i32
      %dma_start3A_13 = arith.constant 0 : i32
      %dma_start3A_14 = tpu.memref_slice %arg3[%mul3A_4, %dma_start3A, %dma_start3A_13] : memref<672x1x256xi32, #tpu.memory_space<hbm>> -> memref<21x1x256xi32, #tpu.memory_space<hbm>>
      %dma_start3A_15 = arith.constant 0 : i32
      %dma_start3A_16 = arith.constant 0 : i32
      %dma_start3A_17 = tpu.memref_slice %arg3[%mul3A_4, %dma_start3A_15, %dma_start3A_16] : memref<672x1x256xi32, #tpu.memory_space<hbm>> -> memref<21x1x256xi32, #tpu.memory_space<hbm>>
      tpu.enqueue_dma source(%dma_start3A_17 : memref<21x1x256xi32, #tpu.memory_space<hbm>>) target(%arg7 : memref<21x1x256xi32, #tpu.memory_space<vmem>>) target_semaphore(%run_scoped3A : memref<!tpu.dma_semaphore, #tpu.memory_space<semaphore_mem>>)
      %dma_wait3A = arith.constant 0 : i32
      %dma_wait3A_18 = arith.constant 0 : i32
      %dma_wait3A_19 = tpu.memref_slice %arg3[%mul3A_4, %dma_wait3A, %dma_wait3A_18] : memref<672x1x256xi32, #tpu.memory_space<hbm>> -> memref<21x1x256xi32, #tpu.memory_space<hbm>>
      %dma_wait3A_20 = arith.constant 0 : i32
      %dma_wait3A_21 = arith.constant 0 : i32
      %dma_wait3A_22 = tpu.memref_slice %arg3[%mul3A_4, %dma_wait3A_20, %dma_wait3A_21] : memref<672x1x256xi32, #tpu.memory_space<hbm>> -> memref<21x1x256xi32, #tpu.memory_space<hbm>>
      tpu.wait_dma2 semaphore(%run_scoped3A : memref<!tpu.dma_semaphore, #tpu.memory_space<semaphore_mem>>) src(%dma_wait3A_22 : memref<21x1x256xi32, #tpu.memory_space<hbm>>) dst(%arg7 : memref<21x1x256xi32, #tpu.memory_space<vmem>>)
      tpu.yield
    }) : () -> ()
    %mul3A_5 = arith.constant 21 : i32
    %mul3A_6 = arith.muli %add3A, %mul3A_5 : i32
    "tpu.region"() ({
      %run_scoped3A = tpu.sem_alloc : memref<!tpu.dma_semaphore, #tpu.memory_space<semaphore_mem>>
      %dma_start3A = arith.constant 0 : i32
      %dma_start3A_13 = arith.constant 0 : i32
      %dma_start3A_14 = tpu.memref_slice %arg4[%mul3A_6, %dma_start3A, %dma_start3A_13] : memref<672x1x256xi32, #tpu.memory_space<hbm>> -> memref<21x1x256xi32, #tpu.memory_space<hbm>>
      %dma_start3A_15 = arith.constant 0 : i32
      %dma_start3A_16 = arith.constant 0 : i32
      %dma_start3A_17 = tpu.memref_slice %arg4[%mul3A_6, %dma_start3A_15, %dma_start3A_16] : memref<672x1x256xi32, #tpu.memory_space<hbm>> -> memref<21x1x256xi32, #tpu.memory_space<hbm>>
      tpu.enqueue_dma source(%dma_start3A_17 : memref<21x1x256xi32, #tpu.memory_space<hbm>>) target(%arg8 : memref<21x1x256xi32, #tpu.memory_space<vmem>>) target_semaphore(%run_scoped3A : memref<!tpu.dma_semaphore, #tpu.memory_space<semaphore_mem>>)
      %dma_wait3A = arith.constant 0 : i32
      %dma_wait3A_18 = arith.constant 0 : i32
      %dma_wait3A_19 = tpu.memref_slice %arg4[%mul3A_6, %dma_wait3A, %dma_wait3A_18] : memref<672x1x256xi32, #tpu.memory_space<hbm>> -> memref<21x1x256xi32, #tpu.memory_space<hbm>>
      %dma_wait3A_20 = arith.constant 0 : i32
      %dma_wait3A_21 = arith.constant 0 : i32
      %dma_wait3A_22 = tpu.memref_slice %arg4[%mul3A_6, %dma_wait3A_20, %dma_wait3A_21] : memref<672x1x256xi32, #tpu.memory_space<hbm>> -> memref<21x1x256xi32, #tpu.memory_space<hbm>>
      tpu.wait_dma2 semaphore(%run_scoped3A : memref<!tpu.dma_semaphore, #tpu.memory_space<semaphore_mem>>) src(%dma_wait3A_22 : memref<21x1x256xi32, #tpu.memory_space<hbm>>) dst(%arg8 : memref<21x1x256xi32, #tpu.memory_space<vmem>>)
      tpu.yield
    }) : () -> ()
    %scan3A = arith.constant 0 : i32
    %scan3A_7 = arith.constant 0 : i32
    %scan3A_8 = arith.constant 21 : i32
    %scan3A_9 = arith.addi %scan3A_7, %scan3A_8 : i32
    %scan3A_10 = arith.constant 1 : i32
    %scan3A_11 = scf.for %scan3A_13 = %scan3A_7 to %scan3A_9 step %scan3A_10 iter_args(%scan3A_14 = %scan3A) -> (i32)  : i32 {
      %mul3A_15 = arith.constant 256 : i32
      %mul3A_16 = arith.muli %scan3A_13, %mul3A_15 : i32
      %add3A_17 = arith.addi %mul3A_2, %mul3A_16 : i32
      %dma_start3A = arith.constant 0 : i32
      %dma_start3A_18 = arith.constant 0 : i32
      %dma_start3A_19 = tpu.memref_slice %arg7[%scan3A_13, %dma_start3A, %dma_start3A_18] : memref<21x1x256xi32, #tpu.memory_space<vmem>> -> memref<1x1x256xi32, #tpu.memory_space<vmem>>
      %dma_start3A_20 = tpu.memref_squeeze %dma_start3A_19 : memref<1x1x256xi32, #tpu.memory_space<vmem>> -> memref<256xi32, #tpu.memory_space<vmem>>
      %dma_start3A_21 = arith.constant 0 : i32
      %dma_start3A_22 = arith.constant 0 : i32
      %dma_start3A_23 = tpu.memref_slice %arg2[%dma_start3A_21, %dma_start3A_22] : memref<10000x192xf32, #tpu.memory_space<hbm>> -> memref<10000x192xf32, #tpu.memory_space<hbm>>
      tpu.enqueue_indirect_dma source(%dma_start3A_23 : memref<10000x192xf32, #tpu.memory_space<hbm>>) target(%arg9 : memref<256x192xf32, #tpu.memory_space<vmem>>) offsets(%dma_start3A_20 : memref<256xi32, #tpu.memory_space<vmem>>) semaphore(%arg11 : memref<!tpu.dma_semaphore, #tpu.memory_space<semaphore_mem>>)
      %dma_start3A_24 = arith.constant 0 : i32
      %dma_start3A_25 = arith.constant 0 : i32
      %dma_start3A_26 = tpu.memref_slice %arg8[%scan3A_13, %dma_start3A_24, %dma_start3A_25] : memref<21x1x256xi32, #tpu.memory_space<vmem>> -> memref<1x1x256xi32, #tpu.memory_space<vmem>>
      %dma_start3A_27 = tpu.memref_squeeze %dma_start3A_26 : memref<1x1x256xi32, #tpu.memory_space<vmem>> -> memref<256xi32, #tpu.memory_space<vmem>>
      %dma_start3A_28 = arith.constant 0 : i32
      %dma_start3A_29 = arith.constant 0 : i32
      %dma_start3A_30 = tpu.memref_slice %arg2[%dma_start3A_28, %dma_start3A_29] : memref<10000x192xf32, #tpu.memory_space<hbm>> -> memref<10000x192xf32, #tpu.memory_space<hbm>>
      tpu.enqueue_indirect_dma source(%dma_start3A_30 : memref<10000x192xf32, #tpu.memory_space<hbm>>) target(%arg10 : memref<256x192xf32, #tpu.memory_space<vmem>>) offsets(%dma_start3A_27 : memref<256xi32, #tpu.memory_space<vmem>>) semaphore(%arg12 : memref<!tpu.dma_semaphore, #tpu.memory_space<semaphore_mem>>)
      %dma_wait3A = arith.constant 0 : i32
      %dma_wait3A_31 = arith.constant 0 : i32
      %dma_wait3A_32 = tpu.memref_slice %arg7[%scan3A_13, %dma_wait3A, %dma_wait3A_31] : memref<21x1x256xi32, #tpu.memory_space<vmem>> -> memref<1x1x256xi32, #tpu.memory_space<vmem>>
      %dma_wait3A_33 = tpu.memref_squeeze %dma_wait3A_32 : memref<1x1x256xi32, #tpu.memory_space<vmem>> -> memref<256xi32, #tpu.memory_space<vmem>>
      %dma_wait3A_34 = arith.constant 0 : i32
      %dma_wait3A_35 = arith.constant 0 : i32
      %dma_wait3A_36 = tpu.memref_slice %arg2[%dma_wait3A_34, %dma_wait3A_35] : memref<10000x192xf32, #tpu.memory_space<hbm>> -> memref<10000x192xf32, #tpu.memory_space<hbm>>
      tpu.wait_indirect_dma semaphore(%arg11 : memref<!tpu.dma_semaphore, #tpu.memory_space<semaphore_mem>>) src(%dma_wait3A_36 : memref<10000x192xf32, #tpu.memory_space<hbm>>) dst(%arg9 : memref<256x192xf32, #tpu.memory_space<vmem>>)
      %dma_start3A_37 = arith.constant 0 : i32
      %dma_start3A_38 = tpu.memref_slice %arg5[%add3A_17, %dma_start3A_37] : memref<172032x192xf32, #tpu.memory_space<hbm>> -> memref<256x192xf32, #tpu.memory_space<hbm>>
      %dma_start3A_39 = arith.constant 0 : i32
      %dma_start3A_40 = tpu.memref_slice %arg5[%add3A_17, %dma_start3A_39] : memref<172032x192xf32, #tpu.memory_space<hbm>> -> memref<256x192xf32, #tpu.memory_space<hbm>>
      tpu.enqueue_dma source(%arg9 : memref<256x192xf32, #tpu.memory_space<vmem>>) target(%dma_start3A_40 : memref<256x192xf32, #tpu.memory_space<hbm>>) target_semaphore(%arg13 : memref<!tpu.dma_semaphore, #tpu.memory_space<semaphore_mem>>)
      %dma_wait3A_41 = arith.constant 0 : i32
      %dma_wait3A_42 = arith.constant 0 : i32
      %dma_wait3A_43 = tpu.memref_slice %arg8[%scan3A_13, %dma_wait3A_41, %dma_wait3A_42] : memref<21x1x256xi32, #tpu.memory_space<vmem>> -> memref<1x1x256xi32, #tpu.memory_space<vmem>>
      %dma_wait3A_44 = tpu.memref_squeeze %dma_wait3A_43 : memref<1x1x256xi32, #tpu.memory_space<vmem>> -> memref<256xi32, #tpu.memory_space<vmem>>
      %dma_wait3A_45 = arith.constant 0 : i32
      %dma_wait3A_46 = arith.constant 0 : i32
      %dma_wait3A_47 = tpu.memref_slice %arg2[%dma_wait3A_45, %dma_wait3A_46] : memref<10000x192xf32, #tpu.memory_space<hbm>> -> memref<10000x192xf32, #tpu.memory_space<hbm>>
      tpu.wait_indirect_dma semaphore(%arg12 : memref<!tpu.dma_semaphore, #tpu.memory_space<semaphore_mem>>) src(%dma_wait3A_47 : memref<10000x192xf32, #tpu.memory_space<hbm>>) dst(%arg10 : memref<256x192xf32, #tpu.memory_space<vmem>>)
      %dma_start3A_48 = arith.constant 0 : i32
      %dma_start3A_49 = tpu.memref_slice %arg6[%add3A_17, %dma_start3A_48] : memref<172032x192xf32, #tpu.memory_space<hbm>> -> memref<256x192xf32, #tpu.memory_space<hbm>>
      %dma_start3A_50 = arith.constant 0 : i32
      %dma_start3A_51 = tpu.memref_slice %arg6[%add3A_17, %dma_start3A_50] : memref<172032x192xf32, #tpu.memory_space<hbm>> -> memref<256x192xf32, #tpu.memory_space<hbm>>
      tpu.enqueue_dma source(%arg10 : memref<256x192xf32, #tpu.memory_space<vmem>>) target(%dma_start3A_51 : memref<256x192xf32, #tpu.memory_space<hbm>>) target_semaphore(%arg14 : memref<!tpu.dma_semaphore, #tpu.memory_space<semaphore_mem>>)
      %dma_wait3A_52 = arith.constant 0 : i32
      %dma_wait3A_53 = tpu.memref_slice %arg5[%add3A_17, %dma_wait3A_52] : memref<172032x192xf32, #tpu.memory_space<hbm>> -> memref<256x192xf32, #tpu.memory_space<hbm>>
      %dma_wait3A_54 = arith.constant 0 : i32
      %dma_wait3A_55 = tpu.memref_slice %arg5[%add3A_17, %dma_wait3A_54] : memref<172032x192xf32, #tpu.memory_space<hbm>> -> memref<256x192xf32, #tpu.memory_space<hbm>>
      tpu.wait_dma2 semaphore(%arg13 : memref<!tpu.dma_semaphore, #tpu.memory_space<semaphore_mem>>) src(%arg9 : memref<256x192xf32, #tpu.memory_space<vmem>>) dst(%dma_wait3A_55 : memref<256x192xf32, #tpu.memory_space<hbm>>)
      %dma_wait3A_56 = arith.constant 0 : i32
      %dma_wait3A_57 = tpu.memref_slice %arg6[%add3A_17, %dma_wait3A_56] : memref<172032x192xf32, #tpu.memory_space<hbm>> -> memref<256x192xf32, #tpu.memory_space<hbm>>
      %dma_wait3A_58 = arith.constant 0 : i32
      %dma_wait3A_59 = tpu.memref_slice %arg6[%add3A_17, %dma_wait3A_58] : memref<172032x192xf32, #tpu.memory_space<hbm>> -> memref<256x192xf32, #tpu.memory_space<hbm>>
      tpu.wait_dma2 semaphore(%arg14 : memref<!tpu.dma_semaphore, #tpu.memory_space<semaphore_mem>>) src(%arg10 : memref<256x192xf32, #tpu.memory_space<vmem>>) dst(%dma_wait3A_59 : memref<256x192xf32, #tpu.memory_space<hbm>>)
      %scan3A_60 = arith.constant 0 : i32
      scf.yield %scan3A_60 : i32
    }
    %scan3A_12 = arith.constant 21 : i32
    return
  }
}

#map = affine_map<(d0, d1) -> (0, 0)>
#map1 = affine_map<(d0, d1) -> (0, 0, 0)>
module attributes {stable_mosaic.version = 14 : i64} {
  func.func @body(%arg0: i32, %arg1: i32, %arg2: memref<172032x192xf32, #tpu.memory_space<hbm>>, %arg3: memref<7168x1x24xi32, #tpu.memory_space<hbm>>, %arg4: memref<2x10016x192xf32, #tpu.memory_space<hbm>>, %arg5: memref<8x1x24xi32, #tpu.memory_space<vmem>>, %arg6: memref<24x192xf32, #tpu.memory_space<vmem>>, %arg7: memref<24x192xf32, #tpu.memory_space<vmem>>, %arg8: memref<10016x192xf32, #tpu.memory_space<vmem_shared>>, %arg9: memref<!tpu.dma_semaphore, #tpu.memory_space<semaphore_mem>>, %arg10: memref<!tpu.dma_semaphore, #tpu.memory_space<semaphore_mem>>, %arg11: memref<!tpu.dma_semaphore, #tpu.memory_space<semaphore_mem>>, %arg12: memref<!tpu.dma_semaphore, #tpu.memory_space<semaphore_mem>>) attributes {dimension_semantics = [#tpu.dimension_semantics<core_parallel>, #tpu.dimension_semantics<subcore_parallel>], iteration_bounds = array<i64: 2, 16>, scalar_prefetch = 0 : i64, scratch_operands = 8 : i64, tpu.core_type = #tpu.core_type<sc_vector_subcore>, window_params = [{transform_indices = #map}, {transform_indices = #map1}, {transform_indices = #map1}]} {
    %mul3A = arith.constant 2 : i32
    %mul3A_0 = arith.muli %arg1, %mul3A : i32
    %add3A = arith.addi %mul3A_0, %arg0 : i32
    %broadcast_in_dim3A = arith.constant 0.000000e+00 : f32
    %broadcast_in_dim3A_1 = vector.broadcast %broadcast_in_dim3A : f32 to vector<16xf32>
    %scan3A = arith.constant 0 : i32
    %scan3A_2 = arith.constant 0 : i32
    %scan3A_3 = arith.constant 24 : i32
    %scan3A_4 = arith.addi %scan3A_2, %scan3A_3 : i32
    %scan3A_5 = arith.constant 1 : i32
    %scan3A_6 = scf.for %scan3A_33 = %scan3A_2 to %scan3A_4 step %scan3A_5 iter_args(%scan3A_34 = %scan3A) -> (i32)  : i32 {
      %swap3A = arith.index_cast %scan3A_33 : i32 to index
      %swap3A_35 = arith.constant 0 : index
      %swap3A_36 = tpu.vector_load %arg6[%swap3A, %swap3A_35] {strides = array<i32>} : memref<24x192xf32, #tpu.memory_space<vmem>>, vector<1x16xf32>,
      %swap3A_37 = vector.shape_cast %swap3A_36 : vector<1x16xf32> to vector<16xf32>
      %swap3A_38 = vector.shape_cast %broadcast_in_dim3A_1 : vector<16xf32> to vector<1x16xf32>
      tpu.vector_store %arg6[%swap3A, %swap3A_35], %swap3A_38 {strides = array<i32>} : memref<24x192xf32, #tpu.memory_space<vmem>>, vector<1x16xf32>,
      %swap3A_39 = arith.index_cast %scan3A_33 : i32 to index
      %swap3A_40 = arith.constant 16 : index
      %swap3A_41 = tpu.vector_load %arg6[%swap3A_39, %swap3A_40] {strides = array<i32>} : memref<24x192xf32, #tpu.memory_space<vmem>>, vector<1x16xf32>,
      %swap3A_42 = vector.shape_cast %swap3A_41 : vector<1x16xf32> to vector<16xf32>
      %swap3A_43 = vector.shape_cast %broadcast_in_dim3A_1 : vector<16xf32> to vector<1x16xf32>
      tpu.vector_store %arg6[%swap3A_39, %swap3A_40], %swap3A_43 {strides = array<i32>} : memref<24x192xf32, #tpu.memory_space<vmem>>, vector<1x16xf32>,
      %swap3A_44 = arith.index_cast %scan3A_33 : i32 to index
      %swap3A_45 = arith.constant 32 : index
      %swap3A_46 = tpu.vector_load %arg6[%swap3A_44, %swap3A_45] {strides = array<i32>} : memref<24x192xf32, #tpu.memory_space<vmem>>, vector<1x16xf32>,
      %swap3A_47 = vector.shape_cast %swap3A_46 : vector<1x16xf32> to vector<16xf32>
      %swap3A_48 = vector.shape_cast %broadcast_in_dim3A_1 : vector<16xf32> to vector<1x16xf32>
      tpu.vector_store %arg6[%swap3A_44, %swap3A_45], %swap3A_48 {strides = array<i32>} : memref<24x192xf32, #tpu.memory_space<vmem>>, vector<1x16xf32>,
      %swap3A_49 = arith.index_cast %scan3A_33 : i32 to index
      %swap3A_50 = arith.constant 48 : index
      %swap3A_51 = tpu.vector_load %arg6[%swap3A_49, %swap3A_50] {strides = array<i32>} : memref<24x192xf32, #tpu.memory_space<vmem>>, vector<1x16xf32>,
      %swap3A_52 = vector.shape_cast %swap3A_51 : vector<1x16xf32> to vector<16xf32>
      %swap3A_53 = vector.shape_cast %broadcast_in_dim3A_1 : vector<16xf32> to vector<1x16xf32>
      tpu.vector_store %arg6[%swap3A_49, %swap3A_50], %swap3A_53 {strides = array<i32>} : memref<24x192xf32, #tpu.memory_space<vmem>>, vector<1x16xf32>,
      %swap3A_54 = arith.index_cast %scan3A_33 : i32 to index
      %swap3A_55 = arith.constant 64 : index
      %swap3A_56 = tpu.vector_load %arg6[%swap3A_54, %swap3A_55] {strides = array<i32>} : memref<24x192xf32, #tpu.memory_space<vmem>>, vector<1x16xf32>,
      %swap3A_57 = vector.shape_cast %swap3A_56 : vector<1x16xf32> to vector<16xf32>
      %swap3A_58 = vector.shape_cast %broadcast_in_dim3A_1 : vector<16xf32> to vector<1x16xf32>
      tpu.vector_store %arg6[%swap3A_54, %swap3A_55], %swap3A_58 {strides = array<i32>} : memref<24x192xf32, #tpu.memory_space<vmem>>, vector<1x16xf32>,
      %swap3A_59 = arith.index_cast %scan3A_33 : i32 to index
      %swap3A_60 = arith.constant 80 : index
      %swap3A_61 = tpu.vector_load %arg6[%swap3A_59, %swap3A_60] {strides = array<i32>} : memref<24x192xf32, #tpu.memory_space<vmem>>, vector<1x16xf32>,
      %swap3A_62 = vector.shape_cast %swap3A_61 : vector<1x16xf32> to vector<16xf32>
      %swap3A_63 = vector.shape_cast %broadcast_in_dim3A_1 : vector<16xf32> to vector<1x16xf32>
      tpu.vector_store %arg6[%swap3A_59, %swap3A_60], %swap3A_63 {strides = array<i32>} : memref<24x192xf32, #tpu.memory_space<vmem>>, vector<1x16xf32>,
      %swap3A_64 = arith.index_cast %scan3A_33 : i32 to index
      %swap3A_65 = arith.constant 96 : index
      %swap3A_66 = tpu.vector_load %arg6[%swap3A_64, %swap3A_65] {strides = array<i32>} : memref<24x192xf32, #tpu.memory_space<vmem>>, vector<1x16xf32>,
      %swap3A_67 = vector.shape_cast %swap3A_66 : vector<1x16xf32> to vector<16xf32>
      %swap3A_68 = vector.shape_cast %broadcast_in_dim3A_1 : vector<16xf32> to vector<1x16xf32>
      tpu.vector_store %arg6[%swap3A_64, %swap3A_65], %swap3A_68 {strides = array<i32>} : memref<24x192xf32, #tpu.memory_space<vmem>>, vector<1x16xf32>,
      %swap3A_69 = arith.index_cast %scan3A_33 : i32 to index
      %swap3A_70 = arith.constant 112 : index
      %swap3A_71 = tpu.vector_load %arg6[%swap3A_69, %swap3A_70] {strides = array<i32>} : memref<24x192xf32, #tpu.memory_space<vmem>>, vector<1x16xf32>,
      %swap3A_72 = vector.shape_cast %swap3A_71 : vector<1x16xf32> to vector<16xf32>
      %swap3A_73 = vector.shape_cast %broadcast_in_dim3A_1 : vector<16xf32> to vector<1x16xf32>
      tpu.vector_store %arg6[%swap3A_69, %swap3A_70], %swap3A_73 {strides = array<i32>} : memref<24x192xf32, #tpu.memory_space<vmem>>, vector<1x16xf32>,
      %swap3A_74 = arith.index_cast %scan3A_33 : i32 to index
      %swap3A_75 = arith.constant 128 : index
      %swap3A_76 = tpu.vector_load %arg6[%swap3A_74, %swap3A_75] {strides = array<i32>} : memref<24x192xf32, #tpu.memory_space<vmem>>, vector<1x16xf32>,
      %swap3A_77 = vector.shape_cast %swap3A_76 : vector<1x16xf32> to vector<16xf32>
      %swap3A_78 = vector.shape_cast %broadcast_in_dim3A_1 : vector<16xf32> to vector<1x16xf32>
      tpu.vector_store %arg6[%swap3A_74, %swap3A_75], %swap3A_78 {strides = array<i32>} : memref<24x192xf32, #tpu.memory_space<vmem>>, vector<1x16xf32>,
      %swap3A_79 = arith.index_cast %scan3A_33 : i32 to index
      %swap3A_80 = arith.constant 144 : index
      %swap3A_81 = tpu.vector_load %arg6[%swap3A_79, %swap3A_80] {strides = array<i32>} : memref<24x192xf32, #tpu.memory_space<vmem>>, vector<1x16xf32>,
      %swap3A_82 = vector.shape_cast %swap3A_81 : vector<1x16xf32> to vector<16xf32>
      %swap3A_83 = vector.shape_cast %broadcast_in_dim3A_1 : vector<16xf32> to vector<1x16xf32>
      tpu.vector_store %arg6[%swap3A_79, %swap3A_80], %swap3A_83 {strides = array<i32>} : memref<24x192xf32, #tpu.memory_space<vmem>>, vector<1x16xf32>,
      %swap3A_84 = arith.index_cast %scan3A_33 : i32 to index
      %swap3A_85 = arith.constant 160 : index
      %swap3A_86 = tpu.vector_load %arg6[%swap3A_84, %swap3A_85] {strides = array<i32>} : memref<24x192xf32, #tpu.memory_space<vmem>>, vector<1x16xf32>,
      %swap3A_87 = vector.shape_cast %swap3A_86 : vector<1x16xf32> to vector<16xf32>
      %swap3A_88 = vector.shape_cast %broadcast_in_dim3A_1 : vector<16xf32> to vector<1x16xf32>
      tpu.vector_store %arg6[%swap3A_84, %swap3A_85], %swap3A_88 {strides = array<i32>} : memref<24x192xf32, #tpu.memory_space<vmem>>, vector<1x16xf32>,
      %swap3A_89 = arith.index_cast %scan3A_33 : i32 to index
      %swap3A_90 = arith.constant 176 : index
      %swap3A_91 = tpu.vector_load %arg6[%swap3A_89, %swap3A_90] {strides = array<i32>} : memref<24x192xf32, #tpu.memory_space<vmem>>, vector<1x16xf32>,
      %swap3A_92 = vector.shape_cast %swap3A_91 : vector<1x16xf32> to vector<16xf32>
      %swap3A_93 = vector.shape_cast %broadcast_in_dim3A_1 : vector<16xf32> to vector<1x16xf32>
      tpu.vector_store %arg6[%swap3A_89, %swap3A_90], %swap3A_93 {strides = array<i32>} : memref<24x192xf32, #tpu.memory_space<vmem>>, vector<1x16xf32>,
      %scan3A_94 = arith.constant 0 : i32
      scf.yield %scan3A_94 : i32
    }
    %scan3A_7 = arith.constant 24 : i32
    %scan3A_8 = arith.constant 0 : i32
    %scan3A_9 = arith.constant 0 : i32
    %scan3A_10 = arith.constant 26 : i32
    %scan3A_11 = arith.addi %scan3A_9, %scan3A_10 : i32
    %scan3A_12 = arith.constant 1 : i32
    %scan3A_13 = scf.for %scan3A_33 = %scan3A_9 to %scan3A_11 step %scan3A_12 iter_args(%scan3A_34 = %scan3A_8) -> (i32)  : i32 {
      %mul3A_35 = arith.constant 626 : i32
      %mul3A_36 = arith.muli %arg1, %mul3A_35 : i32
      %mul3A_37 = arith.constant 24 : i32
      %mul3A_38 = arith.muli %scan3A_33, %mul3A_37 : i32
      %add3A_39 = arith.addi %mul3A_36, %mul3A_38 : i32
      "tpu.region"() ({
        %run_scoped3A = tpu.sem_alloc : memref<!tpu.dma_semaphore, #tpu.memory_space<semaphore_mem>>
        %dma_start3A = arith.constant 0 : i32
        %dma_start3A_41 = tpu.memref_slice %arg8[%add3A_39, %dma_start3A] : memref<10016x192xf32, #tpu.memory_space<vmem_shared>> -> memref<24x192xf32, #tpu.memory_space<vmem_shared>>
        %dma_start3A_42 = arith.constant 0 : i32
        %dma_start3A_43 = tpu.memref_slice %arg8[%add3A_39, %dma_start3A_42] : memref<10016x192xf32, #tpu.memory_space<vmem_shared>> -> memref<24x192xf32, #tpu.memory_space<vmem_shared>>
        tpu.enqueue_dma source(%arg6 : memref<24x192xf32, #tpu.memory_space<vmem>>) target(%dma_start3A_43 : memref<24x192xf32, #tpu.memory_space<vmem_shared>>) target_semaphore(%run_scoped3A : memref<!tpu.dma_semaphore, #tpu.memory_space<semaphore_mem>>)
        %dma_wait3A = arith.constant 0 : i32
        %dma_wait3A_44 = tpu.memref_slice %arg8[%add3A_39, %dma_wait3A] : memref<10016x192xf32, #tpu.memory_space<vmem_shared>> -> memref<24x192xf32, #tpu.memory_space<vmem_shared>>
        %dma_wait3A_45 = arith.constant 0 : i32
        %dma_wait3A_46 = tpu.memref_slice %arg8[%add3A_39, %dma_wait3A_45] : memref<10016x192xf32, #tpu.memory_space<vmem_shared>> -> memref<24x192xf32, #tpu.memory_space<vmem_shared>>
        tpu.wait_dma2 semaphore(%run_scoped3A : memref<!tpu.dma_semaphore, #tpu.memory_space<semaphore_mem>>) src(%arg6 : memref<24x192xf32, #tpu.memory_space<vmem>>) dst(%dma_wait3A_46 : memref<24x192xf32, #tpu.memory_space<vmem_shared>>)
        tpu.yield
      }) : () -> ()
      %scan3A_40 = arith.constant 0 : i32
      scf.yield %scan3A_40 : i32
    }
    %scan3A_14 = arith.constant 26 : i32
    %mul3A_15 = arith.constant 626 : i32
    %mul3A_16 = arith.muli %arg1, %mul3A_15 : i32
    %add3A_17 = arith.constant 624 : i32
    %add3A_18 = arith.addi %mul3A_16, %add3A_17 : i32
    "tpu.region"() ({
      %run_scoped3A = tpu.sem_alloc : memref<!tpu.dma_semaphore, #tpu.memory_space<semaphore_mem>>
      %dma_start3A = arith.constant 0 : i32
      %dma_start3A_33 = arith.constant 0 : i32
      %dma_start3A_34 = tpu.memref_slice %arg6[%dma_start3A, %dma_start3A_33] : memref<24x192xf32, #tpu.memory_space<vmem>> -> memref<2x192xf32, #tpu.memory_space<vmem>>
      %dma_start3A_35 = arith.constant 0 : i32
      %dma_start3A_36 = tpu.memref_slice %arg8[%add3A_18, %dma_start3A_35] : memref<10016x192xf32, #tpu.memory_space<vmem_shared>> -> memref<2x192xf32, #tpu.memory_space<vmem_shared>>
      %dma_start3A_37 = arith.constant 0 : i32
      %dma_start3A_38 = tpu.memref_slice %arg8[%add3A_18, %dma_start3A_37] : memref<10016x192xf32, #tpu.memory_space<vmem_shared>> -> memref<2x192xf32, #tpu.memory_space<vmem_shared>>
      %dma_start3A_39 = arith.constant 0 : i32
      %dma_start3A_40 = arith.constant 0 : i32
      %dma_start3A_41 = tpu.memref_slice %arg6[%dma_start3A_39, %dma_start3A_40] : memref<24x192xf32, #tpu.memory_space<vmem>> -> memref<2x192xf32, #tpu.memory_space<vmem>>
      tpu.enqueue_dma source(%dma_start3A_41 : memref<2x192xf32, #tpu.memory_space<vmem>>) target(%dma_start3A_38 : memref<2x192xf32, #tpu.memory_space<vmem_shared>>) target_semaphore(%run_scoped3A : memref<!tpu.dma_semaphore, #tpu.memory_space<semaphore_mem>>)
      %dma_wait3A = arith.constant 0 : i32
      %dma_wait3A_42 = arith.constant 0 : i32
      %dma_wait3A_43 = tpu.memref_slice %arg6[%dma_wait3A, %dma_wait3A_42] : memref<24x192xf32, #tpu.memory_space<vmem>> -> memref<2x192xf32, #tpu.memory_space<vmem>>
      %dma_wait3A_44 = arith.constant 0 : i32
      %dma_wait3A_45 = tpu.memref_slice %arg8[%add3A_18, %dma_wait3A_44] : memref<10016x192xf32, #tpu.memory_space<vmem_shared>> -> memref<2x192xf32, #tpu.memory_space<vmem_shared>>
      %dma_wait3A_46 = arith.constant 0 : i32
      %dma_wait3A_47 = tpu.memref_slice %arg8[%add3A_18, %dma_wait3A_46] : memref<10016x192xf32, #tpu.memory_space<vmem_shared>> -> memref<2x192xf32, #tpu.memory_space<vmem_shared>>
      %dma_wait3A_48 = arith.constant 0 : i32
      %dma_wait3A_49 = arith.constant 0 : i32
      %dma_wait3A_50 = tpu.memref_slice %arg6[%dma_wait3A_48, %dma_wait3A_49] : memref<24x192xf32, #tpu.memory_space<vmem>> -> memref<2x192xf32, #tpu.memory_space<vmem>>
      tpu.wait_dma2 semaphore(%run_scoped3A : memref<!tpu.dma_semaphore, #tpu.memory_space<semaphore_mem>>) src(%dma_wait3A_50 : memref<2x192xf32, #tpu.memory_space<vmem>>) dst(%dma_wait3A_47 : memref<2x192xf32, #tpu.memory_space<vmem_shared>>)
      tpu.yield
    }) : () -> ()
    %barrier3A = arith.constant 0 : index
    tpu.barrier barrier_id(%barrier3A)
    %mul3A_19 = arith.constant 5376 : i32
    %mul3A_20 = arith.muli %add3A, %mul3A_19 : i32
    %scan3A_21 = arith.constant 0 : i32
    %scan3A_22 = arith.constant 0 : i32
    %scan3A_23 = arith.constant 28 : i32
    %scan3A_24 = arith.addi %scan3A_22, %scan3A_23 : i32
    %scan3A_25 = arith.constant 1 : i32
    %scan3A_26 = scf.for %scan3A_33 = %scan3A_22 to %scan3A_24 step %scan3A_25 iter_args(%scan3A_34 = %scan3A_21) -> (i32)  : i32 {
      %mul3A_35 = arith.constant 224 : i32
      %mul3A_36 = arith.muli %add3A, %mul3A_35 : i32
      %mul3A_37 = arith.constant 8 : i32
      %mul3A_38 = arith.muli %scan3A_33, %mul3A_37 : i32
      %add3A_39 = arith.addi %mul3A_36, %mul3A_38 : i32
      "tpu.region"() ({
        %run_scoped3A = tpu.sem_alloc : memref<!tpu.dma_semaphore, #tpu.memory_space<semaphore_mem>>
        %dma_start3A = arith.constant 0 : i32
        %dma_start3A_48 = arith.constant 0 : i32
        %dma_start3A_49 = tpu.memref_slice %arg3[%add3A_39, %dma_start3A, %dma_start3A_48] : memref<7168x1x24xi32, #tpu.memory_space<hbm>> -> memref<8x1x24xi32, #tpu.memory_space<hbm>>
        %dma_start3A_50 = arith.constant 0 : i32
        %dma_start3A_51 = arith.constant 0 : i32
        %dma_start3A_52 = tpu.memref_slice %arg3[%add3A_39, %dma_start3A_50, %dma_start3A_51] : memref<7168x1x24xi32, #tpu.memory_space<hbm>> -> memref<8x1x24xi32, #tpu.memory_space<hbm>>
        tpu.enqueue_dma source(%dma_start3A_52 : memref<8x1x24xi32, #tpu.memory_space<hbm>>) target(%arg5 : memref<8x1x24xi32, #tpu.memory_space<vmem>>) target_semaphore(%run_scoped3A : memref<!tpu.dma_semaphore, #tpu.memory_space<semaphore_mem>>)
        %dma_wait3A = arith.constant 0 : i32
        %dma_wait3A_53 = arith.constant 0 : i32
        %dma_wait3A_54 = tpu.memref_slice %arg3[%add3A_39, %dma_wait3A, %dma_wait3A_53] : memref<7168x1x24xi32, #tpu.memory_space<hbm>> -> memref<8x1x24xi32, #tpu.memory_space<hbm>>
        %dma_wait3A_55 = arith.constant 0 : i32
        %dma_wait3A_56 = arith.constant 0 : i32
        %dma_wait3A_57 = tpu.memref_slice %arg3[%add3A_39, %dma_wait3A_55, %dma_wait3A_56] : memref<7168x1x24xi32, #tpu.memory_space<hbm>> -> memref<8x1x24xi32, #tpu.memory_space<hbm>>
        tpu.wait_dma2 semaphore(%run_scoped3A : memref<!tpu.dma_semaphore, #tpu.memory_space<semaphore_mem>>) src(%dma_wait3A_57 : memref<8x1x24xi32, #tpu.memory_space<hbm>>) dst(%arg5 : memref<8x1x24xi32, #tpu.memory_space<vmem>>)
        tpu.yield
      }) : () -> ()
      %scan3A_40 = arith.constant 0 : i32
      %scan3A_41 = arith.constant 0 : i32
      %scan3A_42 = arith.constant 4 : i32
      %scan3A_43 = arith.addi %scan3A_41, %scan3A_42 : i32
      %scan3A_44 = arith.constant 1 : i32
      %scan3A_45 = scf.for %scan3A_48 = %scan3A_41 to %scan3A_43 step %scan3A_44 iter_args(%scan3A_49 = %scan3A_40) -> (i32)  : i32 {
        %mul3A_50 = arith.constant 2 : i32
        %mul3A_51 = arith.muli %mul3A_50, %scan3A_48 : i32
        %add3A_52 = arith.constant 1 : i32
        %add3A_53 = arith.addi %mul3A_51, %add3A_52 : i32
        %mul3A_54 = arith.constant 8 : i32
        %mul3A_55 = arith.muli %scan3A_33, %mul3A_54 : i32
        %add3A_56 = arith.addi %mul3A_55, %mul3A_51 : i32
        %mul3A_57 = arith.constant 24 : i32
        %mul3A_58 = arith.muli %add3A_56, %mul3A_57 : i32
        %add3A_59 = arith.addi %mul3A_20, %mul3A_58 : i32
        %add3A_60 = arith.constant 24 : i32
        %add3A_61 = arith.addi %add3A_59, %add3A_60 : i32
        %dma_start3A = arith.constant 0 : i32
        %dma_start3A_62 = tpu.memref_slice %arg2[%add3A_59, %dma_start3A] : memref<172032x192xf32, #tpu.memory_space<hbm>> -> memref<24x192xf32, #tpu.memory_space<hbm>>
        %dma_start3A_63 = arith.constant 0 : i32
        %dma_start3A_64 = tpu.memref_slice %arg2[%add3A_59, %dma_start3A_63] : memref<172032x192xf32, #tpu.memory_space<hbm>> -> memref<24x192xf32, #tpu.memory_space<hbm>>
        tpu.enqueue_dma source(%dma_start3A_64 : memref<24x192xf32, #tpu.memory_space<hbm>>) target(%arg6 : memref<24x192xf32, #tpu.memory_space<vmem>>) target_semaphore(%arg9 : memref<!tpu.dma_semaphore, #tpu.memory_space<semaphore_mem>>)
        %dma_start3A_65 = arith.constant 0 : i32
        %dma_start3A_66 = tpu.memref_slice %arg2[%add3A_61, %dma_start3A_65] : memref<172032x192xf32, #tpu.memory_space<hbm>> -> memref<24x192xf32, #tpu.memory_space<hbm>>
        %dma_start3A_67 = arith.constant 0 : i32
        %dma_start3A_68 = tpu.memref_slice %arg2[%add3A_61, %dma_start3A_67] : memref<172032x192xf32, #tpu.memory_space<hbm>> -> memref<24x192xf32, #tpu.memory_space<hbm>>
        tpu.enqueue_dma source(%dma_start3A_68 : memref<24x192xf32, #tpu.memory_space<hbm>>) target(%arg7 : memref<24x192xf32, #tpu.memory_space<vmem>>) target_semaphore(%arg10 : memref<!tpu.dma_semaphore, #tpu.memory_space<semaphore_mem>>)
        %dma_wait3A = arith.constant 0 : i32
        %dma_wait3A_69 = tpu.memref_slice %arg2[%add3A_59, %dma_wait3A] : memref<172032x192xf32, #tpu.memory_space<hbm>> -> memref<24x192xf32, #tpu.memory_space<hbm>>
        %dma_wait3A_70 = arith.constant 0 : i32
        %dma_wait3A_71 = tpu.memref_slice %arg2[%add3A_59, %dma_wait3A_70] : memref<172032x192xf32, #tpu.memory_space<hbm>> -> memref<24x192xf32, #tpu.memory_space<hbm>>
        tpu.wait_dma2 semaphore(%arg9 : memref<!tpu.dma_semaphore, #tpu.memory_space<semaphore_mem>>) src(%dma_wait3A_71 : memref<24x192xf32, #tpu.memory_space<hbm>>) dst(%arg6 : memref<24x192xf32, #tpu.memory_space<vmem>>)
        %dma_start3A_72 = arith.constant 0 : i32
        %dma_start3A_73 = arith.constant 0 : i32
        %dma_start3A_74 = tpu.memref_slice %arg5[%mul3A_51, %dma_start3A_72, %dma_start3A_73] : memref<8x1x24xi32, #tpu.memory_space<vmem>> -> memref<1x1x24xi32, #tpu.memory_space<vmem>>
        %dma_start3A_75 = tpu.memref_squeeze %dma_start3A_74 : memref<1x1x24xi32, #tpu.memory_space<vmem>> -> memref<24xi32, #tpu.memory_space<vmem>>
        %dma_start3A_76 = arith.constant 0 : i32
        %dma_start3A_77 = arith.constant 0 : i32
        %dma_start3A_78 = tpu.memref_slice %arg8[%dma_start3A_76, %dma_start3A_77] : memref<10016x192xf32, #tpu.memory_space<vmem_shared>> -> memref<10016x192xf32, #tpu.memory_space<vmem_shared>>
        tpu.enqueue_indirect_dma source(%arg6 : memref<24x192xf32, #tpu.memory_space<vmem>>) target(%dma_start3A_78 : memref<10016x192xf32, #tpu.memory_space<vmem_shared>>) offsets(%dma_start3A_75 : memref<24xi32, #tpu.memory_space<vmem>>) semaphore(%arg11 : memref<!tpu.dma_semaphore, #tpu.memory_space<semaphore_mem>>) {add = true}
        %dma_wait3A_79 = arith.constant 0 : i32
        %dma_wait3A_80 = tpu.memref_slice %arg2[%add3A_61, %dma_wait3A_79] : memref<172032x192xf32, #tpu.memory_space<hbm>> -> memref<24x192xf32, #tpu.memory_space<hbm>>
        %dma_wait3A_81 = arith.constant 0 : i32
        %dma_wait3A_82 = tpu.memref_slice %arg2[%add3A_61, %dma_wait3A_81] : memref<172032x192xf32, #tpu.memory_space<hbm>> -> memref<24x192xf32, #tpu.memory_space<hbm>>
        tpu.wait_dma2 semaphore(%arg10 : memref<!tpu.dma_semaphore, #tpu.memory_space<semaphore_mem>>) src(%dma_wait3A_82 : memref<24x192xf32, #tpu.memory_space<hbm>>) dst(%arg7 : memref<24x192xf32, #tpu.memory_space<vmem>>)
        %dma_start3A_83 = arith.constant 0 : i32
        %dma_start3A_84 = arith.constant 0 : i32
        %dma_start3A_85 = tpu.memref_slice %arg5[%add3A_53, %dma_start3A_83, %dma_start3A_84] : memref<8x1x24xi32, #tpu.memory_space<vmem>> -> memref<1x1x24xi32, #tpu.memory_space<vmem>>
        %dma_start3A_86 = tpu.memref_squeeze %dma_start3A_85 : memref<1x1x24xi32, #tpu.memory_space<vmem>> -> memref<24xi32, #tpu.memory_space<vmem>>
        %dma_start3A_87 = arith.constant 0 : i32
        %dma_start3A_88 = arith.constant 0 : i32
        %dma_start3A_89 = tpu.memref_slice %arg8[%dma_start3A_87, %dma_start3A_88] : memref<10016x192xf32, #tpu.memory_space<vmem_shared>> -> memref<10016x192xf32, #tpu.memory_space<vmem_shared>>
        tpu.enqueue_indirect_dma source(%arg7 : memref<24x192xf32, #tpu.memory_space<vmem>>) target(%dma_start3A_89 : memref<10016x192xf32, #tpu.memory_space<vmem_shared>>) offsets(%dma_start3A_86 : memref<24xi32, #tpu.memory_space<vmem>>) semaphore(%arg12 : memref<!tpu.dma_semaphore, #tpu.memory_space<semaphore_mem>>) {add = true}
        %dma_wait3A_90 = arith.constant 0 : i32
        %dma_wait3A_91 = arith.constant 0 : i32
        %dma_wait3A_92 = tpu.memref_slice %arg5[%mul3A_51, %dma_wait3A_90, %dma_wait3A_91] : memref<8x1x24xi32, #tpu.memory_space<vmem>> -> memref<1x1x24xi32, #tpu.memory_space<vmem>>
        %dma_wait3A_93 = tpu.memref_squeeze %dma_wait3A_92 : memref<1x1x24xi32, #tpu.memory_space<vmem>> -> memref<24xi32, #tpu.memory_space<vmem>>
        %dma_wait3A_94 = arith.constant 0 : i32
        %dma_wait3A_95 = arith.constant 0 : i32
        %dma_wait3A_96 = tpu.memref_slice %arg8[%dma_wait3A_94, %dma_wait3A_95] : memref<10016x192xf32, #tpu.memory_space<vmem_shared>> -> memref<10016x192xf32, #tpu.memory_space<vmem_shared>>
        tpu.wait_indirect_dma semaphore(%arg11 : memref<!tpu.dma_semaphore, #tpu.memory_space<semaphore_mem>>) src(%arg6 : memref<24x192xf32, #tpu.memory_space<vmem>>) dst(%dma_wait3A_96 : memref<10016x192xf32, #tpu.memory_space<vmem_shared>>)
        %dma_wait3A_97 = arith.constant 0 : i32
        %dma_wait3A_98 = arith.constant 0 : i32
        %dma_wait3A_99 = tpu.memref_slice %arg5[%add3A_53, %dma_wait3A_97, %dma_wait3A_98] : memref<8x1x24xi32, #tpu.memory_space<vmem>> -> memref<1x1x24xi32, #tpu.memory_space<vmem>>
        %dma_wait3A_100 = tpu.memref_squeeze %dma_wait3A_99 : memref<1x1x24xi32, #tpu.memory_space<vmem>> -> memref<24xi32, #tpu.memory_space<vmem>>
        %dma_wait3A_101 = arith.constant 0 : i32
        %dma_wait3A_102 = arith.constant 0 : i32
        %dma_wait3A_103 = tpu.memref_slice %arg8[%dma_wait3A_101, %dma_wait3A_102] : memref<10016x192xf32, #tpu.memory_space<vmem_shared>> -> memref<10016x192xf32, #tpu.memory_space<vmem_shared>>
        tpu.wait_indirect_dma semaphore(%arg12 : memref<!tpu.dma_semaphore, #tpu.memory_space<semaphore_mem>>) src(%arg7 : memref<24x192xf32, #tpu.memory_space<vmem>>) dst(%dma_wait3A_103 : memref<10016x192xf32, #tpu.memory_space<vmem_shared>>)
        %scan3A_104 = arith.constant 0 : i32
        scf.yield %scan3A_104 : i32
      }
      %scan3A_46 = arith.constant 4 : i32
      %scan3A_47 = arith.constant 0 : i32
      scf.yield %scan3A_47 : i32
    }
    %scan3A_27 = arith.constant 28 : i32
    %barrier3A_28 = arith.constant 0 : index
    tpu.barrier barrier_id(%barrier3A_28)
    %mul3A_29 = arith.constant 626 : i32
    %mul3A_30 = arith.muli %arg1, %mul3A_29 : i32
    %mul3A_31 = arith.constant 626 : i32
    %mul3A_32 = arith.muli %arg1, %mul3A_31 : i32
    "tpu.region"() ({
      %run_scoped3A = tpu.sem_alloc : memref<!tpu.dma_semaphore, #tpu.memory_space<semaphore_mem>>
      %dma_start3A = arith.constant 0 : i32
      %dma_start3A_33 = tpu.memref_slice %arg4[%arg0, %mul3A_32, %dma_start3A] : memref<2x10016x192xf32, #tpu.memory_space<hbm>> -> memref<1x626x192xf32, #tpu.memory_space<hbm>>
      %dma_start3A_34 = tpu.memref_squeeze %dma_start3A_33 : memref<1x626x192xf32, #tpu.memory_space<hbm>> -> memref<626x192xf32, #tpu.memory_space<hbm>>
      %dma_start3A_35 = arith.constant 0 : i32
      %dma_start3A_36 = tpu.memref_slice %arg8[%mul3A_30, %dma_start3A_35] : memref<10016x192xf32, #tpu.memory_space<vmem_shared>> -> memref<626x192xf32, #tpu.memory_space<vmem_shared>>
      tpu.enqueue_dma source(%dma_start3A_36 : memref<626x192xf32, #tpu.memory_space<vmem_shared>>) target(%dma_start3A_34 : memref<626x192xf32, #tpu.memory_space<hbm>>) target_semaphore(%run_scoped3A : memref<!tpu.dma_semaphore, #tpu.memory_space<semaphore_mem>>)
      %dma_wait3A = arith.constant 0 : i32
      %dma_wait3A_37 = tpu.memref_slice %arg4[%arg0, %mul3A_32, %dma_wait3A] : memref<2x10016x192xf32, #tpu.memory_space<hbm>> -> memref<1x626x192xf32, #tpu.memory_space<hbm>>
      %dma_wait3A_38 = tpu.memref_squeeze %dma_wait3A_37 : memref<1x626x192xf32, #tpu.memory_space<hbm>> -> memref<626x192xf32, #tpu.memory_space<hbm>>
      %dma_wait3A_39 = arith.constant 0 : i32
      %dma_wait3A_40 = tpu.memref_slice %arg8[%mul3A_30, %dma_wait3A_39] : memref<10016x192xf32, #tpu.memory_space<vmem_shared>> -> memref<626x192xf32, #tpu.memory_space<vmem_shared>>
      tpu.wait_dma2 semaphore(%run_scoped3A : memref<!tpu.dma_semaphore, #tpu.memory_space<semaphore_mem>>) src(%dma_wait3A_40 : memref<626x192xf32, #tpu.memory_space<vmem_shared>>) dst(%dma_wait3A_38 : memref<626x192xf32, #tpu.memory_space<hbm>>)
      tpu.yield
    }) : () -> ()
    return
  }
}

#map = affine_map<(d0, d1) -> (0, 0)>
#map1 = affine_map<(d0, d1) -> (0, 0, 0)>
module attributes {stable_mosaic.version = 14 : i64} {
  func.func @body(%arg0: i32, %arg1: i32, %arg2: memref<172032x64xf32, #tpu.memory_space<hbm>>, %arg3: memref<1344x1x128xi32, #tpu.memory_space<hbm>>, %arg4: memref<2x10016x64xf32, #tpu.memory_space<hbm>>, %arg5: memref<42x1x128xi32, #tpu.memory_space<vmem>>, %arg6: memref<128x64xf32, #tpu.memory_space<vmem>>, %arg7: memref<128x64xf32, #tpu.memory_space<vmem>>, %arg8: memref<10016x64xf32, #tpu.memory_space<vmem_shared>>, %arg9: memref<!tpu.dma_semaphore, #tpu.memory_space<semaphore_mem>>, %arg10: memref<!tpu.dma_semaphore, #tpu.memory_space<semaphore_mem>>, %arg11: memref<!tpu.dma_semaphore, #tpu.memory_space<semaphore_mem>>, %arg12: memref<!tpu.dma_semaphore, #tpu.memory_space<semaphore_mem>>) attributes {dimension_semantics = [#tpu.dimension_semantics<core_parallel>, #tpu.dimension_semantics<subcore_parallel>], iteration_bounds = array<i64: 2, 16>, scalar_prefetch = 0 : i64, scratch_operands = 8 : i64, tpu.core_type = #tpu.core_type<sc_vector_subcore>, window_params = [{transform_indices = #map}, {transform_indices = #map1}, {transform_indices = #map1}]} {
    %mul3A = arith.constant 2 : i32
    %mul3A_0 = arith.muli %arg1, %mul3A : i32
    %add3A = arith.addi %mul3A_0, %arg0 : i32
    %broadcast_in_dim3A = arith.constant 0.000000e+00 : f32
    %broadcast_in_dim3A_1 = vector.broadcast %broadcast_in_dim3A : f32 to vector<16xf32>
    %scan3A = arith.constant 0 : i32
    %scan3A_2 = arith.constant 0 : i32
    %scan3A_3 = arith.constant 128 : i32
    %scan3A_4 = arith.addi %scan3A_2, %scan3A_3 : i32
    %scan3A_5 = arith.constant 1 : i32
    %scan3A_6 = scf.for %scan3A_42 = %scan3A_2 to %scan3A_4 step %scan3A_5 iter_args(%scan3A_43 = %scan3A) -> (i32)  : i32 {
      %swap3A = arith.index_cast %scan3A_42 : i32 to index
      %swap3A_44 = arith.constant 0 : index
      %swap3A_45 = tpu.vector_load %arg6[%swap3A, %swap3A_44] {strides = array<i32>} : memref<128x64xf32, #tpu.memory_space<vmem>>, vector<1x16xf32>,
      %swap3A_46 = vector.shape_cast %swap3A_45 : vector<1x16xf32> to vector<16xf32>
      %swap3A_47 = vector.shape_cast %broadcast_in_dim3A_1 : vector<16xf32> to vector<1x16xf32>
      tpu.vector_store %arg6[%swap3A, %swap3A_44], %swap3A_47 {strides = array<i32>} : memref<128x64xf32, #tpu.memory_space<vmem>>, vector<1x16xf32>,
      %swap3A_48 = arith.index_cast %scan3A_42 : i32 to index
      %swap3A_49 = arith.constant 16 : index
      %swap3A_50 = tpu.vector_load %arg6[%swap3A_48, %swap3A_49] {strides = array<i32>} : memref<128x64xf32, #tpu.memory_space<vmem>>, vector<1x16xf32>,
      %swap3A_51 = vector.shape_cast %swap3A_50 : vector<1x16xf32> to vector<16xf32>
      %swap3A_52 = vector.shape_cast %broadcast_in_dim3A_1 : vector<16xf32> to vector<1x16xf32>
      tpu.vector_store %arg6[%swap3A_48, %swap3A_49], %swap3A_52 {strides = array<i32>} : memref<128x64xf32, #tpu.memory_space<vmem>>, vector<1x16xf32>,
      %swap3A_53 = arith.index_cast %scan3A_42 : i32 to index
      %swap3A_54 = arith.constant 32 : index
      %swap3A_55 = tpu.vector_load %arg6[%swap3A_53, %swap3A_54] {strides = array<i32>} : memref<128x64xf32, #tpu.memory_space<vmem>>, vector<1x16xf32>,
      %swap3A_56 = vector.shape_cast %swap3A_55 : vector<1x16xf32> to vector<16xf32>
      %swap3A_57 = vector.shape_cast %broadcast_in_dim3A_1 : vector<16xf32> to vector<1x16xf32>
      tpu.vector_store %arg6[%swap3A_53, %swap3A_54], %swap3A_57 {strides = array<i32>} : memref<128x64xf32, #tpu.memory_space<vmem>>, vector<1x16xf32>,
      %swap3A_58 = arith.index_cast %scan3A_42 : i32 to index
      %swap3A_59 = arith.constant 48 : index
      %swap3A_60 = tpu.vector_load %arg6[%swap3A_58, %swap3A_59] {strides = array<i32>} : memref<128x64xf32, #tpu.memory_space<vmem>>, vector<1x16xf32>,
      %swap3A_61 = vector.shape_cast %swap3A_60 : vector<1x16xf32> to vector<16xf32>
      %swap3A_62 = vector.shape_cast %broadcast_in_dim3A_1 : vector<16xf32> to vector<1x16xf32>
      tpu.vector_store %arg6[%swap3A_58, %swap3A_59], %swap3A_62 {strides = array<i32>} : memref<128x64xf32, #tpu.memory_space<vmem>>, vector<1x16xf32>,
      %scan3A_63 = arith.constant 0 : i32
      scf.yield %scan3A_63 : i32
    }
    %scan3A_7 = arith.constant 128 : i32
    %scan3A_8 = arith.constant 0 : i32
    %scan3A_9 = arith.constant 0 : i32
    %scan3A_10 = arith.constant 4 : i32
    %scan3A_11 = arith.addi %scan3A_9, %scan3A_10 : i32
    %scan3A_12 = arith.constant 1 : i32
    %scan3A_13 = scf.for %scan3A_42 = %scan3A_9 to %scan3A_11 step %scan3A_12 iter_args(%scan3A_43 = %scan3A_8) -> (i32)  : i32 {
      %mul3A_44 = arith.constant 626 : i32
      %mul3A_45 = arith.muli %arg1, %mul3A_44 : i32
      %mul3A_46 = arith.constant 128 : i32
      %mul3A_47 = arith.muli %scan3A_42, %mul3A_46 : i32
      %add3A_48 = arith.addi %mul3A_45, %mul3A_47 : i32
      "tpu.region"() ({
        %run_scoped3A = tpu.sem_alloc : memref<!tpu.dma_semaphore, #tpu.memory_space<semaphore_mem>>
        %dma_start3A = arith.constant 0 : i32
        %dma_start3A_50 = tpu.memref_slice %arg8[%add3A_48, %dma_start3A] : memref<10016x64xf32, #tpu.memory_space<vmem_shared>> -> memref<128x64xf32, #tpu.memory_space<vmem_shared>>
        %dma_start3A_51 = arith.constant 0 : i32
        %dma_start3A_52 = tpu.memref_slice %arg8[%add3A_48, %dma_start3A_51] : memref<10016x64xf32, #tpu.memory_space<vmem_shared>> -> memref<128x64xf32, #tpu.memory_space<vmem_shared>>
        tpu.enqueue_dma source(%arg6 : memref<128x64xf32, #tpu.memory_space<vmem>>) target(%dma_start3A_52 : memref<128x64xf32, #tpu.memory_space<vmem_shared>>) target_semaphore(%run_scoped3A : memref<!tpu.dma_semaphore, #tpu.memory_space<semaphore_mem>>)
        %dma_wait3A = arith.constant 0 : i32
        %dma_wait3A_53 = tpu.memref_slice %arg8[%add3A_48, %dma_wait3A] : memref<10016x64xf32, #tpu.memory_space<vmem_shared>> -> memref<128x64xf32, #tpu.memory_space<vmem_shared>>
        %dma_wait3A_54 = arith.constant 0 : i32
        %dma_wait3A_55 = tpu.memref_slice %arg8[%add3A_48, %dma_wait3A_54] : memref<10016x64xf32, #tpu.memory_space<vmem_shared>> -> memref<128x64xf32, #tpu.memory_space<vmem_shared>>
        tpu.wait_dma2 semaphore(%run_scoped3A : memref<!tpu.dma_semaphore, #tpu.memory_space<semaphore_mem>>) src(%arg6 : memref<128x64xf32, #tpu.memory_space<vmem>>) dst(%dma_wait3A_55 : memref<128x64xf32, #tpu.memory_space<vmem_shared>>)
        tpu.yield
      }) : () -> ()
      %scan3A_49 = arith.constant 0 : i32
      scf.yield %scan3A_49 : i32
    }
    %scan3A_14 = arith.constant 4 : i32
    %mul3A_15 = arith.constant 626 : i32
    %mul3A_16 = arith.muli %arg1, %mul3A_15 : i32
    %add3A_17 = arith.constant 512 : i32
    %add3A_18 = arith.addi %mul3A_16, %add3A_17 : i32
    "tpu.region"() ({
      %run_scoped3A = tpu.sem_alloc : memref<!tpu.dma_semaphore, #tpu.memory_space<semaphore_mem>>
      %dma_start3A = arith.constant 0 : i32
      %dma_start3A_42 = arith.constant 0 : i32
      %dma_start3A_43 = tpu.memref_slice %arg6[%dma_start3A, %dma_start3A_42] : memref<128x64xf32, #tpu.memory_space<vmem>> -> memref<114x64xf32, #tpu.memory_space<vmem>>
      %dma_start3A_44 = arith.constant 0 : i32
      %dma_start3A_45 = tpu.memref_slice %arg8[%add3A_18, %dma_start3A_44] : memref<10016x64xf32, #tpu.memory_space<vmem_shared>> -> memref<114x64xf32, #tpu.memory_space<vmem_shared>>
      %dma_start3A_46 = arith.constant 0 : i32
      %dma_start3A_47 = tpu.memref_slice %arg8[%add3A_18, %dma_start3A_46] : memref<10016x64xf32, #tpu.memory_space<vmem_shared>> -> memref<114x64xf32, #tpu.memory_space<vmem_shared>>
      %dma_start3A_48 = arith.constant 0 : i32
      %dma_start3A_49 = arith.constant 0 : i32
      %dma_start3A_50 = tpu.memref_slice %arg6[%dma_start3A_48, %dma_start3A_49] : memref<128x64xf32, #tpu.memory_space<vmem>> -> memref<114x64xf32, #tpu.memory_space<vmem>>
      tpu.enqueue_dma source(%dma_start3A_50 : memref<114x64xf32, #tpu.memory_space<vmem>>) target(%dma_start3A_47 : memref<114x64xf32, #tpu.memory_space<vmem_shared>>) target_semaphore(%run_scoped3A : memref<!tpu.dma_semaphore, #tpu.memory_space<semaphore_mem>>)
      %dma_wait3A = arith.constant 0 : i32
      %dma_wait3A_51 = arith.constant 0 : i32
      %dma_wait3A_52 = tpu.memref_slice %arg6[%dma_wait3A, %dma_wait3A_51] : memref<128x64xf32, #tpu.memory_space<vmem>> -> memref<114x64xf32, #tpu.memory_space<vmem>>
      %dma_wait3A_53 = arith.constant 0 : i32
      %dma_wait3A_54 = tpu.memref_slice %arg8[%add3A_18, %dma_wait3A_53] : memref<10016x64xf32, #tpu.memory_space<vmem_shared>> -> memref<114x64xf32, #tpu.memory_space<vmem_shared>>
      %dma_wait3A_55 = arith.constant 0 : i32
      %dma_wait3A_56 = tpu.memref_slice %arg8[%add3A_18, %dma_wait3A_55] : memref<10016x64xf32, #tpu.memory_space<vmem_shared>> -> memref<114x64xf32, #tpu.memory_space<vmem_shared>>
      %dma_wait3A_57 = arith.constant 0 : i32
      %dma_wait3A_58 = arith.constant 0 : i32
      %dma_wait3A_59 = tpu.memref_slice %arg6[%dma_wait3A_57, %dma_wait3A_58] : memref<128x64xf32, #tpu.memory_space<vmem>> -> memref<114x64xf32, #tpu.memory_space<vmem>>
      tpu.wait_dma2 semaphore(%run_scoped3A : memref<!tpu.dma_semaphore, #tpu.memory_space<semaphore_mem>>) src(%dma_wait3A_59 : memref<114x64xf32, #tpu.memory_space<vmem>>) dst(%dma_wait3A_56 : memref<114x64xf32, #tpu.memory_space<vmem_shared>>)
      tpu.yield
    }) : () -> ()
    %barrier3A = arith.constant 0 : index
    tpu.barrier barrier_id(%barrier3A)
    %mul3A_19 = arith.constant 5376 : i32
    %mul3A_20 = arith.muli %add3A, %mul3A_19 : i32
    %scan3A_21 = arith.constant 0 : i32
    %scan3A_22 = arith.constant 0 : i32
    %mul3A_23 = arith.constant 42 : i32
    %mul3A_24 = arith.muli %add3A, %mul3A_23 : i32
    %mul3A_25 = arith.constant 42 : i32
    %mul3A_26 = arith.muli %scan3A_22, %mul3A_25 : i32
    %add3A_27 = arith.addi %mul3A_24, %mul3A_26 : i32
    "tpu.region"() ({
      %run_scoped3A = tpu.sem_alloc : memref<!tpu.dma_semaphore, #tpu.memory_space<semaphore_mem>>
      %dma_start3A = arith.constant 0 : i32
      %dma_start3A_42 = arith.constant 0 : i32
      %dma_start3A_43 = tpu.memref_slice %arg3[%add3A_27, %dma_start3A, %dma_start3A_42] : memref<1344x1x128xi32, #tpu.memory_space<hbm>> -> memref<42x1x128xi32, #tpu.memory_space<hbm>>
      %dma_start3A_44 = arith.constant 0 : i32
      %dma_start3A_45 = arith.constant 0 : i32
      %dma_start3A_46 = tpu.memref_slice %arg3[%add3A_27, %dma_start3A_44, %dma_start3A_45] : memref<1344x1x128xi32, #tpu.memory_space<hbm>> -> memref<42x1x128xi32, #tpu.memory_space<hbm>>
      tpu.enqueue_dma source(%dma_start3A_46 : memref<42x1x128xi32, #tpu.memory_space<hbm>>) target(%arg5 : memref<42x1x128xi32, #tpu.memory_space<vmem>>) target_semaphore(%run_scoped3A : memref<!tpu.dma_semaphore, #tpu.memory_space<semaphore_mem>>)
      %dma_wait3A = arith.constant 0 : i32
      %dma_wait3A_47 = arith.constant 0 : i32
      %dma_wait3A_48 = tpu.memref_slice %arg3[%add3A_27, %dma_wait3A, %dma_wait3A_47] : memref<1344x1x128xi32, #tpu.memory_space<hbm>> -> memref<42x1x128xi32, #tpu.memory_space<hbm>>
      %dma_wait3A_49 = arith.constant 0 : i32
      %dma_wait3A_50 = arith.constant 0 : i32
      %dma_wait3A_51 = tpu.memref_slice %arg3[%add3A_27, %dma_wait3A_49, %dma_wait3A_50] : memref<1344x1x128xi32, #tpu.memory_space<hbm>> -> memref<42x1x128xi32, #tpu.memory_space<hbm>>
      tpu.wait_dma2 semaphore(%run_scoped3A : memref<!tpu.dma_semaphore, #tpu.memory_space<semaphore_mem>>) src(%dma_wait3A_51 : memref<42x1x128xi32, #tpu.memory_space<hbm>>) dst(%arg5 : memref<42x1x128xi32, #tpu.memory_space<vmem>>)
      tpu.yield
    }) : () -> ()
    %scan3A_28 = arith.constant 0 : i32
    %scan3A_29 = arith.constant 0 : i32
    %scan3A_30 = arith.constant 21 : i32
    %scan3A_31 = arith.addi %scan3A_29, %scan3A_30 : i32
    %scan3A_32 = arith.constant 1 : i32
    %scan3A_33 = scf.for %scan3A_42 = %scan3A_29 to %scan3A_31 step %scan3A_32 iter_args(%scan3A_43 = %scan3A_28) -> (i32)  : i32 {
      %mul3A_44 = arith.constant 2 : i32
      %mul3A_45 = arith.muli %mul3A_44, %scan3A_42 : i32
      %add3A_46 = arith.constant 1 : i32
      %add3A_47 = arith.addi %mul3A_45, %add3A_46 : i32
      %mul3A_48 = arith.constant 42 : i32
      %mul3A_49 = arith.muli %scan3A_22, %mul3A_48 : i32
      %add3A_50 = arith.addi %mul3A_49, %mul3A_45 : i32
      %mul3A_51 = arith.constant 128 : i32
      %mul3A_52 = arith.muli %add3A_50, %mul3A_51 : i32
      %add3A_53 = arith.addi %mul3A_20, %mul3A_52 : i32
      %add3A_54 = arith.constant 128 : i32
      %add3A_55 = arith.addi %add3A_53, %add3A_54 : i32
      %dma_start3A = arith.constant 0 : i32
      %dma_start3A_56 = tpu.memref_slice %arg2[%add3A_53, %dma_start3A] : memref<172032x64xf32, #tpu.memory_space<hbm>> -> memref<128x64xf32, #tpu.memory_space<hbm>>
      %dma_start3A_57 = arith.constant 0 : i32
      %dma_start3A_58 = tpu.memref_slice %arg2[%add3A_53, %dma_start3A_57] : memref<172032x64xf32, #tpu.memory_space<hbm>> -> memref<128x64xf32, #tpu.memory_space<hbm>>
      tpu.enqueue_dma source(%dma_start3A_58 : memref<128x64xf32, #tpu.memory_space<hbm>>) target(%arg6 : memref<128x64xf32, #tpu.memory_space<vmem>>) target_semaphore(%arg9 : memref<!tpu.dma_semaphore, #tpu.memory_space<semaphore_mem>>)
      %dma_start3A_59 = arith.constant 0 : i32
      %dma_start3A_60 = tpu.memref_slice %arg2[%add3A_55, %dma_start3A_59] : memref<172032x64xf32, #tpu.memory_space<hbm>> -> memref<128x64xf32, #tpu.memory_space<hbm>>
      %dma_start3A_61 = arith.constant 0 : i32
      %dma_start3A_62 = tpu.memref_slice %arg2[%add3A_55, %dma_start3A_61] : memref<172032x64xf32, #tpu.memory_space<hbm>> -> memref<128x64xf32, #tpu.memory_space<hbm>>
      tpu.enqueue_dma source(%dma_start3A_62 : memref<128x64xf32, #tpu.memory_space<hbm>>) target(%arg7 : memref<128x64xf32, #tpu.memory_space<vmem>>) target_semaphore(%arg10 : memref<!tpu.dma_semaphore, #tpu.memory_space<semaphore_mem>>)
      %dma_wait3A = arith.constant 0 : i32
      %dma_wait3A_63 = tpu.memref_slice %arg2[%add3A_53, %dma_wait3A] : memref<172032x64xf32, #tpu.memory_space<hbm>> -> memref<128x64xf32, #tpu.memory_space<hbm>>
      %dma_wait3A_64 = arith.constant 0 : i32
      %dma_wait3A_65 = tpu.memref_slice %arg2[%add3A_53, %dma_wait3A_64] : memref<172032x64xf32, #tpu.memory_space<hbm>> -> memref<128x64xf32, #tpu.memory_space<hbm>>
      tpu.wait_dma2 semaphore(%arg9 : memref<!tpu.dma_semaphore, #tpu.memory_space<semaphore_mem>>) src(%dma_wait3A_65 : memref<128x64xf32, #tpu.memory_space<hbm>>) dst(%arg6 : memref<128x64xf32, #tpu.memory_space<vmem>>)
      %dma_start3A_66 = arith.constant 0 : i32
      %dma_start3A_67 = arith.constant 0 : i32
      %dma_start3A_68 = tpu.memref_slice %arg5[%mul3A_45, %dma_start3A_66, %dma_start3A_67] : memref<42x1x128xi32, #tpu.memory_space<vmem>> -> memref<1x1x128xi32, #tpu.memory_space<vmem>>
      %dma_start3A_69 = tpu.memref_squeeze %dma_start3A_68 : memref<1x1x128xi32, #tpu.memory_space<vmem>> -> memref<128xi32, #tpu.memory_space<vmem>>
      %dma_start3A_70 = arith.constant 0 : i32
      %dma_start3A_71 = arith.constant 0 : i32
      %dma_start3A_72 = tpu.memref_slice %arg8[%dma_start3A_70, %dma_start3A_71] : memref<10016x64xf32, #tpu.memory_space<vmem_shared>> -> memref<10016x64xf32, #tpu.memory_space<vmem_shared>>
      tpu.enqueue_indirect_dma source(%arg6 : memref<128x64xf32, #tpu.memory_space<vmem>>) target(%dma_start3A_72 : memref<10016x64xf32, #tpu.memory_space<vmem_shared>>) offsets(%dma_start3A_69 : memref<128xi32, #tpu.memory_space<vmem>>) semaphore(%arg11 : memref<!tpu.dma_semaphore, #tpu.memory_space<semaphore_mem>>) {add = true}
      %dma_wait3A_73 = arith.constant 0 : i32
      %dma_wait3A_74 = tpu.memref_slice %arg2[%add3A_55, %dma_wait3A_73] : memref<172032x64xf32, #tpu.memory_space<hbm>> -> memref<128x64xf32, #tpu.memory_space<hbm>>
      %dma_wait3A_75 = arith.constant 0 : i32
      %dma_wait3A_76 = tpu.memref_slice %arg2[%add3A_55, %dma_wait3A_75] : memref<172032x64xf32, #tpu.memory_space<hbm>> -> memref<128x64xf32, #tpu.memory_space<hbm>>
      tpu.wait_dma2 semaphore(%arg10 : memref<!tpu.dma_semaphore, #tpu.memory_space<semaphore_mem>>) src(%dma_wait3A_76 : memref<128x64xf32, #tpu.memory_space<hbm>>) dst(%arg7 : memref<128x64xf32, #tpu.memory_space<vmem>>)
      %dma_start3A_77 = arith.constant 0 : i32
      %dma_start3A_78 = arith.constant 0 : i32
      %dma_start3A_79 = tpu.memref_slice %arg5[%add3A_47, %dma_start3A_77, %dma_start3A_78] : memref<42x1x128xi32, #tpu.memory_space<vmem>> -> memref<1x1x128xi32, #tpu.memory_space<vmem>>
      %dma_start3A_80 = tpu.memref_squeeze %dma_start3A_79 : memref<1x1x128xi32, #tpu.memory_space<vmem>> -> memref<128xi32, #tpu.memory_space<vmem>>
      %dma_start3A_81 = arith.constant 0 : i32
      %dma_start3A_82 = arith.constant 0 : i32
      %dma_start3A_83 = tpu.memref_slice %arg8[%dma_start3A_81, %dma_start3A_82] : memref<10016x64xf32, #tpu.memory_space<vmem_shared>> -> memref<10016x64xf32, #tpu.memory_space<vmem_shared>>
      tpu.enqueue_indirect_dma source(%arg7 : memref<128x64xf32, #tpu.memory_space<vmem>>) target(%dma_start3A_83 : memref<10016x64xf32, #tpu.memory_space<vmem_shared>>) offsets(%dma_start3A_80 : memref<128xi32, #tpu.memory_space<vmem>>) semaphore(%arg12 : memref<!tpu.dma_semaphore, #tpu.memory_space<semaphore_mem>>) {add = true}
      %dma_wait3A_84 = arith.constant 0 : i32
      %dma_wait3A_85 = arith.constant 0 : i32
      %dma_wait3A_86 = tpu.memref_slice %arg5[%mul3A_45, %dma_wait3A_84, %dma_wait3A_85] : memref<42x1x128xi32, #tpu.memory_space<vmem>> -> memref<1x1x128xi32, #tpu.memory_space<vmem>>
      %dma_wait3A_87 = tpu.memref_squeeze %dma_wait3A_86 : memref<1x1x128xi32, #tpu.memory_space<vmem>> -> memref<128xi32, #tpu.memory_space<vmem>>
      %dma_wait3A_88 = arith.constant 0 : i32
      %dma_wait3A_89 = arith.constant 0 : i32
      %dma_wait3A_90 = tpu.memref_slice %arg8[%dma_wait3A_88, %dma_wait3A_89] : memref<10016x64xf32, #tpu.memory_space<vmem_shared>> -> memref<10016x64xf32, #tpu.memory_space<vmem_shared>>
      tpu.wait_indirect_dma semaphore(%arg11 : memref<!tpu.dma_semaphore, #tpu.memory_space<semaphore_mem>>) src(%arg6 : memref<128x64xf32, #tpu.memory_space<vmem>>) dst(%dma_wait3A_90 : memref<10016x64xf32, #tpu.memory_space<vmem_shared>>)
      %dma_wait3A_91 = arith.constant 0 : i32
      %dma_wait3A_92 = arith.constant 0 : i32
      %dma_wait3A_93 = tpu.memref_slice %arg5[%add3A_47, %dma_wait3A_91, %dma_wait3A_92] : memref<42x1x128xi32, #tpu.memory_space<vmem>> -> memref<1x1x128xi32, #tpu.memory_space<vmem>>
      %dma_wait3A_94 = tpu.memref_squeeze %dma_wait3A_93 : memref<1x1x128xi32, #tpu.memory_space<vmem>> -> memref<128xi32, #tpu.memory_space<vmem>>
      %dma_wait3A_95 = arith.constant 0 : i32
      %dma_wait3A_96 = arith.constant 0 : i32
      %dma_wait3A_97 = tpu.memref_slice %arg8[%dma_wait3A_95, %dma_wait3A_96] : memref<10016x64xf32, #tpu.memory_space<vmem_shared>> -> memref<10016x64xf32, #tpu.memory_space<vmem_shared>>
      tpu.wait_indirect_dma semaphore(%arg12 : memref<!tpu.dma_semaphore, #tpu.memory_space<semaphore_mem>>) src(%arg7 : memref<128x64xf32, #tpu.memory_space<vmem>>) dst(%dma_wait3A_97 : memref<10016x64xf32, #tpu.memory_space<vmem_shared>>)
      %scan3A_98 = arith.constant 0 : i32
      scf.yield %scan3A_98 : i32
    }
    %scan3A_34 = arith.constant 21 : i32
    %scan3A_35 = arith.constant 0 : i32
    %scan3A_36 = arith.constant 1 : i32
    %barrier3A_37 = arith.constant 0 : index
    tpu.barrier barrier_id(%barrier3A_37)
    %mul3A_38 = arith.constant 626 : i32
    %mul3A_39 = arith.muli %arg1, %mul3A_38 : i32
    %mul3A_40 = arith.constant 626 : i32
    %mul3A_41 = arith.muli %arg1, %mul3A_40 : i32
    "tpu.region"() ({
      %run_scoped3A = tpu.sem_alloc : memref<!tpu.dma_semaphore, #tpu.memory_space<semaphore_mem>>
      %dma_start3A = arith.constant 0 : i32
      %dma_start3A_42 = tpu.memref_slice %arg4[%arg0, %mul3A_41, %dma_start3A] : memref<2x10016x64xf32, #tpu.memory_space<hbm>> -> memref<1x626x64xf32, #tpu.memory_space<hbm>>
      %dma_start3A_43 = tpu.memref_squeeze %dma_start3A_42 : memref<1x626x64xf32, #tpu.memory_space<hbm>> -> memref<626x64xf32, #tpu.memory_space<hbm>>
      %dma_start3A_44 = arith.constant 0 : i32
      %dma_start3A_45 = tpu.memref_slice %arg8[%mul3A_39, %dma_start3A_44] : memref<10016x64xf32, #tpu.memory_space<vmem_shared>> -> memref<626x64xf32, #tpu.memory_space<vmem_shared>>
      tpu.enqueue_dma source(%dma_start3A_45 : memref<626x64xf32, #tpu.memory_space<vmem_shared>>) target(%dma_start3A_43 : memref<626x64xf32, #tpu.memory_space<hbm>>) target_semaphore(%run_scoped3A : memref<!tpu.dma_semaphore, #tpu.memory_space<semaphore_mem>>)
      %dma_wait3A = arith.constant 0 : i32
      %dma_wait3A_46 = tpu.memref_slice %arg4[%arg0, %mul3A_41, %dma_wait3A] : memref<2x10016x64xf32, #tpu.memory_space<hbm>> -> memref<1x626x64xf32, #tpu.memory_space<hbm>>
      %dma_wait3A_47 = tpu.memref_squeeze %dma_wait3A_46 : memref<1x626x64xf32, #tpu.memory_space<hbm>> -> memref<626x64xf32, #tpu.memory_space<hbm>>
      %dma_wait3A_48 = arith.constant 0 : i32
      %dma_wait3A_49 = tpu.memref_slice %arg8[%mul3A_39, %dma_wait3A_48] : memref<10016x64xf32, #tpu.memory_space<vmem_shared>> -> memref<626x64xf32, #tpu.memory_space<vmem_shared>>
      tpu.wait_dma2 semaphore(%run_scoped3A : memref<!tpu.dma_semaphore, #tpu.memory_space<semaphore_mem>>) src(%dma_wait3A_49 : memref<626x64xf32, #tpu.memory_space<vmem_shared>>) dst(%dma_wait3A_47 : memref<626x64xf32, #tpu.memory_space<hbm>>)
      tpu.yield
    }) : () -> ()
    return
  }
}

#map = affine_map<(d0, d1) -> (0, 0)>
#map1 = affine_map<(d0, d1) -> (0, 0, 0)>
module attributes {stable_mosaic.version = 14 : i64} {
  func.func @body(%arg0: i32, %arg1: i32, %arg2: memref<172032x16xf32, #tpu.memory_space<hbm>>, %arg3: memref<1344x1x128xi32, #tpu.memory_space<hbm>>, %arg4: memref<2x10016x16xf32, #tpu.memory_space<hbm>>, %arg5: memref<42x1x128xi32, #tpu.memory_space<vmem>>, %arg6: memref<128x16xf32, #tpu.memory_space<vmem>>, %arg7: memref<128x16xf32, #tpu.memory_space<vmem>>, %arg8: memref<10016x16xf32, #tpu.memory_space<vmem_shared>>, %arg9: memref<!tpu.dma_semaphore, #tpu.memory_space<semaphore_mem>>, %arg10: memref<!tpu.dma_semaphore, #tpu.memory_space<semaphore_mem>>, %arg11: memref<!tpu.dma_semaphore, #tpu.memory_space<semaphore_mem>>, %arg12: memref<!tpu.dma_semaphore, #tpu.memory_space<semaphore_mem>>) attributes {dimension_semantics = [#tpu.dimension_semantics<core_parallel>, #tpu.dimension_semantics<subcore_parallel>], iteration_bounds = array<i64: 2, 16>, scalar_prefetch = 0 : i64, scratch_operands = 8 : i64, tpu.core_type = #tpu.core_type<sc_vector_subcore>, window_params = [{transform_indices = #map}, {transform_indices = #map1}, {transform_indices = #map1}]} {
    %mul3A = arith.constant 2 : i32
    %mul3A_0 = arith.muli %arg1, %mul3A : i32
    %add3A = arith.addi %mul3A_0, %arg0 : i32
    %broadcast_in_dim3A = arith.constant 0.000000e+00 : f32
    %broadcast_in_dim3A_1 = vector.broadcast %broadcast_in_dim3A : f32 to vector<16xf32>
    %scan3A = arith.constant 0 : i32
    %scan3A_2 = arith.constant 0 : i32
    %scan3A_3 = arith.constant 128 : i32
    %scan3A_4 = arith.addi %scan3A_2, %scan3A_3 : i32
    %scan3A_5 = arith.constant 1 : i32
    %scan3A_6 = scf.for %scan3A_42 = %scan3A_2 to %scan3A_4 step %scan3A_5 iter_args(%scan3A_43 = %scan3A) -> (i32)  : i32 {
      %swap3A = arith.index_cast %scan3A_42 : i32 to index
      %swap3A_44 = arith.constant 0 : index
      %swap3A_45 = tpu.vector_load %arg6[%swap3A, %swap3A_44] {strides = array<i32>} : memref<128x16xf32, #tpu.memory_space<vmem>>, vector<1x16xf32>,
      %swap3A_46 = vector.shape_cast %swap3A_45 : vector<1x16xf32> to vector<16xf32>
      %swap3A_47 = vector.shape_cast %broadcast_in_dim3A_1 : vector<16xf32> to vector<1x16xf32>
      tpu.vector_store %arg6[%swap3A, %swap3A_44], %swap3A_47 {strides = array<i32>} : memref<128x16xf32, #tpu.memory_space<vmem>>, vector<1x16xf32>,
      %scan3A_48 = arith.constant 0 : i32
      scf.yield %scan3A_48 : i32
    }
    %scan3A_7 = arith.constant 128 : i32
    %scan3A_8 = arith.constant 0 : i32
    %scan3A_9 = arith.constant 0 : i32
    %scan3A_10 = arith.constant 4 : i32
    %scan3A_11 = arith.addi %scan3A_9, %scan3A_10 : i32
    %scan3A_12 = arith.constant 1 : i32
    %scan3A_13 = scf.for %scan3A_42 = %scan3A_9 to %scan3A_11 step %scan3A_12 iter_args(%scan3A_43 = %scan3A_8) -> (i32)  : i32 {
      %mul3A_44 = arith.constant 626 : i32
      %mul3A_45 = arith.muli %arg1, %mul3A_44 : i32
      %mul3A_46 = arith.constant 128 : i32
      %mul3A_47 = arith.muli %scan3A_42, %mul3A_46 : i32
      %add3A_48 = arith.addi %mul3A_45, %mul3A_47 : i32
      "tpu.region"() ({
        %run_scoped3A = tpu.sem_alloc : memref<!tpu.dma_semaphore, #tpu.memory_space<semaphore_mem>>
        %dma_start3A = arith.constant 0 : i32
        %dma_start3A_50 = tpu.memref_slice %arg8[%add3A_48, %dma_start3A] : memref<10016x16xf32, #tpu.memory_space<vmem_shared>> -> memref<128x16xf32, #tpu.memory_space<vmem_shared>>
        %dma_start3A_51 = arith.constant 0 : i32
        %dma_start3A_52 = tpu.memref_slice %arg8[%add3A_48, %dma_start3A_51] : memref<10016x16xf32, #tpu.memory_space<vmem_shared>> -> memref<128x16xf32, #tpu.memory_space<vmem_shared>>
        tpu.enqueue_dma source(%arg6 : memref<128x16xf32, #tpu.memory_space<vmem>>) target(%dma_start3A_52 : memref<128x16xf32, #tpu.memory_space<vmem_shared>>) target_semaphore(%run_scoped3A : memref<!tpu.dma_semaphore, #tpu.memory_space<semaphore_mem>>)
        %dma_wait3A = arith.constant 0 : i32
        %dma_wait3A_53 = tpu.memref_slice %arg8[%add3A_48, %dma_wait3A] : memref<10016x16xf32, #tpu.memory_space<vmem_shared>> -> memref<128x16xf32, #tpu.memory_space<vmem_shared>>
        %dma_wait3A_54 = arith.constant 0 : i32
        %dma_wait3A_55 = tpu.memref_slice %arg8[%add3A_48, %dma_wait3A_54] : memref<10016x16xf32, #tpu.memory_space<vmem_shared>> -> memref<128x16xf32, #tpu.memory_space<vmem_shared>>
        tpu.wait_dma2 semaphore(%run_scoped3A : memref<!tpu.dma_semaphore, #tpu.memory_space<semaphore_mem>>) src(%arg6 : memref<128x16xf32, #tpu.memory_space<vmem>>) dst(%dma_wait3A_55 : memref<128x16xf32, #tpu.memory_space<vmem_shared>>)
        tpu.yield
      }) : () -> ()
      %scan3A_49 = arith.constant 0 : i32
      scf.yield %scan3A_49 : i32
    }
    %scan3A_14 = arith.constant 4 : i32
    %mul3A_15 = arith.constant 626 : i32
    %mul3A_16 = arith.muli %arg1, %mul3A_15 : i32
    %add3A_17 = arith.constant 512 : i32
    %add3A_18 = arith.addi %mul3A_16, %add3A_17 : i32
    "tpu.region"() ({
      %run_scoped3A = tpu.sem_alloc : memref<!tpu.dma_semaphore, #tpu.memory_space<semaphore_mem>>
      %dma_start3A = arith.constant 0 : i32
      %dma_start3A_42 = arith.constant 0 : i32
      %dma_start3A_43 = tpu.memref_slice %arg6[%dma_start3A, %dma_start3A_42] : memref<128x16xf32, #tpu.memory_space<vmem>> -> memref<114x16xf32, #tpu.memory_space<vmem>>
      %dma_start3A_44 = arith.constant 0 : i32
      %dma_start3A_45 = tpu.memref_slice %arg8[%add3A_18, %dma_start3A_44] : memref<10016x16xf32, #tpu.memory_space<vmem_shared>> -> memref<114x16xf32, #tpu.memory_space<vmem_shared>>
      %dma_start3A_46 = arith.constant 0 : i32
      %dma_start3A_47 = tpu.memref_slice %arg8[%add3A_18, %dma_start3A_46] : memref<10016x16xf32, #tpu.memory_space<vmem_shared>> -> memref<114x16xf32, #tpu.memory_space<vmem_shared>>
      %dma_start3A_48 = arith.constant 0 : i32
      %dma_start3A_49 = arith.constant 0 : i32
      %dma_start3A_50 = tpu.memref_slice %arg6[%dma_start3A_48, %dma_start3A_49] : memref<128x16xf32, #tpu.memory_space<vmem>> -> memref<114x16xf32, #tpu.memory_space<vmem>>
      tpu.enqueue_dma source(%dma_start3A_50 : memref<114x16xf32, #tpu.memory_space<vmem>>) target(%dma_start3A_47 : memref<114x16xf32, #tpu.memory_space<vmem_shared>>) target_semaphore(%run_scoped3A : memref<!tpu.dma_semaphore, #tpu.memory_space<semaphore_mem>>)
      %dma_wait3A = arith.constant 0 : i32
      %dma_wait3A_51 = arith.constant 0 : i32
      %dma_wait3A_52 = tpu.memref_slice %arg6[%dma_wait3A, %dma_wait3A_51] : memref<128x16xf32, #tpu.memory_space<vmem>> -> memref<114x16xf32, #tpu.memory_space<vmem>>
      %dma_wait3A_53 = arith.constant 0 : i32
      %dma_wait3A_54 = tpu.memref_slice %arg8[%add3A_18, %dma_wait3A_53] : memref<10016x16xf32, #tpu.memory_space<vmem_shared>> -> memref<114x16xf32, #tpu.memory_space<vmem_shared>>
      %dma_wait3A_55 = arith.constant 0 : i32
      %dma_wait3A_56 = tpu.memref_slice %arg8[%add3A_18, %dma_wait3A_55] : memref<10016x16xf32, #tpu.memory_space<vmem_shared>> -> memref<114x16xf32, #tpu.memory_space<vmem_shared>>
      %dma_wait3A_57 = arith.constant 0 : i32
      %dma_wait3A_58 = arith.constant 0 : i32
      %dma_wait3A_59 = tpu.memref_slice %arg6[%dma_wait3A_57, %dma_wait3A_58] : memref<128x16xf32, #tpu.memory_space<vmem>> -> memref<114x16xf32, #tpu.memory_space<vmem>>
      tpu.wait_dma2 semaphore(%run_scoped3A : memref<!tpu.dma_semaphore, #tpu.memory_space<semaphore_mem>>) src(%dma_wait3A_59 : memref<114x16xf32, #tpu.memory_space<vmem>>) dst(%dma_wait3A_56 : memref<114x16xf32, #tpu.memory_space<vmem_shared>>)
      tpu.yield
    }) : () -> ()
    %barrier3A = arith.constant 0 : index
    tpu.barrier barrier_id(%barrier3A)
    %mul3A_19 = arith.constant 5376 : i32
    %mul3A_20 = arith.muli %add3A, %mul3A_19 : i32
    %scan3A_21 = arith.constant 0 : i32
    %scan3A_22 = arith.constant 0 : i32
    %mul3A_23 = arith.constant 42 : i32
    %mul3A_24 = arith.muli %add3A, %mul3A_23 : i32
    %mul3A_25 = arith.constant 42 : i32
    %mul3A_26 = arith.muli %scan3A_22, %mul3A_25 : i32
    %add3A_27 = arith.addi %mul3A_24, %mul3A_26 : i32
    "tpu.region"() ({
      %run_scoped3A = tpu.sem_alloc : memref<!tpu.dma_semaphore, #tpu.memory_space<semaphore_mem>>
      %dma_start3A = arith.constant 0 : i32
      %dma_start3A_42 = arith.constant 0 : i32
      %dma_start3A_43 = tpu.memref_slice %arg3[%add3A_27, %dma_start3A, %dma_start3A_42] : memref<1344x1x128xi32, #tpu.memory_space<hbm>> -> memref<42x1x128xi32, #tpu.memory_space<hbm>>
      %dma_start3A_44 = arith.constant 0 : i32
      %dma_start3A_45 = arith.constant 0 : i32
      %dma_start3A_46 = tpu.memref_slice %arg3[%add3A_27, %dma_start3A_44, %dma_start3A_45] : memref<1344x1x128xi32, #tpu.memory_space<hbm>> -> memref<42x1x128xi32, #tpu.memory_space<hbm>>
      tpu.enqueue_dma source(%dma_start3A_46 : memref<42x1x128xi32, #tpu.memory_space<hbm>>) target(%arg5 : memref<42x1x128xi32, #tpu.memory_space<vmem>>) target_semaphore(%run_scoped3A : memref<!tpu.dma_semaphore, #tpu.memory_space<semaphore_mem>>)
      %dma_wait3A = arith.constant 0 : i32
      %dma_wait3A_47 = arith.constant 0 : i32
      %dma_wait3A_48 = tpu.memref_slice %arg3[%add3A_27, %dma_wait3A, %dma_wait3A_47] : memref<1344x1x128xi32, #tpu.memory_space<hbm>> -> memref<42x1x128xi32, #tpu.memory_space<hbm>>
      %dma_wait3A_49 = arith.constant 0 : i32
      %dma_wait3A_50 = arith.constant 0 : i32
      %dma_wait3A_51 = tpu.memref_slice %arg3[%add3A_27, %dma_wait3A_49, %dma_wait3A_50] : memref<1344x1x128xi32, #tpu.memory_space<hbm>> -> memref<42x1x128xi32, #tpu.memory_space<hbm>>
      tpu.wait_dma2 semaphore(%run_scoped3A : memref<!tpu.dma_semaphore, #tpu.memory_space<semaphore_mem>>) src(%dma_wait3A_51 : memref<42x1x128xi32, #tpu.memory_space<hbm>>) dst(%arg5 : memref<42x1x128xi32, #tpu.memory_space<vmem>>)
      tpu.yield
    }) : () -> ()
    %scan3A_28 = arith.constant 0 : i32
    %scan3A_29 = arith.constant 0 : i32
    %scan3A_30 = arith.constant 21 : i32
    %scan3A_31 = arith.addi %scan3A_29, %scan3A_30 : i32
    %scan3A_32 = arith.constant 1 : i32
    %scan3A_33 = scf.for %scan3A_42 = %scan3A_29 to %scan3A_31 step %scan3A_32 iter_args(%scan3A_43 = %scan3A_28) -> (i32)  : i32 {
      %mul3A_44 = arith.constant 2 : i32
      %mul3A_45 = arith.muli %mul3A_44, %scan3A_42 : i32
      %add3A_46 = arith.constant 1 : i32
      %add3A_47 = arith.addi %mul3A_45, %add3A_46 : i32
      %mul3A_48 = arith.constant 42 : i32
      %mul3A_49 = arith.muli %scan3A_22, %mul3A_48 : i32
      %add3A_50 = arith.addi %mul3A_49, %mul3A_45 : i32
      %mul3A_51 = arith.constant 128 : i32
      %mul3A_52 = arith.muli %add3A_50, %mul3A_51 : i32
      %add3A_53 = arith.addi %mul3A_20, %mul3A_52 : i32
      %add3A_54 = arith.constant 128 : i32
      %add3A_55 = arith.addi %add3A_53, %add3A_54 : i32
      %dma_start3A = arith.constant 0 : i32
      %dma_start3A_56 = tpu.memref_slice %arg2[%add3A_53, %dma_start3A] : memref<172032x16xf32, #tpu.memory_space<hbm>> -> memref<128x16xf32, #tpu.memory_space<hbm>>
      %dma_start3A_57 = arith.constant 0 : i32
      %dma_start3A_58 = tpu.memref_slice %arg2[%add3A_53, %dma_start3A_57] : memref<172032x16xf32, #tpu.memory_space<hbm>> -> memref<128x16xf32, #tpu.memory_space<hbm>>
      tpu.enqueue_dma source(%dma_start3A_58 : memref<128x16xf32, #tpu.memory_space<hbm>>) target(%arg6 : memref<128x16xf32, #tpu.memory_space<vmem>>) target_semaphore(%arg9 : memref<!tpu.dma_semaphore, #tpu.memory_space<semaphore_mem>>)
      %dma_start3A_59 = arith.constant 0 : i32
      %dma_start3A_60 = tpu.memref_slice %arg2[%add3A_55, %dma_start3A_59] : memref<172032x16xf32, #tpu.memory_space<hbm>> -> memref<128x16xf32, #tpu.memory_space<hbm>>
      %dma_start3A_61 = arith.constant 0 : i32
      %dma_start3A_62 = tpu.memref_slice %arg2[%add3A_55, %dma_start3A_61] : memref<172032x16xf32, #tpu.memory_space<hbm>> -> memref<128x16xf32, #tpu.memory_space<hbm>>
      tpu.enqueue_dma source(%dma_start3A_62 : memref<128x16xf32, #tpu.memory_space<hbm>>) target(%arg7 : memref<128x16xf32, #tpu.memory_space<vmem>>) target_semaphore(%arg10 : memref<!tpu.dma_semaphore, #tpu.memory_space<semaphore_mem>>)
      %dma_wait3A = arith.constant 0 : i32
      %dma_wait3A_63 = tpu.memref_slice %arg2[%add3A_53, %dma_wait3A] : memref<172032x16xf32, #tpu.memory_space<hbm>> -> memref<128x16xf32, #tpu.memory_space<hbm>>
      %dma_wait3A_64 = arith.constant 0 : i32
      %dma_wait3A_65 = tpu.memref_slice %arg2[%add3A_53, %dma_wait3A_64] : memref<172032x16xf32, #tpu.memory_space<hbm>> -> memref<128x16xf32, #tpu.memory_space<hbm>>
      tpu.wait_dma2 semaphore(%arg9 : memref<!tpu.dma_semaphore, #tpu.memory_space<semaphore_mem>>) src(%dma_wait3A_65 : memref<128x16xf32, #tpu.memory_space<hbm>>) dst(%arg6 : memref<128x16xf32, #tpu.memory_space<vmem>>)
      %dma_start3A_66 = arith.constant 0 : i32
      %dma_start3A_67 = arith.constant 0 : i32
      %dma_start3A_68 = tpu.memref_slice %arg5[%mul3A_45, %dma_start3A_66, %dma_start3A_67] : memref<42x1x128xi32, #tpu.memory_space<vmem>> -> memref<1x1x128xi32, #tpu.memory_space<vmem>>
      %dma_start3A_69 = tpu.memref_squeeze %dma_start3A_68 : memref<1x1x128xi32, #tpu.memory_space<vmem>> -> memref<128xi32, #tpu.memory_space<vmem>>
      %dma_start3A_70 = arith.constant 0 : i32
      %dma_start3A_71 = arith.constant 0 : i32
      %dma_start3A_72 = tpu.memref_slice %arg8[%dma_start3A_70, %dma_start3A_71] : memref<10016x16xf32, #tpu.memory_space<vmem_shared>> -> memref<10016x16xf32, #tpu.memory_space<vmem_shared>>
      tpu.enqueue_indirect_dma source(%arg6 : memref<128x16xf32, #tpu.memory_space<vmem>>) target(%dma_start3A_72 : memref<10016x16xf32, #tpu.memory_space<vmem_shared>>) offsets(%dma_start3A_69 : memref<128xi32, #tpu.memory_space<vmem>>) semaphore(%arg11 : memref<!tpu.dma_semaphore, #tpu.memory_space<semaphore_mem>>) {add = true}
      %dma_wait3A_73 = arith.constant 0 : i32
      %dma_wait3A_74 = tpu.memref_slice %arg2[%add3A_55, %dma_wait3A_73] : memref<172032x16xf32, #tpu.memory_space<hbm>> -> memref<128x16xf32, #tpu.memory_space<hbm>>
      %dma_wait3A_75 = arith.constant 0 : i32
      %dma_wait3A_76 = tpu.memref_slice %arg2[%add3A_55, %dma_wait3A_75] : memref<172032x16xf32, #tpu.memory_space<hbm>> -> memref<128x16xf32, #tpu.memory_space<hbm>>
      tpu.wait_dma2 semaphore(%arg10 : memref<!tpu.dma_semaphore, #tpu.memory_space<semaphore_mem>>) src(%dma_wait3A_76 : memref<128x16xf32, #tpu.memory_space<hbm>>) dst(%arg7 : memref<128x16xf32, #tpu.memory_space<vmem>>)
      %dma_start3A_77 = arith.constant 0 : i32
      %dma_start3A_78 = arith.constant 0 : i32
      %dma_start3A_79 = tpu.memref_slice %arg5[%add3A_47, %dma_start3A_77, %dma_start3A_78] : memref<42x1x128xi32, #tpu.memory_space<vmem>> -> memref<1x1x128xi32, #tpu.memory_space<vmem>>
      %dma_start3A_80 = tpu.memref_squeeze %dma_start3A_79 : memref<1x1x128xi32, #tpu.memory_space<vmem>> -> memref<128xi32, #tpu.memory_space<vmem>>
      %dma_start3A_81 = arith.constant 0 : i32
      %dma_start3A_82 = arith.constant 0 : i32
      %dma_start3A_83 = tpu.memref_slice %arg8[%dma_start3A_81, %dma_start3A_82] : memref<10016x16xf32, #tpu.memory_space<vmem_shared>> -> memref<10016x16xf32, #tpu.memory_space<vmem_shared>>
      tpu.enqueue_indirect_dma source(%arg7 : memref<128x16xf32, #tpu.memory_space<vmem>>) target(%dma_start3A_83 : memref<10016x16xf32, #tpu.memory_space<vmem_shared>>) offsets(%dma_start3A_80 : memref<128xi32, #tpu.memory_space<vmem>>) semaphore(%arg12 : memref<!tpu.dma_semaphore, #tpu.memory_space<semaphore_mem>>) {add = true}
      %dma_wait3A_84 = arith.constant 0 : i32
      %dma_wait3A_85 = arith.constant 0 : i32
      %dma_wait3A_86 = tpu.memref_slice %arg5[%mul3A_45, %dma_wait3A_84, %dma_wait3A_85] : memref<42x1x128xi32, #tpu.memory_space<vmem>> -> memref<1x1x128xi32, #tpu.memory_space<vmem>>
      %dma_wait3A_87 = tpu.memref_squeeze %dma_wait3A_86 : memref<1x1x128xi32, #tpu.memory_space<vmem>> -> memref<128xi32, #tpu.memory_space<vmem>>
      %dma_wait3A_88 = arith.constant 0 : i32
      %dma_wait3A_89 = arith.constant 0 : i32
      %dma_wait3A_90 = tpu.memref_slice %arg8[%dma_wait3A_88, %dma_wait3A_89] : memref<10016x16xf32, #tpu.memory_space<vmem_shared>> -> memref<10016x16xf32, #tpu.memory_space<vmem_shared>>
      tpu.wait_indirect_dma semaphore(%arg11 : memref<!tpu.dma_semaphore, #tpu.memory_space<semaphore_mem>>) src(%arg6 : memref<128x16xf32, #tpu.memory_space<vmem>>) dst(%dma_wait3A_90 : memref<10016x16xf32, #tpu.memory_space<vmem_shared>>)
      %dma_wait3A_91 = arith.constant 0 : i32
      %dma_wait3A_92 = arith.constant 0 : i32
      %dma_wait3A_93 = tpu.memref_slice %arg5[%add3A_47, %dma_wait3A_91, %dma_wait3A_92] : memref<42x1x128xi32, #tpu.memory_space<vmem>> -> memref<1x1x128xi32, #tpu.memory_space<vmem>>
      %dma_wait3A_94 = tpu.memref_squeeze %dma_wait3A_93 : memref<1x1x128xi32, #tpu.memory_space<vmem>> -> memref<128xi32, #tpu.memory_space<vmem>>
      %dma_wait3A_95 = arith.constant 0 : i32
      %dma_wait3A_96 = arith.constant 0 : i32
      %dma_wait3A_97 = tpu.memref_slice %arg8[%dma_wait3A_95, %dma_wait3A_96] : memref<10016x16xf32, #tpu.memory_space<vmem_shared>> -> memref<10016x16xf32, #tpu.memory_space<vmem_shared>>
      tpu.wait_indirect_dma semaphore(%arg12 : memref<!tpu.dma_semaphore, #tpu.memory_space<semaphore_mem>>) src(%arg7 : memref<128x16xf32, #tpu.memory_space<vmem>>) dst(%dma_wait3A_97 : memref<10016x16xf32, #tpu.memory_space<vmem_shared>>)
      %scan3A_98 = arith.constant 0 : i32
      scf.yield %scan3A_98 : i32
    }
    %scan3A_34 = arith.constant 21 : i32
    %scan3A_35 = arith.constant 0 : i32
    %scan3A_36 = arith.constant 1 : i32
    %barrier3A_37 = arith.constant 0 : index
    tpu.barrier barrier_id(%barrier3A_37)
    %mul3A_38 = arith.constant 626 : i32
    %mul3A_39 = arith.muli %arg1, %mul3A_38 : i32
    %mul3A_40 = arith.constant 626 : i32
    %mul3A_41 = arith.muli %arg1, %mul3A_40 : i32
    "tpu.region"() ({
      %run_scoped3A = tpu.sem_alloc : memref<!tpu.dma_semaphore, #tpu.memory_space<semaphore_mem>>
      %dma_start3A = arith.constant 0 : i32
      %dma_start3A_42 = tpu.memref_slice %arg4[%arg0, %mul3A_41, %dma_start3A] : memref<2x10016x16xf32, #tpu.memory_space<hbm>> -> memref<1x626x16xf32, #tpu.memory_space<hbm>>
      %dma_start3A_43 = tpu.memref_squeeze %dma_start3A_42 : memref<1x626x16xf32, #tpu.memory_space<hbm>> -> memref<626x16xf32, #tpu.memory_space<hbm>>
      %dma_start3A_44 = arith.constant 0 : i32
      %dma_start3A_45 = tpu.memref_slice %arg8[%mul3A_39, %dma_start3A_44] : memref<10016x16xf32, #tpu.memory_space<vmem_shared>> -> memref<626x16xf32, #tpu.memory_space<vmem_shared>>
      tpu.enqueue_dma source(%dma_start3A_45 : memref<626x16xf32, #tpu.memory_space<vmem_shared>>) target(%dma_start3A_43 : memref<626x16xf32, #tpu.memory_space<hbm>>) target_semaphore(%run_scoped3A : memref<!tpu.dma_semaphore, #tpu.memory_space<semaphore_mem>>)
      %dma_wait3A = arith.constant 0 : i32
      %dma_wait3A_46 = tpu.memref_slice %arg4[%arg0, %mul3A_41, %dma_wait3A] : memref<2x10016x16xf32, #tpu.memory_space<hbm>> -> memref<1x626x16xf32, #tpu.memory_space<hbm>>
      %dma_wait3A_47 = tpu.memref_squeeze %dma_wait3A_46 : memref<1x626x16xf32, #tpu.memory_space<hbm>> -> memref<626x16xf32, #tpu.memory_space<hbm>>
      %dma_wait3A_48 = arith.constant 0 : i32
      %dma_wait3A_49 = tpu.memref_slice %arg8[%mul3A_39, %dma_wait3A_48] : memref<10016x16xf32, #tpu.memory_space<vmem_shared>> -> memref<626x16xf32, #tpu.memory_space<vmem_shared>>
      tpu.wait_dma2 semaphore(%run_scoped3A : memref<!tpu.dma_semaphore, #tpu.memory_space<semaphore_mem>>) src(%dma_wait3A_49 : memref<626x16xf32, #tpu.memory_space<vmem_shared>>) dst(%dma_wait3A_47 : memref<626x16xf32, #tpu.memory_space<hbm>>)
      tpu.yield
    }) : () -> ()
    return
  }
}

module attributes {stable_mosaic.version = 14 : i64} {
  func.func @_tc_matmul_body(%arg0: i32, %arg1: memref<2000x256xf32, #tpu.memory_space<vmem>>, %arg2: memref<256x384xf32, #tpu.memory_space<vmem>>, %arg3: memref<2000x384xf32, #tpu.memory_space<vmem>>) attributes {dimension_semantics = [#tpu.dimension_semantics<arbitrary>], iteration_bounds = array<i64: 5>, scalar_prefetch = 0 : i64, scratch_operands = 0 : i64, tpu.core_type = #tpu.core_type<tc>, window_params = [{transform_indices = @transform_0, window_bounds = array<i64: 2000, 256>}, {pipeline_mode = #tpu.pipeline_mode<synchronous>, transform_indices = @transform_1, window_bounds = array<i64: 256, 384>}, {transform_indices = @transform_2, window_bounds = array<i64: 2000, 384>}]} {
    %get3A = arith.constant 0 : index
    %get3A_0 = arith.constant 0 : index
    %get3A_1 = vector.load %arg1[%get3A, %get3A_0] : memref<2000x256xf32, #tpu.memory_space<vmem>>, vector<2000x256xf32>
    %get3A_2 = arith.constant 0 : index
    %get3A_3 = arith.constant 0 : index
    %get3A_4 = vector.load %arg2[%get3A_2, %get3A_3] : memref<256x384xf32, #tpu.memory_space<vmem>>, vector<256x384xf32>
    %dot_general3A = arith.constant dense<0.000000e+00> : vector<2000x384xf32>
    %dot_general3A_5 = tpu.matmul %get3A_1, %get3A_4, %dot_general3A {dimension_numbers = #tpu.dot_dimension_numbers<[1], [0], [0], [1], [0, 0, 1, 1], [], []>, transpose_lhs_hint = false} : vector<2000x256xf32>, vector<256x384xf32>, vector<2000x384xf32> -> vector<2000x384xf32>
    %swap3A = arith.constant 0 : index
    %swap3A_6 = arith.constant 0 : index
    %swap3A_7 = vector.load %arg3[%swap3A, %swap3A_6] : memref<2000x384xf32, #tpu.memory_space<vmem>>, vector<2000x384xf32>
    tpu.vector_store %arg3[%swap3A, %swap3A_6], %dot_general3A_5 {strides = array<i32>} : memref<2000x384xf32, #tpu.memory_space<vmem>>, vector<2000x384xf32>,
    return
  }
  func.func @transform_0(%arg0: i32) -> (i32, i32) {
    %c0_i32 = arith.constant 0 : i32
    %c0_i32_0 = arith.constant 0 : i32
    return %arg0, %c0_i32 : i32, i32
  }
  func.func @transform_1(%arg0: i32) -> (i32, i32) {
    %c0_i32 = arith.constant 0 : i32
    %c0_i32_0 = arith.constant 0 : i32
    %c0_i32_1 = arith.constant 0 : i32
    return %c0_i32, %c0_i32_0 : i32, i32
  }
  func.func @transform_2(%arg0: i32) -> (i32, i32) {
    %c0_i32 = arith.constant 0 : i32
    %c0_i32_0 = arith.constant 0 : i32
    return %arg0, %c0_i32 : i32, i32
  }
}

module attributes {stable_mosaic.version = 14 : i64} {
  func.func @_tc_edge_body(%arg0: i32, %arg1: memref<2048x192xf32, #tpu.memory_space<vmem>>, %arg2: memref<2048x192xf32, #tpu.memory_space<vmem>>, %arg3: memref<2048x1xf32, #tpu.memory_space<vmem>>, %arg4: memref<1x192xf32, #tpu.memory_space<vmem>>, %arg5: memref<1x16xf32, #tpu.memory_space<vmem>>, %arg6: memref<1x16xf32, #tpu.memory_space<vmem>>, %arg7: memref<192x16xf32, #tpu.memory_space<vmem>>, %arg8: memref<16x192xf32, #tpu.memory_space<vmem>>, %arg9: memref<2048x192xf32, #tpu.memory_space<vmem>>, %arg10: memref<2048x16xf32, #tpu.memory_space<vmem>>) attributes {dimension_semantics = [#tpu.dimension_semantics<arbitrary>], iteration_bounds = array<i64: 84>, scalar_prefetch = 0 : i64, scratch_operands = 0 : i64, tpu.core_type = #tpu.core_type<tc>, window_params = [{transform_indices = @transform_0, window_bounds = array<i64: 2048, 192>}, {transform_indices = @transform_1, window_bounds = array<i64: 2048, 192>}, {transform_indices = @transform_2, window_bounds = array<i64: 2048, 1>}, {pipeline_mode = #tpu.pipeline_mode<synchronous>, transform_indices = @transform_3, window_bounds = array<i64: 1, 192>}, {pipeline_mode = #tpu.pipeline_mode<synchronous>, transform_indices = @transform_4, window_bounds = array<i64: 1, 16>}, {pipeline_mode = #tpu.pipeline_mode<synchronous>, transform_indices = @transform_5, window_bounds = array<i64: 1, 16>}, {pipeline_mode = #tpu.pipeline_mode<synchronous>, transform_indices = @transform_6, window_bounds = array<i64: 192, 16>}, {pipeline_mode = #tpu.pipeline_mode<synchronous>, transform_indices = @transform_7, window_bounds = array<i64: 16, 192>}, {transform_indices = @transform_8, window_bounds = array<i64: 2048, 192>}, {transform_indices = @transform_9, window_bounds = array<i64: 2048, 16>}]} {
    %get3A = arith.constant 0 : index
    %get3A_0 = arith.constant 0 : index
    %get3A_1 = vector.load %arg1[%get3A, %get3A_0] : memref<2048x192xf32, #tpu.memory_space<vmem>>, vector<2048x192xf32>
    %get3A_2 = arith.constant 0 : index
    %get3A_3 = arith.constant 0 : index
    %get3A_4 = vector.load %arg2[%get3A_2, %get3A_3] : memref<2048x192xf32, #tpu.memory_space<vmem>>, vector<2048x192xf32>
    %add3A = arith.addf %get3A_1, %get3A_4 : vector<2048x192xf32>
    %max3A = arith.constant 0.000000e+00 : f32
    %max3A_5 = vector.broadcast %max3A : f32 to vector<2048x192xf32>
    %max3A_6 = arith.maximumf %add3A, %max3A_5 : vector<2048x192xf32>
    %min3A = arith.constant 0.000000e+00 : f32
    %min3A_7 = vector.broadcast %min3A : f32 to vector<2048x192xf32>
    %min3A_8 = arith.minimumf %add3A, %min3A_7 : vector<2048x192xf32>
    %mul3A = arith.constant 2.000000e-01 : f32
    %mul3A_9 = vector.broadcast %mul3A : f32 to vector<2048x192xf32>
    %mul3A_10 = arith.mulf %mul3A_9, %min3A_8 : vector<2048x192xf32>
    %add3A_11 = arith.addf %max3A_6, %mul3A_10 : vector<2048x192xf32>
    %get3A_12 = arith.constant 0 : index
    %get3A_13 = arith.constant 0 : index
    %get3A_14 = vector.load %arg4[%get3A_12, %get3A_13] : memref<1x192xf32, #tpu.memory_space<vmem>>, vector<1x192xf32>
    %mul3A_15 = vector.broadcast %get3A_14 : vector<1x192xf32> to vector<2048x192xf32>
    %mul3A_16 = arith.mulf %add3A_11, %mul3A_15 : vector<2048x192xf32>
    %get3A_17 = arith.constant 0 : index
    %get3A_18 = arith.constant 0 : index
    %get3A_19 = vector.load %arg7[%get3A_17, %get3A_18] : memref<192x16xf32, #tpu.memory_space<vmem>>, vector<192x16xf32>
    %dot_general3A = arith.constant dense<0.000000e+00> : vector<2048x16xf32>
    %dot_general3A_20 = tpu.matmul %mul3A_16, %get3A_19, %dot_general3A {dimension_numbers = #tpu.dot_dimension_numbers<[1], [0], [0], [1], [0, 0, 1, 1], [], []>, transpose_lhs_hint = false} : vector<2048x192xf32>, vector<192x16xf32>, vector<2048x16xf32> -> vector<2048x16xf32>
    %get3A_21 = arith.constant 0 : index
    %get3A_22 = arith.constant 0 : index
    %get3A_23 = vector.load %arg3[%get3A_21, %get3A_22] : memref<2048x1xf32, #tpu.memory_space<vmem>>, vector<2048x1xf32>
    %get3A_24 = arith.constant 0 : index
    %get3A_25 = arith.constant 0 : index
    %get3A_26 = vector.load %arg5[%get3A_24, %get3A_25] : memref<1x16xf32, #tpu.memory_space<vmem>>, vector<1x16xf32>
    %mul3A_27 = vector.broadcast %get3A_23 : vector<2048x1xf32> to vector<2048x16xf32>
    %mul3A_28 = vector.broadcast %get3A_26 : vector<1x16xf32> to vector<2048x16xf32>
    %mul3A_29 = arith.mulf %mul3A_27, %mul3A_28 : vector<2048x16xf32>
    %add3A_30 = arith.addf %dot_general3A_20, %mul3A_29 : vector<2048x16xf32>
    %exp3A = math.exp %add3A_30 : vector<2048x16xf32>
    %get3A_31 = arith.constant 0 : index
    %get3A_32 = arith.constant 0 : index
    %get3A_33 = vector.load %arg6[%get3A_31, %get3A_32] : memref<1x16xf32, #tpu.memory_space<vmem>>, vector<1x16xf32>
    %mul3A_34 = vector.broadcast %get3A_33 : vector<1x16xf32> to vector<2048x16xf32>
    %mul3A_35 = arith.mulf %exp3A, %mul3A_34 : vector<2048x16xf32>
    %swap3A = arith.constant 0 : index
    %swap3A_36 = arith.constant 0 : index
    %swap3A_37 = vector.load %arg10[%swap3A, %swap3A_36] : memref<2048x16xf32, #tpu.memory_space<vmem>>, vector<2048x16xf32>
    tpu.vector_store %arg10[%swap3A, %swap3A_36], %mul3A_35 {strides = array<i32>} : memref<2048x16xf32, #tpu.memory_space<vmem>>, vector<2048x16xf32>,
    %get3A_38 = arith.constant 0 : index
    %get3A_39 = arith.constant 0 : index
    %get3A_40 = vector.load %arg1[%get3A_38, %get3A_39] : memref<2048x192xf32, #tpu.memory_space<vmem>>, vector<2048x192xf32>
    %get3A_41 = arith.constant 0 : index
    %get3A_42 = arith.constant 0 : index
    %get3A_43 = vector.load %arg8[%get3A_41, %get3A_42] : memref<16x192xf32, #tpu.memory_space<vmem>>, vector<16x192xf32>
    %dot_general3A_44 = arith.constant dense<0.000000e+00> : vector<2048x192xf32>
    %dot_general3A_45 = tpu.matmul %mul3A_35, %get3A_43, %dot_general3A_44 {dimension_numbers = #tpu.dot_dimension_numbers<[1], [0], [0], [1], [0, 0, 1, 1], [], []>, transpose_lhs_hint = false} : vector<2048x16xf32>, vector<16x192xf32>, vector<2048x192xf32> -> vector<2048x192xf32>
    %mul3A_46 = arith.mulf %get3A_40, %dot_general3A_45 : vector<2048x192xf32>
    %swap3A_47 = arith.constant 0 : index
    %swap3A_48 = arith.constant 0 : index
    %swap3A_49 = vector.load %arg9[%swap3A_47, %swap3A_48] : memref<2048x192xf32, #tpu.memory_space<vmem>>, vector<2048x192xf32>
    tpu.vector_store %arg9[%swap3A_47, %swap3A_48], %mul3A_46 {strides = array<i32>} : memref<2048x192xf32, #tpu.memory_space<vmem>>, vector<2048x192xf32>,
    return
  }
  func.func @transform_0(%arg0: i32) -> (i32, i32) {
    %c0_i32 = arith.constant 0 : i32
    %c0_i32_0 = arith.constant 0 : i32
    return %arg0, %c0_i32 : i32, i32
  }
  func.func @transform_1(%arg0: i32) -> (i32, i32) {
    %c0_i32 = arith.constant 0 : i32
    %c0_i32_0 = arith.constant 0 : i32
    return %arg0, %c0_i32 : i32, i32
  }
  func.func @transform_2(%arg0: i32) -> (i32, i32) {
    %c0_i32 = arith.constant 0 : i32
    %c0_i32_0 = arith.constant 0 : i32
    return %arg0, %c0_i32 : i32, i32
  }
  func.func @transform_3(%arg0: i32) -> (i32, i32) {
    %c0_i32 = arith.constant 0 : i32
    %c0_i32_0 = arith.constant 0 : i32
    %c0_i32_1 = arith.constant 0 : i32
    return %c0_i32, %c0_i32_0 : i32, i32
  }
  func.func @transform_4(%arg0: i32) -> (i32, i32) {
    %c0_i32 = arith.constant 0 : i32
    %c0_i32_0 = arith.constant 0 : i32
    %c0_i32_1 = arith.constant 0 : i32
    return %c0_i32, %c0_i32_0 : i32, i32
  }
  func.func @transform_5(%arg0: i32) -> (i32, i32) {
    %c0_i32 = arith.constant 0 : i32
    %c0_i32_0 = arith.constant 0 : i32
    %c0_i32_1 = arith.constant 0 : i32
    return %c0_i32, %c0_i32_0 : i32, i32
  }
  func.func @transform_6(%arg0: i32) -> (i32, i32) {
    %c0_i32 = arith.constant 0 : i32
    %c0_i32_0 = arith.constant 0 : i32
    %c0_i32_1 = arith.constant 0 : i32
    return %c0_i32, %c0_i32_0 : i32, i32
  }
  func.func @transform_7(%arg0: i32) -> (i32, i32) {
    %c0_i32 = arith.constant 0 : i32
    %c0_i32_0 = arith.constant 0 : i32
    %c0_i32_1 = arith.constant 0 : i32
    return %c0_i32, %c0_i32_0 : i32, i32
  }
  func.func @transform_8(%arg0: i32) -> (i32, i32) {
    %c0_i32 = arith.constant 0 : i32
    %c0_i32_0 = arith.constant 0 : i32
    return %arg0, %c0_i32 : i32, i32
  }
  func.func @transform_9(%arg0: i32) -> (i32, i32) {
    %c0_i32 = arith.constant 0 : i32
    %c0_i32_0 = arith.constant 0 : i32
    return %arg0, %c0_i32 : i32, i32
  }
}

module attributes {stable_mosaic.version = 14 : i64} {
  func.func @_tc_mid_body(%arg0: i32, %arg1: memref<2000x192xf32, #tpu.memory_space<vmem>>, %arg2: memref<2000x192xf32, #tpu.memory_space<vmem>>, %arg3: memref<2000x16xf32, #tpu.memory_space<vmem>>, %arg4: memref<2000x16xf32, #tpu.memory_space<vmem>>, %arg5: memref<2000x192xf32, #tpu.memory_space<vmem>>, %arg6: memref<16x192xf32, #tpu.memory_space<vmem>>, %arg7: memref<192x128xf32, #tpu.memory_space<vmem>>, %arg8: memref<2000x128xf32, #tpu.memory_space<vmem>>) attributes {dimension_semantics = [#tpu.dimension_semantics<arbitrary>], iteration_bounds = array<i64: 5>, scalar_prefetch = 0 : i64, scratch_operands = 0 : i64, tpu.core_type = #tpu.core_type<tc>, window_params = [{transform_indices = @transform_0, window_bounds = array<i64: 2000, 192>}, {transform_indices = @transform_1, window_bounds = array<i64: 2000, 192>}, {transform_indices = @transform_2, window_bounds = array<i64: 2000, 16>}, {transform_indices = @transform_3, window_bounds = array<i64: 2000, 16>}, {transform_indices = @transform_4, window_bounds = array<i64: 2000, 192>}, {pipeline_mode = #tpu.pipeline_mode<synchronous>, transform_indices = @transform_5, window_bounds = array<i64: 16, 192>}, {pipeline_mode = #tpu.pipeline_mode<synchronous>, transform_indices = @transform_6, window_bounds = array<i64: 192, 128>}, {transform_indices = @transform_7, window_bounds = array<i64: 2000, 128>}]} {
    %get3A = arith.constant 0 : index
    %get3A_0 = arith.constant 0 : index
    %get3A_1 = vector.load %arg3[%get3A, %get3A_0] : memref<2000x16xf32, #tpu.memory_space<vmem>>, vector<2000x16xf32>
    %get3A_2 = arith.constant 0 : index
    %get3A_3 = arith.constant 0 : index
    %get3A_4 = vector.load %arg4[%get3A_2, %get3A_3] : memref<2000x16xf32, #tpu.memory_space<vmem>>, vector<2000x16xf32>
    %add3A = arith.addf %get3A_1, %get3A_4 : vector<2000x16xf32>
    %max3A = arith.constant 9.99999996E-13 : f32
    %max3A_5 = vector.broadcast %max3A : f32 to vector<2000x16xf32>
    %max3A_6 = arith.maximumf %add3A, %max3A_5 : vector<2000x16xf32>
    %get3A_7 = arith.constant 0 : index
    %get3A_8 = arith.constant 0 : index
    %get3A_9 = vector.load %arg6[%get3A_7, %get3A_8] : memref<16x192xf32, #tpu.memory_space<vmem>>, vector<16x192xf32>
    %dot_general3A = arith.constant dense<0.000000e+00> : vector<2000x192xf32>
    %dot_general3A_10 = tpu.matmul %max3A_6, %get3A_9, %dot_general3A {dimension_numbers = #tpu.dot_dimension_numbers<[1], [0], [0], [1], [0, 0, 1, 1], [], []>, transpose_lhs_hint = false} : vector<2000x16xf32>, vector<16x192xf32>, vector<2000x192xf32> -> vector<2000x192xf32>
    %get3A_11 = arith.constant 0 : index
    %get3A_12 = arith.constant 0 : index
    %get3A_13 = vector.load %arg1[%get3A_11, %get3A_12] : memref<2000x192xf32, #tpu.memory_space<vmem>>, vector<2000x192xf32>
    %get3A_14 = arith.constant 0 : index
    %get3A_15 = arith.constant 0 : index
    %get3A_16 = vector.load %arg2[%get3A_14, %get3A_15] : memref<2000x192xf32, #tpu.memory_space<vmem>>, vector<2000x192xf32>
    %add3A_17 = arith.addf %get3A_13, %get3A_16 : vector<2000x192xf32>
    %div3A = arith.divf %add3A_17, %dot_general3A_10 : vector<2000x192xf32>
    %get3A_18 = arith.constant 0 : index
    %get3A_19 = arith.constant 0 : index
    %get3A_20 = vector.load %arg5[%get3A_18, %get3A_19] : memref<2000x192xf32, #tpu.memory_space<vmem>>, vector<2000x192xf32>
    %add3A_21 = arith.addf %div3A, %get3A_20 : vector<2000x192xf32>
    %gt3A = arith.constant 0.000000e+00 : f32
    %gt3A_22 = vector.broadcast %gt3A : f32 to vector<2000x192xf32>
    %gt3A_23 = arith.cmpf ogt, %add3A_21, %gt3A_22 : vector<2000x192xf32>
    %exp3A = math.exp %add3A_21 : vector<2000x192xf32>
    %sub3A = arith.constant 1.000000e+00 : f32
    %sub3A_24 = vector.broadcast %sub3A : f32 to vector<2000x192xf32>
    %sub3A_25 = arith.subf %exp3A, %sub3A_24 : vector<2000x192xf32>
    %select_n3A = arith.select %gt3A_23, %add3A_21, %sub3A_25 : vector<2000x192xi1>, vector<2000x192xf32>
    %get3A_26 = arith.constant 0 : index
    %get3A_27 = arith.constant 0 : index
    %get3A_28 = vector.load %arg7[%get3A_26, %get3A_27] : memref<192x128xf32, #tpu.memory_space<vmem>>, vector<192x128xf32>
    %dot_general3A_29 = arith.constant dense<0.000000e+00> : vector<2000x128xf32>
    %dot_general3A_30 = tpu.matmul %select_n3A, %get3A_28, %dot_general3A_29 {dimension_numbers = #tpu.dot_dimension_numbers<[1], [0], [0], [1], [0, 0, 1, 1], [], []>, transpose_lhs_hint = false} : vector<2000x192xf32>, vector<192x128xf32>, vector<2000x128xf32> -> vector<2000x128xf32>
    %swap3A = arith.constant 0 : index
    %swap3A_31 = arith.constant 0 : index
    %swap3A_32 = vector.load %arg8[%swap3A, %swap3A_31] : memref<2000x128xf32, #tpu.memory_space<vmem>>, vector<2000x128xf32>
    tpu.vector_store %arg8[%swap3A, %swap3A_31], %dot_general3A_30 {strides = array<i32>} : memref<2000x128xf32, #tpu.memory_space<vmem>>, vector<2000x128xf32>,
    return
  }
  func.func @transform_0(%arg0: i32) -> (i32, i32) {
    %c0_i32 = arith.constant 0 : i32
    %c0_i32_0 = arith.constant 0 : i32
    return %arg0, %c0_i32 : i32, i32
  }
  func.func @transform_1(%arg0: i32) -> (i32, i32) {
    %c0_i32 = arith.constant 0 : i32
    %c0_i32_0 = arith.constant 0 : i32
    return %arg0, %c0_i32 : i32, i32
  }
  func.func @transform_2(%arg0: i32) -> (i32, i32) {
    %c0_i32 = arith.constant 0 : i32
    %c0_i32_0 = arith.constant 0 : i32
    return %arg0, %c0_i32 : i32, i32
  }
  func.func @transform_3(%arg0: i32) -> (i32, i32) {
    %c0_i32 = arith.constant 0 : i32
    %c0_i32_0 = arith.constant 0 : i32
    return %arg0, %c0_i32 : i32, i32
  }
  func.func @transform_4(%arg0: i32) -> (i32, i32) {
    %c0_i32 = arith.constant 0 : i32
    %c0_i32_0 = arith.constant 0 : i32
    return %arg0, %c0_i32 : i32, i32
  }
  func.func @transform_5(%arg0: i32) -> (i32, i32) {
    %c0_i32 = arith.constant 0 : i32
    %c0_i32_0 = arith.constant 0 : i32
    %c0_i32_1 = arith.constant 0 : i32
    return %c0_i32, %c0_i32_0 : i32, i32
  }
  func.func @transform_6(%arg0: i32) -> (i32, i32) {
    %c0_i32 = arith.constant 0 : i32
    %c0_i32_0 = arith.constant 0 : i32
    %c0_i32_1 = arith.constant 0 : i32
    return %c0_i32, %c0_i32_0 : i32, i32
  }
  func.func @transform_7(%arg0: i32) -> (i32, i32) {
    %c0_i32 = arith.constant 0 : i32
    %c0_i32_0 = arith.constant 0 : i32
    return %arg0, %c0_i32 : i32, i32
  }
}

module attributes {stable_mosaic.version = 14 : i64} {
  func.func @_tc_edge_body(%arg0: i32, %arg1: memref<2048x64xf32, #tpu.memory_space<vmem>>, %arg2: memref<2048x64xf32, #tpu.memory_space<vmem>>, %arg3: memref<2048x1xf32, #tpu.memory_space<vmem>>, %arg4: memref<1x64xf32, #tpu.memory_space<vmem>>, %arg5: memref<1x16xf32, #tpu.memory_space<vmem>>, %arg6: memref<1x16xf32, #tpu.memory_space<vmem>>, %arg7: memref<64x16xf32, #tpu.memory_space<vmem>>, %arg8: memref<16x64xf32, #tpu.memory_space<vmem>>, %arg9: memref<2048x64xf32, #tpu.memory_space<vmem>>, %arg10: memref<2048x16xf32, #tpu.memory_space<vmem>>) attributes {dimension_semantics = [#tpu.dimension_semantics<arbitrary>], iteration_bounds = array<i64: 84>, scalar_prefetch = 0 : i64, scratch_operands = 0 : i64, tpu.core_type = #tpu.core_type<tc>, window_params = [{transform_indices = @transform_0, window_bounds = array<i64: 2048, 64>}, {transform_indices = @transform_1, window_bounds = array<i64: 2048, 64>}, {transform_indices = @transform_2, window_bounds = array<i64: 2048, 1>}, {pipeline_mode = #tpu.pipeline_mode<synchronous>, transform_indices = @transform_3, window_bounds = array<i64: 1, 64>}, {pipeline_mode = #tpu.pipeline_mode<synchronous>, transform_indices = @transform_4, window_bounds = array<i64: 1, 16>}, {pipeline_mode = #tpu.pipeline_mode<synchronous>, transform_indices = @transform_5, window_bounds = array<i64: 1, 16>}, {pipeline_mode = #tpu.pipeline_mode<synchronous>, transform_indices = @transform_6, window_bounds = array<i64: 64, 16>}, {pipeline_mode = #tpu.pipeline_mode<synchronous>, transform_indices = @transform_7, window_bounds = array<i64: 16, 64>}, {transform_indices = @transform_8, window_bounds = array<i64: 2048, 64>}, {transform_indices = @transform_9, window_bounds = array<i64: 2048, 16>}]} {
    %get3A = arith.constant 0 : index
    %get3A_0 = arith.constant 0 : index
    %get3A_1 = vector.load %arg1[%get3A, %get3A_0] : memref<2048x64xf32, #tpu.memory_space<vmem>>, vector<2048x64xf32>
    %get3A_2 = arith.constant 0 : index
    %get3A_3 = arith.constant 0 : index
    %get3A_4 = vector.load %arg2[%get3A_2, %get3A_3] : memref<2048x64xf32, #tpu.memory_space<vmem>>, vector<2048x64xf32>
    %add3A = arith.addf %get3A_1, %get3A_4 : vector<2048x64xf32>
    %max3A = arith.constant 0.000000e+00 : f32
    %max3A_5 = vector.broadcast %max3A : f32 to vector<2048x64xf32>
    %max3A_6 = arith.maximumf %add3A, %max3A_5 : vector<2048x64xf32>
    %min3A = arith.constant 0.000000e+00 : f32
    %min3A_7 = vector.broadcast %min3A : f32 to vector<2048x64xf32>
    %min3A_8 = arith.minimumf %add3A, %min3A_7 : vector<2048x64xf32>
    %mul3A = arith.constant 2.000000e-01 : f32
    %mul3A_9 = vector.broadcast %mul3A : f32 to vector<2048x64xf32>
    %mul3A_10 = arith.mulf %mul3A_9, %min3A_8 : vector<2048x64xf32>
    %add3A_11 = arith.addf %max3A_6, %mul3A_10 : vector<2048x64xf32>
    %get3A_12 = arith.constant 0 : index
    %get3A_13 = arith.constant 0 : index
    %get3A_14 = vector.load %arg4[%get3A_12, %get3A_13] : memref<1x64xf32, #tpu.memory_space<vmem>>, vector<1x64xf32>
    %mul3A_15 = vector.broadcast %get3A_14 : vector<1x64xf32> to vector<2048x64xf32>
    %mul3A_16 = arith.mulf %add3A_11, %mul3A_15 : vector<2048x64xf32>
    %get3A_17 = arith.constant 0 : index
    %get3A_18 = arith.constant 0 : index
    %get3A_19 = vector.load %arg7[%get3A_17, %get3A_18] : memref<64x16xf32, #tpu.memory_space<vmem>>, vector<64x16xf32>
    %dot_general3A = arith.constant dense<0.000000e+00> : vector<2048x16xf32>
    %dot_general3A_20 = tpu.matmul %mul3A_16, %get3A_19, %dot_general3A {dimension_numbers = #tpu.dot_dimension_numbers<[1], [0], [0], [1], [0, 0, 1, 1], [], []>, transpose_lhs_hint = false} : vector<2048x64xf32>, vector<64x16xf32>, vector<2048x16xf32> -> vector<2048x16xf32>
    %get3A_21 = arith.constant 0 : index
    %get3A_22 = arith.constant 0 : index
    %get3A_23 = vector.load %arg3[%get3A_21, %get3A_22] : memref<2048x1xf32, #tpu.memory_space<vmem>>, vector<2048x1xf32>
    %get3A_24 = arith.constant 0 : index
    %get3A_25 = arith.constant 0 : index
    %get3A_26 = vector.load %arg5[%get3A_24, %get3A_25] : memref<1x16xf32, #tpu.memory_space<vmem>>, vector<1x16xf32>
    %mul3A_27 = vector.broadcast %get3A_23 : vector<2048x1xf32> to vector<2048x16xf32>
    %mul3A_28 = vector.broadcast %get3A_26 : vector<1x16xf32> to vector<2048x16xf32>
    %mul3A_29 = arith.mulf %mul3A_27, %mul3A_28 : vector<2048x16xf32>
    %add3A_30 = arith.addf %dot_general3A_20, %mul3A_29 : vector<2048x16xf32>
    %exp3A = math.exp %add3A_30 : vector<2048x16xf32>
    %get3A_31 = arith.constant 0 : index
    %get3A_32 = arith.constant 0 : index
    %get3A_33 = vector.load %arg6[%get3A_31, %get3A_32] : memref<1x16xf32, #tpu.memory_space<vmem>>, vector<1x16xf32>
    %mul3A_34 = vector.broadcast %get3A_33 : vector<1x16xf32> to vector<2048x16xf32>
    %mul3A_35 = arith.mulf %exp3A, %mul3A_34 : vector<2048x16xf32>
    %swap3A = arith.constant 0 : index
    %swap3A_36 = arith.constant 0 : index
    %swap3A_37 = vector.load %arg10[%swap3A, %swap3A_36] : memref<2048x16xf32, #tpu.memory_space<vmem>>, vector<2048x16xf32>
    tpu.vector_store %arg10[%swap3A, %swap3A_36], %mul3A_35 {strides = array<i32>} : memref<2048x16xf32, #tpu.memory_space<vmem>>, vector<2048x16xf32>,
    %get3A_38 = arith.constant 0 : index
    %get3A_39 = arith.constant 0 : index
    %get3A_40 = vector.load %arg1[%get3A_38, %get3A_39] : memref<2048x64xf32, #tpu.memory_space<vmem>>, vector<2048x64xf32>
    %get3A_41 = arith.constant 0 : index
    %get3A_42 = arith.constant 0 : index
    %get3A_43 = vector.load %arg8[%get3A_41, %get3A_42] : memref<16x64xf32, #tpu.memory_space<vmem>>, vector<16x64xf32>
    %dot_general3A_44 = arith.constant dense<0.000000e+00> : vector<2048x64xf32>
    %dot_general3A_45 = tpu.matmul %mul3A_35, %get3A_43, %dot_general3A_44 {dimension_numbers = #tpu.dot_dimension_numbers<[1], [0], [0], [1], [0, 0, 1, 1], [], []>, transpose_lhs_hint = false} : vector<2048x16xf32>, vector<16x64xf32>, vector<2048x64xf32> -> vector<2048x64xf32>
    %mul3A_46 = arith.mulf %get3A_40, %dot_general3A_45 : vector<2048x64xf32>
    %swap3A_47 = arith.constant 0 : index
    %swap3A_48 = arith.constant 0 : index
    %swap3A_49 = vector.load %arg9[%swap3A_47, %swap3A_48] : memref<2048x64xf32, #tpu.memory_space<vmem>>, vector<2048x64xf32>
    tpu.vector_store %arg9[%swap3A_47, %swap3A_48], %mul3A_46 {strides = array<i32>} : memref<2048x64xf32, #tpu.memory_space<vmem>>, vector<2048x64xf32>,
    return
  }
  func.func @transform_0(%arg0: i32) -> (i32, i32) {
    %c0_i32 = arith.constant 0 : i32
    %c0_i32_0 = arith.constant 0 : i32
    return %arg0, %c0_i32 : i32, i32
  }
  func.func @transform_1(%arg0: i32) -> (i32, i32) {
    %c0_i32 = arith.constant 0 : i32
    %c0_i32_0 = arith.constant 0 : i32
    return %arg0, %c0_i32 : i32, i32
  }
  func.func @transform_2(%arg0: i32) -> (i32, i32) {
    %c0_i32 = arith.constant 0 : i32
    %c0_i32_0 = arith.constant 0 : i32
    return %arg0, %c0_i32 : i32, i32
  }
  func.func @transform_3(%arg0: i32) -> (i32, i32) {
    %c0_i32 = arith.constant 0 : i32
    %c0_i32_0 = arith.constant 0 : i32
    %c0_i32_1 = arith.constant 0 : i32
    return %c0_i32, %c0_i32_0 : i32, i32
  }
  func.func @transform_4(%arg0: i32) -> (i32, i32) {
    %c0_i32 = arith.constant 0 : i32
    %c0_i32_0 = arith.constant 0 : i32
    %c0_i32_1 = arith.constant 0 : i32
    return %c0_i32, %c0_i32_0 : i32, i32
  }
  func.func @transform_5(%arg0: i32) -> (i32, i32) {
    %c0_i32 = arith.constant 0 : i32
    %c0_i32_0 = arith.constant 0 : i32
    %c0_i32_1 = arith.constant 0 : i32
    return %c0_i32, %c0_i32_0 : i32, i32
  }
  func.func @transform_6(%arg0: i32) -> (i32, i32) {
    %c0_i32 = arith.constant 0 : i32
    %c0_i32_0 = arith.constant 0 : i32
    %c0_i32_1 = arith.constant 0 : i32
    return %c0_i32, %c0_i32_0 : i32, i32
  }
  func.func @transform_7(%arg0: i32) -> (i32, i32) {
    %c0_i32 = arith.constant 0 : i32
    %c0_i32_0 = arith.constant 0 : i32
    %c0_i32_1 = arith.constant 0 : i32
    return %c0_i32, %c0_i32_0 : i32, i32
  }
  func.func @transform_8(%arg0: i32) -> (i32, i32) {
    %c0_i32 = arith.constant 0 : i32
    %c0_i32_0 = arith.constant 0 : i32
    return %arg0, %c0_i32 : i32, i32
  }
  func.func @transform_9(%arg0: i32) -> (i32, i32) {
    %c0_i32 = arith.constant 0 : i32
    %c0_i32_0 = arith.constant 0 : i32
    return %arg0, %c0_i32 : i32, i32
  }
}

module attributes {stable_mosaic.version = 14 : i64} {
  func.func @_tc_final_body(%arg0: i32, %arg1: memref<2000x64xf32, #tpu.memory_space<vmem>>, %arg2: memref<2000x64xf32, #tpu.memory_space<vmem>>, %arg3: memref<2000x16xf32, #tpu.memory_space<vmem>>, %arg4: memref<2000x16xf32, #tpu.memory_space<vmem>>, %arg5: memref<2000x16xf32, #tpu.memory_space<vmem>>, %arg6: memref<16x64xf32, #tpu.memory_space<vmem>>, %arg7: memref<2000x16xf32, #tpu.memory_space<vmem>>) attributes {dimension_semantics = [#tpu.dimension_semantics<arbitrary>], iteration_bounds = array<i64: 5>, scalar_prefetch = 0 : i64, scratch_operands = 0 : i64, tpu.core_type = #tpu.core_type<tc>, window_params = [{transform_indices = @transform_0, window_bounds = array<i64: 2000, 64>}, {transform_indices = @transform_1, window_bounds = array<i64: 2000, 64>}, {transform_indices = @transform_2, window_bounds = array<i64: 2000, 16>}, {transform_indices = @transform_3, window_bounds = array<i64: 2000, 16>}, {transform_indices = @transform_4, window_bounds = array<i64: 2000, 16>}, {pipeline_mode = #tpu.pipeline_mode<synchronous>, transform_indices = @transform_5, window_bounds = array<i64: 16, 64>}, {transform_indices = @transform_6, window_bounds = array<i64: 2000, 16>}]} {
    %get3A = arith.constant 0 : index
    %get3A_0 = arith.constant 0 : index
    %get3A_1 = vector.load %arg3[%get3A, %get3A_0] : memref<2000x16xf32, #tpu.memory_space<vmem>>, vector<2000x16xf32>
    %get3A_2 = arith.constant 0 : index
    %get3A_3 = arith.constant 0 : index
    %get3A_4 = vector.load %arg4[%get3A_2, %get3A_3] : memref<2000x16xf32, #tpu.memory_space<vmem>>, vector<2000x16xf32>
    %add3A = arith.addf %get3A_1, %get3A_4 : vector<2000x16xf32>
    %max3A = arith.constant 9.99999996E-13 : f32
    %max3A_5 = vector.broadcast %max3A : f32 to vector<2000x16xf32>
    %max3A_6 = arith.maximumf %add3A, %max3A_5 : vector<2000x16xf32>
    %get3A_7 = arith.constant 0 : index
    %get3A_8 = arith.constant 0 : index
    %get3A_9 = vector.load %arg6[%get3A_7, %get3A_8] : memref<16x64xf32, #tpu.memory_space<vmem>>, vector<16x64xf32>
    %dot_general3A = arith.constant dense<0.000000e+00> : vector<2000x64xf32>
    %dot_general3A_10 = tpu.matmul %max3A_6, %get3A_9, %dot_general3A {dimension_numbers = #tpu.dot_dimension_numbers<[1], [0], [0], [1], [0, 0, 1, 1], [], []>, transpose_lhs_hint = false} : vector<2000x16xf32>, vector<16x64xf32>, vector<2000x64xf32> -> vector<2000x64xf32>
    %get3A_11 = arith.constant 0 : index
    %get3A_12 = arith.constant 0 : index
    %get3A_13 = vector.load %arg1[%get3A_11, %get3A_12] : memref<2000x64xf32, #tpu.memory_space<vmem>>, vector<2000x64xf32>
    %get3A_14 = arith.constant 0 : index
    %get3A_15 = arith.constant 0 : index
    %get3A_16 = vector.load %arg2[%get3A_14, %get3A_15] : memref<2000x64xf32, #tpu.memory_space<vmem>>, vector<2000x64xf32>
    %add3A_17 = arith.addf %get3A_13, %get3A_16 : vector<2000x64xf32>
    %div3A = arith.divf %add3A_17, %dot_general3A_10 : vector<2000x64xf32>
    %slice3A = vector.extract_strided_slice %div3A {offsets = [0, 0], sizes = [2000, 16], strides = [1, 1]} : vector<2000x64xf32> to vector<2000x16xf32>
    %slice3A_18 = vector.extract_strided_slice %div3A {offsets = [0, 16], sizes = [2000, 16], strides = [1, 1]} : vector<2000x64xf32> to vector<2000x16xf32>
    %add3A_19 = arith.addf %slice3A, %slice3A_18 : vector<2000x16xf32>
    %slice3A_20 = vector.extract_strided_slice %div3A {offsets = [0, 32], sizes = [2000, 16], strides = [1, 1]} : vector<2000x64xf32> to vector<2000x16xf32>
    %add3A_21 = arith.addf %add3A_19, %slice3A_20 : vector<2000x16xf32>
    %slice3A_22 = vector.extract_strided_slice %div3A {offsets = [0, 48], sizes = [2000, 16], strides = [1, 1]} : vector<2000x64xf32> to vector<2000x16xf32>
    %add3A_23 = arith.addf %add3A_21, %slice3A_22 : vector<2000x16xf32>
    %mul3A = arith.constant 2.500000e-01 : f32
    %mul3A_24 = vector.broadcast %mul3A : f32 to vector<2000x16xf32>
    %mul3A_25 = arith.mulf %mul3A_24, %add3A_23 : vector<2000x16xf32>
    %get3A_26 = arith.constant 0 : index
    %get3A_27 = arith.constant 0 : index
    %get3A_28 = vector.load %arg5[%get3A_26, %get3A_27] : memref<2000x16xf32, #tpu.memory_space<vmem>>, vector<2000x16xf32>
    %add3A_29 = arith.addf %mul3A_25, %get3A_28 : vector<2000x16xf32>
    %mul3A_30 = arith.mulf %add3A_29, %add3A_29 : vector<2000x16xf32>
    %reduce_sum3A = arith.constant dense<0.000000e+00> : vector<2000xf32>
    %reduce_sum3A_31 = vector.multi_reduction <add>, %mul3A_30, %reduce_sum3A [1] : vector<2000x16xf32> to vector<2000xf32>
    %broadcast_in_dim3A = vector.shape_cast %reduce_sum3A_31 : vector<2000xf32> to vector<2000x1xf32>
    %sqrt3A = math.sqrt %broadcast_in_dim3A : vector<2000x1xf32>
    %max3A_32 = arith.constant 9.99999996E-13 : f32
    %max3A_33 = vector.broadcast %max3A_32 : f32 to vector<2000x1xf32>
    %max3A_34 = arith.maximumf %sqrt3A, %max3A_33 : vector<2000x1xf32>
    %div3A_35 = vector.broadcast %max3A_34 : vector<2000x1xf32> to vector<2000x16xf32>
    %div3A_36 = arith.divf %add3A_29, %div3A_35 : vector<2000x16xf32>
    %swap3A = arith.constant 0 : index
    %swap3A_37 = arith.constant 0 : index
    %swap3A_38 = vector.load %arg7[%swap3A, %swap3A_37] : memref<2000x16xf32, #tpu.memory_space<vmem>>, vector<2000x16xf32>
    tpu.vector_store %arg7[%swap3A, %swap3A_37], %div3A_36 {strides = array<i32>} : memref<2000x16xf32, #tpu.memory_space<vmem>>, vector<2000x16xf32>,
    return
  }
  func.func @transform_0(%arg0: i32) -> (i32, i32) {
    %c0_i32 = arith.constant 0 : i32
    %c0_i32_0 = arith.constant 0 : i32
    return %arg0, %c0_i32 : i32, i32
  }
  func.func @transform_1(%arg0: i32) -> (i32, i32) {
    %c0_i32 = arith.constant 0 : i32
    %c0_i32_0 = arith.constant 0 : i32
    return %arg0, %c0_i32 : i32, i32
  }
  func.func @transform_2(%arg0: i32) -> (i32, i32) {
    %c0_i32 = arith.constant 0 : i32
    %c0_i32_0 = arith.constant 0 : i32
    return %arg0, %c0_i32 : i32, i32
  }
  func.func @transform_3(%arg0: i32) -> (i32, i32) {
    %c0_i32 = arith.constant 0 : i32
    %c0_i32_0 = arith.constant 0 : i32
    return %arg0, %c0_i32 : i32, i32
  }
  func.func @transform_4(%arg0: i32) -> (i32, i32) {
    %c0_i32 = arith.constant 0 : i32
    %c0_i32_0 = arith.constant 0 : i32
    return %arg0, %c0_i32 : i32, i32
  }
  func.func @transform_5(%arg0: i32) -> (i32, i32) {
    %c0_i32 = arith.constant 0 : i32
    %c0_i32_0 = arith.constant 0 : i32
    %c0_i32_1 = arith.constant 0 : i32
    return %c0_i32, %c0_i32_0 : i32, i32
  }
  func.func @transform_6(%arg0: i32) -> (i32, i32) {
    %c0_i32 = arith.constant 0 : i32
    %c0_i32_0 = arith.constant 0 : i32
    return %arg0, %c0_i32 : i32, i32
  }
}

</mosaic_0001>

<sc_bundles>
// kernel: kernel.13.cloned.1.call-start
scs
__scs_entry_jumppad:
0x0: {  	(pc) =	sbr.rel $0x88, $3  }
0x1: {  	(tag) =	ssettag $0x0;
	lr =	simm.s32 $0x1  }
0x2: {  	[smem:$0x3F94] =	sst lr;
	_ =	strace $0xD0000000  }
0x3: {  	_ = 	snop  }
0x4: {  	_ = 	snop  }
0x5: {  	_ = 	snop  }
0x6: {  	_ = 	snop  }
0x7: {  	_ = 	snop  }
__scs_overlays_trampoline_lowered:
0x8: {  	[smem:$0x3FA3] =	sst s0  }
0x9: {  	[smem:$0x3FA4] =	sst s1  }
0xa: {  	[smem:$0x3FA5] =	sst s2  }
0xb: {  	[smem:$0x3FA6] =	sst s3  }
0xc: {  	[smem:$0x3FA7] =	sst s4  }
0xd: {  	[smem:$0x3FA8] =	sst s5  }
0xe: {  	[smem:$0x3FA9] =	sst s6  }
0xf: {  	[smem:$0x3FAA] =	sst s7  }
0x10: {  	[smem:$0x3FAB] =	sst s8  }
0x11: {  	[smem:$0x3FAC] =	sst s9;
	s0 =	simm.s32 @!p0 $0x0  }
0x12: {  	s1 =	sld [smem:$0x3F92];
	s0 =	simm.s32 @p0 $0x1  }
0x13: {  	[smem:$0x3FAD] =	sst s0;
	s0 =	simm.s32 @!p1 $0x0  }
0x14: {  	s2 =	sld [smem:$0x3F91];
	s0 =	simm.s32 @p1 $0x1  }
0x15: {  	[smem:$0x3FAE] =	sst s0;
	s0 =	simm.s32 @!p2 $0x0  }
0x16: {  	s3 =	sld [smem:$0x3FDB];
	s0 =	simm.s32 @p2 $0x1  }
0x17: {  	s4 =	simm.s32 $0x1BF5;
	[smem:$0x3FB0] =	sst s0  }
0x18: {  	s0 =	sld [smem:$0x3F93];
	_ =	swait.ge [sflag:s4], $0x0  }
0x19: {  	s7 =	sld [smem:$0x3F94]  }
0x1a: {  	s8 =	sadd.s32 $0xFFFFE003, lr  }
0x1b: {  	s9 =	sadd.s32 $0xFFFFFEF7, lr;
	s5 =	simm.s32 $0xFFFFFFFF;
	p2 =	slt.u32 s8, $0xFFFFF086  }
0x1c: {  	p1 =	slt.u32 s9, $0xF7A;
	s5 =	simm.s32 @!p2 $0x0  }
0x1d: {  	s5 =	simm.s32 @p1 $0x1;
	p0 =	seq.s32 s7, s2  }
0x1e: {  	s7 =	smul.u32 @!p0 $0xF7A, s2;
	p2 =	seq.s32 @!p0 s5, $0x0  }
0x1f: {  	s9 =	smul.u32 $0xF7A, s1;
	s8 =	simm.s32 @!p0 $0x1BF5;
	p2 =	por !p2, p0  }
0x20: {  	[sflag:s8] =	ssyncset.s32 @!p0 $0xFFFFF086;
	s6 =	sadd.s32 @!p0 s3, s7;
	s7 =	simm.s32 @!p0 $0x108  }
0x21: {  	s3 =	sadd.s32 s3, s9;
	s6 =	sadd.s32 @!p0 $0x88, s6;
	s7 =	simm.s32 @p2 $0x1082  }
0x22: {  	[simem:s7], [sflag:s8] =	dma.local @!p0 [hbm:s6], $0xF7A  }
0x23: {  	s9 =	sor.u32 $0xD0000000, s2;
	s6 =	simm.s32 $0x108;
	_ =	swait.ge @!p0 [sflag:s8], $0x0  }
0x24: {  	s3 =	sadd.s32 $0x88, s3;
	s6 =	simm.s32 @!p1 $0x1082;
	[sflag:s4] =	ssyncset.s32 $0xFFFFF086  }
0x25: {  	[simem:s6], [sflag:s4] =	dma.local [hbm:s3], $0xF7A  }
0x26: {  	[smem:$0x3F94] =	sst s1;
	(tag) =	ssettag s2;
	_ =	strace s9  }
0x27: {  	s1 =	sld [smem:$0x3FA4]  }
0x28: {  	s2 =	sld [smem:$0x3FA5]  }
0x29: {  	s4 =	sld [smem:$0x3FA7]  }
0x2a: {  	p0 =	seq.s32 s5, $0x0;
	s5 =	sld [smem:$0x3FA8]  }
0x2b: {  	s6 =	sld [smem:$0x3FA9]  }
0x2c: {  	s7 =	sld [smem:$0x3FAA]  }
0x2d: {  	s3 =	simm.s32 $0x108;
	s8 =	sld [smem:$0x3FAB]  }
0x2e: {  	s3 =	simm.s32 @!p0 $0x1082;
	s9 =	sld [smem:$0x3FAC]  }
0x2f: {  	lr =	sadd.s32 s0, s3;
	s0 =	sld [smem:$0x3FA3]  }
0x30: {  	s3 =	sld [smem:$0x3FA6]  }
0x31: {  	[smem:$0x3FAF] =	sst s10  }
0x32: {  	s10 =	sld [smem:$0x3FAD];
	_ =	sdelay $0x3  }
0x33: {  	p0 =	seq.s32 s10, $0x1;
	s10 =	sld [smem:$0x3FAF];
	_ =	sdelay $0x3  }
0x34: {  	[smem:$0x3FAF] =	sst s10  }
0x35: {  	s10 =	sld [smem:$0x3FAE];
	_ =	sdelay $0x3  }
0x36: {  	p1 =	seq.s32 s10, $0x1;
	s10 =	sld [smem:$0x3FAF];
	_ =	sdelay $0x3  }
0x37: {  	[smem:$0x3FAF] =	sst s10  }
0x38: {  	s10 =	sld [smem:$0x3FB0]  }
0x39: {  	_ = 	snop;
	(pc) =	sbr.ind lr, $3  }
0x3a: {  	_ = 	snop  }
0x3b: {  	_ = 	snop  }
0x3c: {  	p2 =	seq.s32 s10, $0x1;
	s10 =	sld [smem:$0x3FAF]  }
0x3d: {  	_ =	shalt  }
0x3e: {  	_ =	shalt  }
0x3f: {  	_ =	shalt  }
0x40: {  	_ =	shalt  }
0x41: {  	_ =	shalt  }
0x42: {  	_ =	shalt  }
0x43: {  	_ =	shalt  }
0x44: {  	_ =	shalt  }
0x45: {  	_ =	shalt  }
0x46: {  	_ =	shalt  }
0x47: {  	_ =	shalt  }
0x48: {  	_ =	shalt  }
0x49: {  	_ =	shalt  }
0x4a: {  	_ =	shalt  }
0x4b: {  	_ =	shalt  }
0x4c: {  	_ =	shalt  }
0x4d: {  	_ =	shalt  }
0x4e: {  	_ =	shalt  }
0x4f: {  	_ =	shalt  }
0x50: {  	_ =	shalt  }
0x51: {  	_ =	shalt  }
0x52: {  	_ =	shalt  }
0x53: {  	_ =	shalt  }
0x54: {  	_ =	shalt  }
0x55: {  	_ =	shalt  }
0x56: {  	_ =	shalt  }
0x57: {  	_ =	shalt  }
0x58: {  	_ =	shalt  }
0x59: {  	_ =	shalt  }
0x5a: {  	_ =	shalt  }
0x5b: {  	_ =	shalt  }
0x5c: {  	_ =	shalt  }
0x5d: {  	_ =	shalt  }
0x5e: {  	_ =	shalt  }
0x5f: {  	_ =	shalt  }
0x60: {  	_ =	shalt  }
0x61: {  	_ =	shalt  }
0x62: {  	_ =	shalt  }
0x63: {  	_ =	shalt  }
0x64: {  	_ =	shalt  }
0x65: {  	_ =	shalt  }
0x66: {  	_ =	shalt  }
0x67: {  	_ =	shalt  }
0x68: {  	_ =	shalt  }
0x69: {  	_ =	shalt  }
0x6a: {  	_ =	shalt  }
0x6b: {  	_ =	shalt  }
0x6c: {  	_ =	shalt  }
0x6d: {  	_ =	shalt  }
0x6e: {  	_ =	shalt  }
0x6f: {  	_ =	shalt  }
0x70: {  	_ =	shalt  }
0x71: {  	_ =	shalt  }
0x72: {  	_ =	shalt  }
0x73: {  	_ =	shalt  }
0x74: {  	_ =	shalt  }
0x75: {  	_ =	shalt  }
0x76: {  	_ =	shalt  }
0x77: {  	_ =	shalt  }
0x78: {  	_ =	shalt  }
0x79: {  	_ =	shalt  }
0x7a: {  	_ =	shalt  }
0x7b: {  	_ =	shalt  }
0x7c: {  	_ =	shalt  }
0x7d: {  	_ =	shalt  }
0x7e: {  	_ =	shalt  }
0x7f: {  	_ =	shalt  }
0x80: {  	_ =	shalt  }
0x81: {  	_ =	shalt  }
0x82: {  	_ =	shalt  }
0x83: {  	_ =	shalt  }
0x84: {  	_ =	shalt  }
0x85: {  	_ =	shalt  }
0x86: {  	_ =	shalt  }
0x87: {  	_ =	shalt  }
.Lfunc_end0:
.L_simem_size_0:
called_computation_lowered:
.L_overlay_start_0:
0x88: {  	s2 =	sld [smem:$0x3FD9]  }
0x89: {  	s3 =	sld [smem:$0x3FFE];
	_ =	sdelay $0x1  }
0x8a: {  	s1 =	srdreg.scid  }
0x8b: {  	s0 =	sand.u32 $0x1, s1  }
0x8c: {  	s16 =	sshll.u32 s0, $0xA;
	s2 =	sadd.s32 s3, s2  }
0x8d: {  	s2 =	sadd.s32 s2, s16  }
0x8e: {  	[smem:$0x3FBB] =	sst s2  }
0x8f: {  	_ = 	snop  }
0x90: {  	(tm) =	ssettm $0x1  }
0x91: {  	s17 =	sld [smem:$0x3FFB];
	_ =	sdelay $0x3  }
0x92: {  	_ =	strace s17  }
0x93: {  	s2 =	sld [smem:$0x3FFC];
	_ =	sdelay $0x3  }
0x94: {  	_ =	strace s2  }
0x95: {  	s2 =	sld [smem:$0x3FFD];
	_ =	sdelay $0x3  }
0x96: {  	_ =	strace s2  }
0x97: {  	_ =	strace $0x8FFFFFFF  }
0x98: {  	s18 =	sld [smem:$0x3FDB];
	_ =	sdelay $0x1  }
0x99: {  	s19 =	simm.s32 $_scs_section_size  }
0x9a: {  	s4 =	simm.s32 $_size__tile_overlayer_lowered;
	s5 =	simm.s32 $_tile_overlayer_lowered  }
0x9b: {  	s22 =	simm.s32 $0x1BFF;
	s21 =	sshll.u32 s5, $0x1;
	s2 =	sadd.s32 s19, s18  }
0x9c: {  	s6 =	simm.s32 $0x0;
	s20 =	sshll.u32 s4, $0x1;
	s4 =	sadd.s32 s21, s2  }
0x9d: {  	[timem:s6], [sflag:s22] =	dma.local [hbm:s4], s20  }
0x9e: {  	_ =	swait.ge [sflag:s22], s20  }
0x9f: {  	s3 =	ssub.s32 $0x0, s20;
	[sflag:s22] =	ssyncset.done $0x0  }
0xa0: {  	[sflag:s22] =	ssyncadd.s32 s3;
	_ =	sdelay $0x1  }
0xa1: {  	s23 =	simm.s32 $0x1B8B  }
0xa2: {  	_ =	swait.ge [sflag:s23], $0x1  }
0xa3: {  	[sflag:s23] =	ssyncset.done $0x0  }
0xa4: {  	s25 =	simm.s32 $0x1B8E;
	s24 =	sld [smem:$0x3FFE];
	[sflag:s23] =	ssyncadd.s32 $0xFFFFFFFF  }
0xa5: {  	s26 =	simm.s32 $execute0_lowered;
	[smem:$0x3FD2] =	sst s25  }
0xa6: {  	s4 =	sshll.u32 s26, $0x1;
	_ =	strace $0x80000046;
	[dreg:$0x1] =	wrdreg $0xFFFFFFFF  }
0xa7: {  	s28 =	simm.s32 $_size_execute0_lowered;
	s2 =	sadd.s32 s2, s4;
	[dreg:$0x0] =	wrdreg $0x0  }
0xa8: {  	s4 =	sshll.u32 s28, $0x1;
	[dreg:$0x2] =	wrdreg s2  }
0xa9: {  	[dreg:$0x3] =	wrdreg s4  }
0xaa: {  	[dreg:$0x4] =	wrdreg $0xC0  }
0xab: {  	_ =	task [dreg:s6], $0x5FFFF  }
0xac: {  	[dreg:$0x1] =	wrdreg $0xFFFFFFFF  }
0xad: {  	[dreg:$0x0] =	wrdreg $0x60  }
0xae: {  	[dreg:$0x2] =	wrdreg s24  }
0xaf: {  	[dreg:$0x3] =	wrdreg $0x9  }
0xb0: {  	_ =	task.clear_ibuf [dreg:s6], $0x4FFFF;
	_ =	strace $0x90000046  }
0xb1: {  	s29 =	simm.s32 $0x9;
	_ =	strace $0x80000048  }
0xb2: {  	_ =	swait.ge [sflag:s29], $0x1  }
0xb3: {  	[sflag:s29] =	ssyncadd.s32 $0xFFFFFFFF  }
0xb4: {  	_ =	strace $0x90000048  }
0xb5: {  	_ =	sfence  }
0xb6: {  	s30 =	sld [smem:$0x0];
	_ =	sdelay $0x2  }
0xb7: {  	s31 =	sshll.u32 s1, $0xD;
	s1 =	sshrl.u32 s1, $0x2  }
0xb8: {  	s3 =	sand.u32 $0x4000, s31;
	s1 =	sadd.s32 s1, s30  }
0xb9: {  	s0 =	sor.u32 s3, s0;
	s1 =	sshll.u32 s1, $0x11  }
0xba: {  	s0 =	sor.u32 s1, s0  }
0xbb: {  	s0 =	sadd.s32 $0x8F2B, s0  }
0xbc: {  	[sflag:s0] =	ssyncadd.remote.s32 $0x1  }
0xbd: {  	_ =	sfence.sel $0xFFFF  }
0xbe: {  	[dreg:$0x0] =	wrdreg $0xFFFFFFFF;
	(pc) =	sbr.abs _section_cstart, $3  }
0xbf: {  	[dreg:$0x1] =	wrdreg $0xFFFFFFFF  }
0xc0: {  	_ =	task.clear_ibuf [dreg:s6], $0x2FFFF;
	_ =	strace $0x9FFFFFFF  }
0xc1: {  	(tm) =	ssettm $0x7FFFFFFF  }
tec
execute0_lowered:
.L_overlay_start_1:
0x0: {  	(tag) =	ssettag $0x1  }
0x1: {  	s4 =	rddreg [dreg:$0x0]  }
0x2: {  	s0 =	rddreg [dreg:$0x1]  }
0x3: {  	s3 =	srdreg.scid;
	s1 =	stileid.u32;
	s2 =	simm.s32 $0x0  }
0x4: {  	s11 =	simm.s32 $0x100;
	s12 =	simm.s32 $0x2A00;
	s13 =	simm.s32 $0xEA00  }
0x5: {  	s14 =	simm.s32 $0x1;
	s15 =	simm.s32 $0x2;
	s16 =	simm.s32 $0x3  }
0x6: {  	s17 =	simm.s32 $0x4;
	s18 =	simm.s32 $0x0;
	s5 =	sand.u32 $0x1, s3  }
0x7: {  	s30 =	sshll.u32 s1, $0x1;
	[smem:$0x7FF] =	sst s2;
	s7 =	smul.u32 $0x3F000, s1  }
0x8: {  	s3 =	sor.u32 s5, s30;
	s8 =	ssub.s32 $0x2, s5;
	s10 =	smul.u32 $0x1F800, s5  }
0x9: {  	_ =	strace $0x80000047;
	s6 =	smul.u32 $0x2A0, s3;
	s9 =	sshrl.u32 s8, $0x1  }
0xa: {  	s3 =	sadd.s32 $0x4E00, s4;
	s7 =	sadd.s32 s7, s4;
	s8 =	ssub.s32 s8, s9  }
0xb: {  	s31 =	sadd.s32 s10, s7;
	s9 =	simm.s32 $0x5;
	s6 =	sadd.s32 s6, s4  }
0xc: {  	s10 =	simm.s32 $0x1500;
	s7 =	sadd.s32 $0x4B8400, s31;
	s4 =	sadd.s32 $0x44C00, s6  }
0xd: {  	s5 =	sadd.s32 $0x3F800, s6;
	s6 =	smax.u32 s8, $0x1;
	s8 =	sadd.s32 $0xC8400, s31  }
.LBB2_1:
0xe: {  	[tilespmem:s2], [sflag:$0x5] =	stream.linear.gather [hbm4b:s4+s2], $0x1500, $0x38;
	[tilespmem:$0x1AA00] =	vst v63  }
0xf: {  	_ =	swait.ge [sflag:s9], $0x1500  }
0x10: {  	[sflag:s9] =	ssyncset.done $0x0  }
0x11: {  	[sflag:s9] =	ssyncadd.s32 $0xFFFFEB00  }
0x12: {  	[tilespmem:s10], [sflag:$0x5] =	stream.linear.gather [hbm4b:s5+s2], $0x1500, $0x38;
	[tilespmem:$0x1AA00] =	vst v63  }
0x13: {  	_ =	swait.ge [sflag:s9], $0x1500  }
0x14: {  	[sflag:s9] =	ssyncset.done $0x0  }
0x15: {  	s19 =	simm.s32 $0x0;
	[sflag:s9] =	ssyncadd.s32 $0xFFFFEB00  }
0x16: {  	[tilespmem:s12], [sflag:$0x1] =	stream.indirect.gather [hbm4b:s3+s11], $0xC0, s19, s11, $0xb8;
	[tilespmem:$0x1AA00] =	vst v63  }
0x17: {  	s31 =	simm.s32 $0x1500  }
0x18: {  	[tilespmem:s13], [sflag:$0x2] =	stream.indirect.gather [hbm4b:s3+s11], $0xC0, s31, s11, $0xb8;
	[tilespmem:$0x1AA00] =	vst v63  }
0x19: {  	_ =	swait.ge [sflag:s14], $0xC000  }
0x1a: {  	[sflag:s14] =	ssyncset.done $0x0  }
0x1b: {  	[sflag:s14] =	ssyncadd.s32 $0xFFFF4000  }
0x1c: {  	[hbm4b:s7+s2] =	stream.linear.scatter [tilespmem:s12], [sflag:$0x3], $0xC000, $0x38;
	[tilespmem:$0x1AA00] =	vst v63  }
0x1d: {  	_ =	swait.ge [sflag:s15], $0xC000  }
0x1e: {  	[sflag:s15] =	ssyncset.done $0x0  }
0x1f: {  	[sflag:s15] =	ssyncadd.s32 $0xFFFF4000  }
0x20: {  	[hbm4b:s8+s2] =	stream.linear.scatter [tilespmem:s13], [sflag:$0x4], $0xC000, $0x38;
	[tilespmem:$0x1AA00] =	vst v63  }
0x21: {  	_ =	swait.ge [sflag:s16], $0xC000  }
0x22: {  	[sflag:s16] =	ssyncset.done $0x0  }
0x23: {  	[sflag:s16] =	ssyncadd.s32 $0xFFFF4000  }
0x24: {  	s21 =	simm.s32 $0x400;
	s22 =	simm.s32 $0x800;
	_ =	swait.ge [sflag:s17], $0xC000  }
0x25: {  	s20 =	sadd.s32 $0x1800, s7;
	s19 =	sadd.s32 $0x1800, s8;
	[sflag:s17] =	ssyncset.done $0x0  }
.LBB2_2:
0x26: {  	s23 =	sshra.s32 s21, $0x2  }
0x27: {  	[sflag:s17] =	ssyncadd.s32 $0xFFFF4000;
	s21 =	smov.u32 s22;
	s24 =	sadd.s32 $0x400, s22  }
0x28: {  	[tilespmem:s12], [sflag:$0x1] =	stream.indirect.gather [hbm4b:s3+s11], $0xC0, s23, s11, $0xb8;
	[tilespmem:$0x1AA00] =	vst v63  }
0x29: {  	p0 =	sne.s32 s22, $0x5000;
	s22 =	sadd.s32 $0x1500, s23  }
0x2a: {  	[tilespmem:s13], [sflag:$0x2] =	stream.indirect.gather [hbm4b:s3+s11], $0xC0, s22, s11, $0xb8;
	[tilespmem:$0x1AA00] =	vst v63  }
0x2b: {  	_ =	swait.ge [sflag:s14], $0xC000  }
0x2c: {  	[sflag:s14] =	ssyncset.done $0x0  }
0x2d: {  	[sflag:s14] =	ssyncadd.s32 $0xFFFF4000  }
0x2e: {  	[hbm4b:s20+s2] =	stream.linear.scatter [tilespmem:s12], [sflag:$0x3], $0xC000, $0x38;
	[tilespmem:$0x1AA00] =	vst v63  }
0x2f: {  	_ =	swait.ge [sflag:s15], $0xC000  }
0x30: {  	[sflag:s15] =	ssyncset.done $0x0  }
0x31: {  	[sflag:s15] =	ssyncadd.s32 $0xFFFF4000  }
0x32: {  	[hbm4b:s19+s2] =	stream.linear.scatter [tilespmem:s13], [sflag:$0x4], $0xC000, $0x38;
	[tilespmem:$0x1AA00] =	vst v63  }
.Ltmp0:
0x33: {  	_ =	swait.ge [sflag:s16], $0xC000;
	(pc) =	sbr.rel @p0 .LBB2_2-.Ltmp0, $4  }
0x34: {  	[sflag:s16] =	ssyncset.done $0x0  }
0x35: {  	[sflag:s16] =	ssyncadd.s32 $0xFFFF4000  }
0x36: {  	s22 =	smov.u32 s24;
	_ =	swait.ge [sflag:s17], $0xC000  }
0x37: {  	s20 =	sadd.s32 $0x1800, s20;
	s19 =	sadd.s32 $0x1800, s19;
	[sflag:s17] =	ssyncset.done $0x0  }
0x38: {  	s21 =	sshra.s32 s21, $0x2;
	[sflag:s17] =	ssyncadd.s32 $0xFFFF4000  }
0x39: {  	[tilespmem:s12], [sflag:$0x1] =	stream.indirect.gather [hbm4b:s3+s11], $0xC0, s21, s11, $0xb8;
	[tilespmem:$0x1AA00] =	vst v63  }
0x3a: {  	s21 =	sadd.s32 $0x1500, s21  }
0x3b: {  	[tilespmem:s13], [sflag:$0x2] =	stream.indirect.gather [hbm4b:s3+s11], $0xC0, s21, s11, $0xb8;
	[tilespmem:$0x1AA00] =	vst v63  }
0x3c: {  	_ =	swait.ge [sflag:s14], $0xC000  }
0x3d: {  	[sflag:s14] =	ssyncset.done $0x0  }
0x3e: {  	[sflag:s14] =	ssyncadd.s32 $0xFFFF4000  }
0x3f: {  	[hbm4b:s20+s2] =	stream.linear.scatter [tilespmem:s12], [sflag:$0x3], $0xC000, $0x38;
	[tilespmem:$0x1AA00] =	vst v63  }
0x40: {  	_ =	swait.ge [sflag:s15], $0xC000  }
0x41: {  	[sflag:s15] =	ssyncset.done $0x0  }
0x42: {  	s18 =	sadd.s32 $0x1, s18;
	[sflag:s15] =	ssyncadd.s32 $0xFFFF4000  }
0x43: {  	[hbm4b:s19+s2] =	stream.linear.scatter [tilespmem:s13], [sflag:$0x4], $0xC000, $0x38;
	[tilespmem:$0x1AA00] =	vst v63  }
0x44: {  	p0 =	sne.s32 s18, s6;
	_ =	swait.ge [sflag:s16], $0xC000  }
.Ltmp1:
0x45: {  	[sflag:s16] =	ssyncset.done $0x0;
	(pc) =	sbr.rel @p0 .LBB2_1-.Ltmp1, $4  }
0x46: {  	[sflag:s16] =	ssyncadd.s32 $0xFFFF4000  }
0x47: {  	_ =	swait.ge [sflag:s17], $0xC000  }
0x48: {  	[sflag:s17] =	ssyncset.done $0x0  }
0x49: {  	[sflag:s17] =	ssyncadd.s32 $0xFFFF4000  }
0x4a: {  	_ =	sfence.sel $0x180000  }
0x4b: {  	[bflag:$0x0] =	sbarrier.arrive $0xFFFF  }
0x4c: {  	p0 =	sne.s32 s1, $0x0;
	_ =	strace $0x90000047  }
0x4d: {  	s0 =	sadd.s32 @!p0 $0x100000, s0;
	[bflag:$0x2] =	sbarrier.arrive $0xFFFF  }
0x4e: {  	[sflag:s0] =	ssyncadd.tile.s32 @!p0 $0x1;
	_ =	shalt  }
.Lfunc_end2:
_tile_overlayer_lowered:
.L_overlay_start_2:
0x4f: {  	(tag) =	ssettag $0x2  }
0x50: {  	s0 =	rddreg [dreg:$0x0];
	s2 =	stileid.u32  }
0x51: {  	s1 =	rddreg [dreg:$0x1];
	p0 =	sne.s32 s2, $0x0  }
0x52: {  	s3 =	rddreg [dreg:$0x2];
	[bflag:$0x3] =	sbarrier.arrive $0xFFFF;
	s2 =	simm.s32 @!p0 $0x1C05  }
0x53: {  	[timem:s3], [sflag:s2] =	dma.local @!p0 [hbm:s0], s1  }
0x54: {  	s0 =	simm.s32 @!p0 $0x5  }
0x55: {  	_ =	swait.ge @!p0 [sflag:s0], s1  }
0x56: {  	s1 =	ssub.s32 @!p0 $0x0, s1;
	[sflag:s0] =	ssyncset.done @!p0 $0x0  }
0x57: {  	[sflag:s0] =	ssyncadd.s32 @!p0 s1  }
0x58: {  	[bflag:$0x3] =	sbarrier.arrive $0xFFFF  }
0x59: {  	_ =	shalt  }

// kernel: kernel.16.cloned.1.call-start
scs
__scs_entry_jumppad:
0x0: {  	(pc) =	sbr.rel $0x88, $3  }
0x1: {  	(tag) =	ssettag $0x0;
	lr =	simm.s32 $0x1  }
0x2: {  	[smem:$0x3F94] =	sst lr;
	_ =	strace $0xD0000000  }
0x3: {  	_ = 	snop  }
0x4: {  	_ = 	snop  }
0x5: {  	_ = 	snop  }
0x6: {  	_ = 	snop  }
0x7: {  	_ = 	snop  }
__scs_overlays_trampoline_lowered:
0x8: {  	[smem:$0x3FA3] =	sst s0  }
0x9: {  	[smem:$0x3FA4] =	sst s1  }
0xa: {  	[smem:$0x3FA5] =	sst s2  }
0xb: {  	[smem:$0x3FA6] =	sst s3  }
0xc: {  	[smem:$0x3FA7] =	sst s4  }
0xd: {  	[smem:$0x3FA8] =	sst s5  }
0xe: {  	[smem:$0x3FA9] =	sst s6  }
0xf: {  	[smem:$0x3FAA] =	sst s7  }
0x10: {  	[smem:$0x3FAB] =	sst s8  }
0x11: {  	[smem:$0x3FAC] =	sst s9;
	s0 =	simm.s32 @!p0 $0x0  }
0x12: {  	s1 =	sld [smem:$0x3F92];
	s0 =	simm.s32 @p0 $0x1  }
0x13: {  	[smem:$0x3FAD] =	sst s0;
	s0 =	simm.s32 @!p1 $0x0  }
0x14: {  	s2 =	sld [smem:$0x3F91];
	s0 =	simm.s32 @p1 $0x1  }
0x15: {  	[smem:$0x3FAE] =	sst s0;
	s0 =	simm.s32 @!p2 $0x0  }
0x16: {  	s3 =	sld [smem:$0x3FDB];
	s0 =	simm.s32 @p2 $0x1  }
0x17: {  	s4 =	simm.s32 $0x1BF5;
	[smem:$0x3FB0] =	sst s0  }
0x18: {  	s0 =	sld [smem:$0x3F93];
	_ =	swait.ge [sflag:s4], $0x0  }
0x19: {  	s7 =	sld [smem:$0x3F94]  }
0x1a: {  	s8 =	sadd.s32 $0xFFFFE003, lr  }
0x1b: {  	s9 =	sadd.s32 $0xFFFFFEF7, lr;
	s5 =	simm.s32 $0xFFFFFFFF;
	p2 =	slt.u32 s8, $0xFFFFF086  }
0x1c: {  	p1 =	slt.u32 s9, $0xF7A;
	s5 =	simm.s32 @!p2 $0x0  }
0x1d: {  	s5 =	simm.s32 @p1 $0x1;
	p0 =	seq.s32 s7, s2  }
0x1e: {  	s7 =	smul.u32 @!p0 $0xF7A, s2;
	p2 =	seq.s32 @!p0 s5, $0x0  }
0x1f: {  	s9 =	smul.u32 $0xF7A, s1;
	s8 =	simm.s32 @!p0 $0x1BF5;
	p2 =	por !p2, p0  }
0x20: {  	[sflag:s8] =	ssyncset.s32 @!p0 $0xFFFFF086;
	s6 =	sadd.s32 @!p0 s3, s7;
	s7 =	simm.s32 @!p0 $0x108  }
0x21: {  	s3 =	sadd.s32 s3, s9;
	s6 =	sadd.s32 @!p0 $0x88, s6;
	s7 =	simm.s32 @p2 $0x1082  }
0x22: {  	[simem:s7], [sflag:s8] =	dma.local @!p0 [hbm:s6], $0xF7A  }
0x23: {  	s9 =	sor.u32 $0xD0000000, s2;
	s6 =	simm.s32 $0x108;
	_ =	swait.ge @!p0 [sflag:s8], $0x0  }
0x24: {  	s3 =	sadd.s32 $0x88, s3;
	s6 =	simm.s32 @!p1 $0x1082;
	[sflag:s4] =	ssyncset.s32 $0xFFFFF086  }
0x25: {  	[simem:s6], [sflag:s4] =	dma.local [hbm:s3], $0xF7A  }
0x26: {  	[smem:$0x3F94] =	sst s1;
	(tag) =	ssettag s2;
	_ =	strace s9  }
0x27: {  	s1 =	sld [smem:$0x3FA4]  }
0x28: {  	s2 =	sld [smem:$0x3FA5]  }
0x29: {  	s4 =	sld [smem:$0x3FA7]  }
0x2a: {  	p0 =	seq.s32 s5, $0x0;
	s5 =	sld [smem:$0x3FA8]  }
0x2b: {  	s6 =	sld [smem:$0x3FA9]  }
0x2c: {  	s7 =	sld [smem:$0x3FAA]  }
0x2d: {  	s3 =	simm.s32 $0x108;
	s8 =	sld [smem:$0x3FAB]  }
0x2e: {  	s3 =	simm.s32 @!p0 $0x1082;
	s9 =	sld [smem:$0x3FAC]  }
0x2f: {  	lr =	sadd.s32 s0, s3;
	s0 =	sld [smem:$0x3FA3]  }
0x30: {  	s3 =	sld [smem:$0x3FA6]  }
0x31: {  	[smem:$0x3FAF] =	sst s10  }
0x32: {  	s10 =	sld [smem:$0x3FAD];
	_ =	sdelay $0x3  }
0x33: {  	p0 =	seq.s32 s10, $0x1;
	s10 =	sld [smem:$0x3FAF];
	_ =	sdelay $0x3  }
0x34: {  	[smem:$0x3FAF] =	sst s10  }
0x35: {  	s10 =	sld [smem:$0x3FAE];
	_ =	sdelay $0x3  }
0x36: {  	p1 =	seq.s32 s10, $0x1;
	s10 =	sld [smem:$0x3FAF];
	_ =	sdelay $0x3  }
0x37: {  	[smem:$0x3FAF] =	sst s10  }
0x38: {  	s10 =	sld [smem:$0x3FB0]  }
0x39: {  	_ = 	snop;
	(pc) =	sbr.ind lr, $3  }
0x3a: {  	_ = 	snop  }
0x3b: {  	_ = 	snop  }
0x3c: {  	p2 =	seq.s32 s10, $0x1;
	s10 =	sld [smem:$0x3FAF]  }
0x3d: {  	_ =	shalt  }
0x3e: {  	_ =	shalt  }
0x3f: {  	_ =	shalt  }
0x40: {  	_ =	shalt  }
0x41: {  	_ =	shalt  }
0x42: {  	_ =	shalt  }
0x43: {  	_ =	shalt  }
0x44: {  	_ =	shalt  }
0x45: {  	_ =	shalt  }
0x46: {  	_ =	shalt  }
0x47: {  	_ =	shalt  }
0x48: {  	_ =	shalt  }
0x49: {  	_ =	shalt  }
0x4a: {  	_ =	shalt  }
0x4b: {  	_ =	shalt  }
0x4c: {  	_ =	shalt  }
0x4d: {  	_ =	shalt  }
0x4e: {  	_ =	shalt  }
0x4f: {  	_ =	shalt  }
0x50: {  	_ =	shalt  }
0x51: {  	_ =	shalt  }
0x52: {  	_ =	shalt  }
0x53: {  	_ =	shalt  }
0x54: {  	_ =	shalt  }
0x55: {  	_ =	shalt  }
0x56: {  	_ =	shalt  }
0x57: {  	_ =	shalt  }
0x58: {  	_ =	shalt  }
0x59: {  	_ =	shalt  }
0x5a: {  	_ =	shalt  }
0x5b: {  	_ =	shalt  }
0x5c: {  	_ =	shalt  }
0x5d: {  	_ =	shalt  }
0x5e: {  	_ =	shalt  }
0x5f: {  	_ =	shalt  }
0x60: {  	_ =	shalt  }
0x61: {  	_ =	shalt  }
0x62: {  	_ =	shalt  }
0x63: {  	_ =	shalt  }
0x64: {  	_ =	shalt  }
0x65: {  	_ =	shalt  }
0x66: {  	_ =	shalt  }
0x67: {  	_ =	shalt  }
0x68: {  	_ =	shalt  }
0x69: {  	_ =	shalt  }
0x6a: {  	_ =	shalt  }
0x6b: {  	_ =	shalt  }
0x6c: {  	_ =	shalt  }
0x6d: {  	_ =	shalt  }
0x6e: {  	_ =	shalt  }
0x6f: {  	_ =	shalt  }
0x70: {  	_ =	shalt  }
0x71: {  	_ =	shalt  }
0x72: {  	_ =	shalt  }
0x73: {  	_ =	shalt  }
0x74: {  	_ =	shalt  }
0x75: {  	_ =	shalt  }
0x76: {  	_ =	shalt  }
0x77: {  	_ =	shalt  }
0x78: {  	_ =	shalt  }
0x79: {  	_ =	shalt  }
0x7a: {  	_ =	shalt  }
0x7b: {  	_ =	shalt  }
0x7c: {  	_ =	shalt  }
0x7d: {  	_ =	shalt  }
0x7e: {  	_ =	shalt  }
0x7f: {  	_ =	shalt  }
0x80: {  	_ =	shalt  }
0x81: {  	_ =	shalt  }
0x82: {  	_ =	shalt  }
0x83: {  	_ =	shalt  }
0x84: {  	_ =	shalt  }
0x85: {  	_ =	shalt  }
0x86: {  	_ =	shalt  }
0x87: {  	_ =	shalt  }
.Lfunc_end0:
.L_simem_size_0:
called_computation.1_lowered:
.L_overlay_start_0:
0x88: {  	s2 =	sld [smem:$0x3FD9]  }
0x89: {  	s3 =	sld [smem:$0x3FFE];
	_ =	sdelay $0x1  }
0x8a: {  	s1 =	srdreg.scid  }
0x8b: {  	s0 =	sand.u32 $0x1, s1  }
0x8c: {  	s17 =	sshll.u32 s0, $0xA;
	s2 =	sadd.s32 s3, s2  }
0x8d: {  	s2 =	sadd.s32 s2, s17  }
0x8e: {  	[smem:$0x3FBB] =	sst s2  }
0x8f: {  	_ = 	snop  }
0x90: {  	(tm) =	ssettm $0x1  }
0x91: {  	s18 =	sld [smem:$0x3FFB];
	_ =	sdelay $0x3  }
0x92: {  	_ =	strace s18  }
0x93: {  	s2 =	sld [smem:$0x3FFC];
	_ =	sdelay $0x3  }
0x94: {  	_ =	strace s2  }
0x95: {  	s2 =	sld [smem:$0x3FFD];
	_ =	sdelay $0x3  }
0x96: {  	_ =	strace s2  }
0x97: {  	_ =	strace $0x8FFFFFFF  }
0x98: {  	s19 =	sld [smem:$0x3FDB];
	_ =	sdelay $0x1  }
0x99: {  	s20 =	simm.s32 $_scs_section_size  }
0x9a: {  	s4 =	simm.s32 $_size__tile_overlayer_lowered;
	s5 =	simm.s32 $_tile_overlayer_lowered  }
0x9b: {  	s6 =	simm.s32 $0x1BFF;
	s21 =	sshll.u32 s5, $0x1;
	s3 =	sadd.s32 s20, s19  }
0x9c: {  	s22 =	simm.s32 $0x0;
	s4 =	sshll.u32 s4, $0x1;
	s5 =	sadd.s32 s21, s3  }
0x9d: {  	[timem:s22], [sflag:s6] =	dma.local [hbm:s5], s4  }
0x9e: {  	_ =	swait.ge [sflag:s6], s4  }
0x9f: {  	s4 =	ssub.s32 $0x0, s4;
	[sflag:s6] =	ssyncset.done $0x0  }
0xa0: {  	[sflag:s6] =	ssyncadd.s32 s4;
	_ =	sdelay $0x1  }
0xa1: {  	s23 =	simm.s32 $0x1B8B  }
0xa2: {  	_ =	swait.ge [sflag:s23], $0x1  }
0xa3: {  	[sflag:s23] =	ssyncset.done $0x0  }
0xa4: {  	[sflag:s23] =	ssyncadd.s32 $0xFFFFFFFF  }
0xa5: {  	s4 =	sld [smem:$0x0]  }
0xa6: {  	s5 =	sand.u32 $0xFFFFFFFE, s1  }
0xa7: {  	p0 =	sne.s32 s1, s5  }
0xa8: {  	s5 =	sshll.u32 @p0 s5, $0xE  }
0xa9: {  	s5 =	sadd.s32 @p0 $0x11B8D, s5;
	s6 =	sshll.u32 @p0 s4, $0x11  }
0xaa: {  	s5 =	sor.u32 @p0 s6, s5  }
0xab: {  	[sflag:s5] =	ssyncadd.remote.s32 @p0 $0x1;
	_ =	sdelay $0x1  }
0xac: {  	s5 =	simm.s32 @p0 $0x1B8D  }
0xad: {  	_ =	swait.eq @p0 [sflag:s5], $0x1  }
0xae: {  	[sflag:s5] =	ssyncadd.s32 @p0 $0xFFFFFFFF  }
0xaf: {  	s6 =	sshll.u32 @!p0 s1, $0xE  }
0xb0: {  	s6 =	sor.u32 @!p0 $0x4000, s6;
	s5 =	simm.s32 @!p0 $0x1B8D  }
0xb1: {  	s4 =	sshll.u32 @!p0 s4, $0x11;
	s6 =	sadd.s32 @!p0 $0x11B8D, s6;
	_ =	swait.eq @!p0 [sflag:s5], $0x1  }
0xb2: {  	s4 =	sor.u32 @!p0 s4, s6;
	[sflag:s5] =	ssyncadd.s32 @!p0 $0xFFFFFFFF  }
0xb3: {  	s25 =	simm.s32 $0x1B8E;
	s24 =	sld [smem:$0x3FFE];
	[sflag:s4] =	ssyncadd.remote.s32 @!p0 $0x1  }
0xb4: {  	s26 =	simm.s32 $execute0_lowered;
	[smem:$0x3FD2] =	sst s25  }
0xb5: {  	s5 =	sshll.u32 s26, $0x1;
	_ =	strace $0x8000004C;
	[dreg:$0x1] =	wrdreg $0xFFFFFFFF  }
0xb6: {  	s28 =	simm.s32 $_size_execute0_lowered;
	s3 =	sadd.s32 s3, s5;
	[dreg:$0x0] =	wrdreg $0x0  }
0xb7: {  	s5 =	sshll.u32 s28, $0x1;
	[dreg:$0x2] =	wrdreg s3  }
0xb8: {  	[dreg:$0x3] =	wrdreg s5  }
0xb9: {  	[dreg:$0x4] =	wrdreg $0xC0  }
0xba: {  	_ =	task [dreg:s22], $0x5FFFF  }
0xbb: {  	[dreg:$0x1] =	wrdreg $0xFFFFFFFF  }
0xbc: {  	[dreg:$0x0] =	wrdreg $0x60  }
0xbd: {  	[dreg:$0x2] =	wrdreg s24  }
0xbe: {  	[dreg:$0x3] =	wrdreg $0x24C00  }
0xbf: {  	[dreg:$0x4] =	wrdreg $0x9  }
0xc0: {  	_ =	task.clear_ibuf [dreg:s22], $0x5FFFF;
	_ =	strace $0x9000004C  }
0xc1: {  	s29 =	simm.s32 $0x9;
	_ =	strace $0x8000004E  }
0xc2: {  	_ =	swait.ge [sflag:s29], $0x1  }
0xc3: {  	[sflag:s29] =	ssyncadd.s32 $0xFFFFFFFF  }
0xc4: {  	_ =	strace $0x9000004E  }
0xc5: {  	_ =	sfence  }
0xc6: {  	s30 =	sld [smem:$0x0];
	_ =	sdelay $0x2  }
0xc7: {  	s31 =	sshll.u32 s1, $0xD;
	s1 =	sshrl.u32 s1, $0x2  }
0xc8: {  	s4 =	sand.u32 $0x4000, s31;
	s1 =	sadd.s32 s1, s30  }
0xc9: {  	s0 =	sor.u32 s4, s0;
	s1 =	sshll.u32 s1, $0x11  }
0xca: {  	s0 =	sor.u32 s1, s0  }
0xcb: {  	s0 =	sadd.s32 $0x8F2B, s0  }
0xcc: {  	[sflag:s0] =	ssyncadd.remote.s32 $0x1  }
0xcd: {  	_ =	sfence.sel $0xFFFF  }
0xce: {  	[dreg:$0x0] =	wrdreg $0xFFFFFFFF;
	(pc) =	sbr.abs _section_cstart, $3  }
0xcf: {  	[dreg:$0x1] =	wrdreg $0xFFFFFFFF  }
0xd0: {  	_ =	task.clear_ibuf [dreg:s22], $0x2FFFF;
	_ =	strace $0x9FFFFFFF  }
0xd1: {  	(tm) =	ssettm $0x7FFFFFFF  }
tec
execute0_lowered:
.L_overlay_start_1:
0x0: {  	(tag) =	ssettag $0x1  }
0x1: {  	s13 =	stileid.u32  }
0x2: {  	s7 =	smul.u32 $0x1D580, s13  }
0x3: {  	s0 =	srdreg.scid;
	s5 =	smul.u32 $0x540, s13  }
0x4: {  	s1 =	rddreg [dreg:$0x0];
	s6 =	smul.u32 $0x75600, s13  }
0x5: {  	s2 =	rddreg [dreg:$0x1];
	s3 =	simm.s32 $0x0;
	s8 =	smul.u32 $0x1F8000, s13  }
0x6: {  	s15 =	simm.s32 $0x12C0;
	s0 =	sand.u32 $0x1, s0;
	s13 =	smul.u32 $0x3F000, s13  }
0x7: {  	s28 =	simm.s32 $0xA8;
	s29 =	simm.s32 $0x0;
	s4 =	smul.u32 $0x1D5800, s0  }
0x8: {  	[smem:$0x7FF] =	sst s3;
	s11 =	sadd.s32 $0xB9C400, s1;
	s9 =	smul.u32 $0xFC000, s0  }
0x9: {  	_ =	strace $0x8000004D;
	s16 =	ssub.s32 $0x2, s0;
	s20 =	smul.u32 $0x1F800, s0  }
0xa: {  	s0 =	smul.u32 $0x2A0, s0;
	s12 =	sadd.s32 s5, s1;
	s17 =	sshrl.u32 s6, $0x2  }
0xb: {  	s18 =	sshrl.u32 s16, $0x1;
	s25 =	sadd.s32 s7, s2;
	s21 =	sadd.s32 s13, s11  }
0xc: {  	s13 =	simm.s32 $0xC0;
	s4 =	sadd.s32 s7, s4;
	s10 =	ssub.s32 s16, s18  }
0xd: {  	s14 =	sadd.s32 s9, s8;
	s0 =	sadd.s32 s0, s12;
	s16 =	simm.s32 $0x1  }
0xe: {  	s18 =	simm.s32 $0x2;
	s25 =	sshrl.u32 s25, $0x3;
	s4 =	sshrl.u32 s4, $0x3  }
0xf: {  	s9 =	sadd.s32 $0x7E00, s14;
	s7 =	smax.u32 s10, $0x1;
	s23 =	sadd.s32 $0x5A00, s14  }
0x10: {  	s24 =	sor.u32 $0x3600, s14;
	s30 =	sor.u32 $0x1200, s14;
	s12 =	sadd.s32 $0x54600, s0  }
0x11: {  	s14 =	simm.s32 $0x5;
	s1 =	sadd.s32 s4, s1;
	s4 =	sadd.s32 s17, s2  }
0x12: {  	s22 =	sshrl.u32 s9, $0x3;
	s26 =	sshrl.u32 s24, $0x3;
	s31 =	sshrl.u32 s30, $0x3  }
0x13: {  	s17 =	simm.s32 $0x18;
	s24 =	simm.s32 $0x78;
	s19 =	sadd.s32 $0x1D400, s4  }
0x14: {  	s6 =	sadd.s32 $0xC8400, s1;
	s1 =	sadd.s32 s20, s21;
	s8 =	sadd.s32 s22, s11  }
0x15: {  	s10 =	sadd.s32 s26, s11;
	s20 =	simm.s32 $0x4;
	s21 =	simm.s32 $0x30  }
0x16: {  	s22 =	simm.s32 $0x48;
	s26 =	simm.s32 $0x90;
	[dreg:$0x4] =	wrdreg s19  }
0x17: {  	[dreg:$0x3] =	wrdreg s1;
	s1 =	sshrl.u32 s23, $0x3;
	s19 =	simm.s32 $0x3  }
0x18: {  	v0 =	vimm.f32 $0.0e+00;
	s23 =	simm.s32 $0x60;
	s9 =	sadd.s32 s1, s11;
	s11 =	sadd.s32 s31, s11  }
.LBB2_1:
0x19: {  	s0 =	simm.s32 $0x0;
	s1 =	simm.s32 $0x300  }
.LBB2_2:
0x1a: {  	p0 =	sne.s32 s1, $0x4500;
	[tilespmem:s0+$0x170] =	vst v0  }
0x1b: {  	[tilespmem:s0+$0xC0] =	vst v0  }
0x1c: {  	[tilespmem:s0+$0xD0] =	vst v0  }
0x1d: {  	[tilespmem:s0+$0xE0] =	vst v0  }
0x1e: {  	[tilespmem:s0+$0xF0] =	vst v0  }
0x1f: {  	[tilespmem:s0+$0x100] =	vst v0  }
0x20: {  	[tilespmem:s0+$0x110] =	vst v0  }
.Ltmp0:
0x21: {  	[tilespmem:s0+$0x120] =	vst v0;
	(pc) =	sbr.rel @p0 .LBB2_2-.Ltmp0, $4  }
0x22: {  	[tilespmem:s0+$0x130] =	vst v0  }
0x23: {  	[tilespmem:s0+$0x140] =	vst v0  }
0x24: {  	[tilespmem:s0+$0x150] =	vst v0  }
0x25: {  	[tilespmem:s0+$0x160] =	vst v0;
	s0 =	sshra.s32 s1, $0x2;
	s1 =	sadd.s32 $0x300, s1  }
0x26: {  	[tilespmem:s0+$0x170] =	vst v0  }
0x27: {  	[tilespmem:s0+$0xC0] =	vst v0  }
0x28: {  	[tilespmem:s0+$0xD0] =	vst v0  }
0x29: {  	[tilespmem:s0+$0xE0] =	vst v0  }
0x2a: {  	[tilespmem:s0+$0xF0] =	vst v0  }
0x2b: {  	[tilespmem:s0+$0x100] =	vst v0  }
0x2c: {  	[tilespmem:s0+$0x110] =	vst v0  }
0x2d: {  	[tilespmem:s0+$0x120] =	vst v0  }
0x2e: {  	[tilespmem:s0+$0x130] =	vst v0  }
0x2f: {  	[tilespmem:s0+$0x140] =	vst v0  }
0x30: {  	[tilespmem:s0+$0x150] =	vst v0  }
0x31: {  	[tilespmem:s0+$0x160] =	vst v0;
	s31 =	sadd.s32 $0x0, s4  }
0x32: {  	[spmem:s31] =	stream.linear.scatter [tilespmem:s13], [sflag:$0x5], $0x1200, $0x38;
	[tilespmem:$0x1FA40] =	vst v63  }
0x33: {  	s0 =	simm.s32 $0x4800;
	_ =	swait.ge [sflag:s14], $0x1200  }
.LBB2_4:
0x34: {  	s1 =	sshra.s32 s0, $0x2;
	[sflag:s14] =	ssyncset.done $0x0;
	p0 =	sne.s32 s0, $0x70800  }
.Ltmp1:
0x35: {  	s1 =	sadd.s32 s1, s4;
	[sflag:s14] =	ssyncadd.s32 $0xFFFFEE00;
	(pc) =	sbr.rel @p0 .LBB2_4-.Ltmp1, $3  }
0x36: {  	[spmem:s1] =	stream.linear.scatter [tilespmem:s13], [sflag:$0x5], $0x1200, $0x38;
	[tilespmem:$0x1FA40] =	vst v63  }
0x37: {  	s0 =	sadd.s32 $0x4800, s0;
	_ =	sdelay $0x1  }
0x38: {  	_ =	swait.ge [sflag:s14], $0x1200  }
0x39: {  	[sflag:s14] =	ssyncset.done $0x0  }
0x3a: {  	s0 =	rddreg [dreg:$0x4];
	[sflag:s14] =	ssyncadd.s32 $0xFFFFEE00  }
0x3b: {  	[spmem:s0] =	stream.linear.scatter [tilespmem:s13], [sflag:$0x5], $0x180, $0x38;
	[tilespmem:$0x1FA40] =	vst v63  }
0x3c: {  	_ =	swait.ge [sflag:s14], $0x180  }
0x3d: {  	[sflag:s14] =	ssyncset.done $0x0  }
0x3e: {  	[sflag:s14] =	ssyncadd.s32 $0xFFFFFE80  }
0x3f: {  	[bflag:$0x0] =	sbarrier.arrive $0xFFFF  }
0x40: {  	[tilespmem:s3], [sflag:$0x5] =	stream.linear.gather [hbm4b:s12+s3], $0xC0, $0x38;
	[tilespmem:$0x1FA40] =	vst v63  }
0x41: {  	_ =	swait.ge [sflag:s14], $0xC0  }
0x42: {  	s1 =	rddreg [dreg:$0x3];
	[sflag:s14] =	ssyncset.done $0x0  }
0x43: {  	[sflag:s14] =	ssyncadd.s32 $0xFFFFFF40;
	s0 =	sadd.s32 $0x0, s1  }
0x44: {  	[tilespmem:s13], [sflag:$0x1] =	stream.linear.gather [hbm4b:s0+s3], $0x1200, $0x38;
	[tilespmem:$0x1FA40] =	vst v63  }
0x45: {  	s1 =	sadd.s32 $0x0, s11  }
0x46: {  	[tilespmem:s15], [sflag:$0x2] =	stream.linear.gather [hbm4b:s1+s3], $0x1200, $0x38;
	[tilespmem:$0x1FA40] =	vst v63  }
0x47: {  	_ =	swait.ge [sflag:s16], $0x1200  }
0x48: {  	[sflag:s16] =	ssyncset.done $0x0  }
0x49: {  	[sflag:s16] =	ssyncadd.s32 $0xFFFFEE00  }
0x4a: {  	[spmem:s2] =	stream.indirect.scatter.add.f32 [tilespmem:s13], [sflag:$0x3], $0xC0, s3, s17, $0xb8;
	[tilespmem:$0x1FA40] =	vst v63  }
0x4b: {  	_ =	swait.ge [sflag:s18], $0x1200  }
0x4c: {  	[sflag:s18] =	ssyncset.done $0x0  }
0x4d: {  	[sflag:s18] =	ssyncadd.s32 $0xFFFFEE00  }
0x4e: {  	[spmem:s2] =	stream.indirect.scatter.add.f32 [tilespmem:s15], [sflag:$0x4], $0xC0, s17, s17, $0xb8;
	[tilespmem:$0x1FA40] =	vst v63  }
0x4f: {  	_ =	swait.ge [sflag:s19], $0x1200  }
0x50: {  	[sflag:s19] =	ssyncset.done $0x0  }
0x51: {  	[sflag:s19] =	ssyncadd.s32 $0xFFFFEE00  }
0x52: {  	_ =	swait.ge [sflag:s20], $0x1200  }
0x53: {  	[sflag:s20] =	ssyncset.done $0x0  }
0x54: {  	s5 =	sadd.s32 $0x480, s0;
	[sflag:s20] =	ssyncadd.s32 $0xFFFFEE00  }
0x55: {  	[tilespmem:s13], [sflag:$0x1] =	stream.linear.gather [hbm4b:s5+s3], $0x1200, $0x38;
	[tilespmem:$0x1FA40] =	vst v63  }
0x56: {  	s5 =	sadd.s32 $0x0, s10  }
0x57: {  	[tilespmem:s15], [sflag:$0x2] =	stream.linear.gather [hbm4b:s5+s3], $0x1200, $0x38;
	[tilespmem:$0x1FA40] =	vst v63  }
0x58: {  	_ =	swait.ge [sflag:s16], $0x1200  }
0x59: {  	[sflag:s16] =	ssyncset.done $0x0  }
0x5a: {  	[sflag:s16] =	ssyncadd.s32 $0xFFFFEE00  }
0x5b: {  	[spmem:s2] =	stream.indirect.scatter.add.f32 [tilespmem:s13], [sflag:$0x3], $0xC0, s21, s17, $0xb8;
	[tilespmem:$0x1FA40] =	vst v63  }
0x5c: {  	_ =	swait.ge [sflag:s18], $0x1200  }
0x5d: {  	[sflag:s18] =	ssyncset.done $0x0  }
0x5e: {  	[sflag:s18] =	ssyncadd.s32 $0xFFFFEE00  }
0x5f: {  	[spmem:s2] =	stream.indirect.scatter.add.f32 [tilespmem:s15], [sflag:$0x4], $0xC0, s22, s17, $0xb8;
	[tilespmem:$0x1FA40] =	vst v63  }
0x60: {  	_ =	swait.ge [sflag:s19], $0x1200  }
0x61: {  	[sflag:s19] =	ssyncset.done $0x0  }
0x62: {  	[sflag:s19] =	ssyncadd.s32 $0xFFFFEE00  }
0x63: {  	_ =	swait.ge [sflag:s20], $0x1200  }
0x64: {  	[sflag:s20] =	ssyncset.done $0x0  }
0x65: {  	s5 =	sadd.s32 $0x900, s0;
	[sflag:s20] =	ssyncadd.s32 $0xFFFFEE00  }
0x66: {  	[tilespmem:s13], [sflag:$0x1] =	stream.linear.gather [hbm4b:s5+s3], $0x1200, $0x38;
	[tilespmem:$0x1FA40] =	vst v63  }
0x67: {  	s5 =	sadd.s32 $0x0, s9  }
0x68: {  	[tilespmem:s15], [sflag:$0x2] =	stream.linear.gather [hbm4b:s5+s3], $0x1200, $0x38;
	[tilespmem:$0x1FA40] =	vst v63  }
0x69: {  	_ =	swait.ge [sflag:s16], $0x1200  }
0x6a: {  	[sflag:s16] =	ssyncset.done $0x0  }
0x6b: {  	[sflag:s16] =	ssyncadd.s32 $0xFFFFEE00  }
0x6c: {  	[spmem:s2] =	stream.indirect.scatter.add.f32 [tilespmem:s13], [sflag:$0x3], $0xC0, s23, s17, $0xb8;
	[tilespmem:$0x1FA40] =	vst v63  }
0x6d: {  	_ =	swait.ge [sflag:s18], $0x1200  }
0x6e: {  	[sflag:s18] =	ssyncset.done $0x0  }
0x6f: {  	[sflag:s18] =	ssyncadd.s32 $0xFFFFEE00  }
0x70: {  	[spmem:s2] =	stream.indirect.scatter.add.f32 [tilespmem:s15], [sflag:$0x4], $0xC0, s24, s17, $0xb8;
	[tilespmem:$0x1FA40] =	vst v63  }
0x71: {  	_ =	swait.ge [sflag:s19], $0x1200  }
0x72: {  	[sflag:s19] =	ssyncset.done $0x0  }
0x73: {  	[sflag:s19] =	ssyncadd.s32 $0xFFFFEE00  }
0x74: {  	_ =	swait.ge [sflag:s20], $0x1200  }
0x75: {  	[sflag:s20] =	ssyncset.done $0x0  }
0x76: {  	s0 =	sadd.s32 $0xD80, s0;
	[sflag:s20] =	ssyncadd.s32 $0xFFFFEE00  }
0x77: {  	[tilespmem:s13], [sflag:$0x1] =	stream.linear.gather [hbm4b:s0+s3], $0x1200, $0x38;
	[tilespmem:$0x1FA40] =	vst v63  }
0x78: {  	s5 =	sadd.s32 $0x0, s8  }
0x79: {  	[tilespmem:s15], [sflag:$0x2] =	stream.linear.gather [hbm4b:s5+s3], $0x1200, $0x38;
	[tilespmem:$0x1FA40] =	vst v63  }
0x7a: {  	_ =	swait.ge [sflag:s16], $0x1200  }
0x7b: {  	[sflag:s16] =	ssyncset.done $0x0  }
0x7c: {  	[sflag:s16] =	ssyncadd.s32 $0xFFFFEE00  }
0x7d: {  	[spmem:s2] =	stream.indirect.scatter.add.f32 [tilespmem:s13], [sflag:$0x3], $0xC0, s26, s17, $0xb8;
	[tilespmem:$0x1FA40] =	vst v63  }
0x7e: {  	_ =	swait.ge [sflag:s18], $0x1200  }
0x7f: {  	[sflag:s18] =	ssyncset.done $0x0  }
0x80: {  	[sflag:s18] =	ssyncadd.s32 $0xFFFFEE00  }
0x81: {  	[spmem:s2] =	stream.indirect.scatter.add.f32 [tilespmem:s15], [sflag:$0x4], $0xC0, s28, s17, $0xb8;
	[tilespmem:$0x1FA40] =	vst v63  }
0x82: {  	_ =	swait.ge [sflag:s19], $0x1200  }
0x83: {  	[sflag:s19] =	ssyncset.done $0x0  }
0x84: {  	[sflag:s19] =	ssyncadd.s32 $0xFFFFEE00  }
0x85: {  	_ =	swait.ge [sflag:s20], $0x1200  }
0x86: {  	s30 =	simm.s32 $0x1200;
	s31 =	smov.u32 s12;
	[sflag:s20] =	ssyncset.done $0x0  }
.LBB2_6:
0x87: {  	[sflag:s20] =	ssyncadd.s32 $0xFFFFEE00;
	s31 =	sadd.s32 $0x18, s31  }
0x88: {  	[tilespmem:s3], [sflag:$0x5] =	stream.linear.gather [hbm4b:s31+s3], $0xC0, $0x38;
	[tilespmem:$0x1FA40] =	vst v63  }
0x89: {  	_ =	swait.ge [sflag:s14], $0xC0  }
0x8a: {  	s1 =	smov.u32 s30;
	s0 =	rddreg [dreg:$0x3];
	[sflag:s14] =	ssyncset.done $0x0  }
0x8b: {  	[sflag:s14] =	ssyncadd.s32 $0xFFFFFF40;
	s0 =	sadd.s32 s1, s0  }
0x8c: {  	[tilespmem:s13], [sflag:$0x1] =	stream.linear.gather [hbm4b:s0+s3], $0x1200, $0x38;
	[tilespmem:$0x1FA40] =	vst v63  }
0x8d: {  	s5 =	sadd.s32 s1, s11  }
0x8e: {  	[tilespmem:s15], [sflag:$0x2] =	stream.linear.gather [hbm4b:s5+s3], $0x1200, $0x38;
	[tilespmem:$0x1FA40] =	vst v63  }
0x8f: {  	_ =	swait.ge [sflag:s16], $0x1200  }
0x90: {  	[sflag:s16] =	ssyncset.done $0x0  }
0x91: {  	[sflag:s16] =	ssyncadd.s32 $0xFFFFEE00  }
0x92: {  	[spmem:s2] =	stream.indirect.scatter.add.f32 [tilespmem:s13], [sflag:$0x3], $0xC0, s3, s17, $0xb8;
	[tilespmem:$0x1FA40] =	vst v63  }
0x93: {  	_ =	swait.ge [sflag:s18], $0x1200  }
0x94: {  	[sflag:s18] =	ssyncset.done $0x0  }
0x95: {  	[sflag:s18] =	ssyncadd.s32 $0xFFFFEE00  }
0x96: {  	[spmem:s2] =	stream.indirect.scatter.add.f32 [tilespmem:s15], [sflag:$0x4], $0xC0, s17, s17, $0xb8;
	[tilespmem:$0x1FA40] =	vst v63  }
0x97: {  	_ =	swait.ge [sflag:s19], $0x1200  }
0x98: {  	[sflag:s19] =	ssyncset.done $0x0  }
0x99: {  	[sflag:s19] =	ssyncadd.s32 $0xFFFFEE00  }
0x9a: {  	_ =	swait.ge [sflag:s20], $0x1200  }
0x9b: {  	[sflag:s20] =	ssyncset.done $0x0  }
0x9c: {  	s5 =	sadd.s32 $0x480, s0;
	[sflag:s20] =	ssyncadd.s32 $0xFFFFEE00  }
0x9d: {  	[tilespmem:s13], [sflag:$0x1] =	stream.linear.gather [hbm4b:s5+s3], $0x1200, $0x38;
	[tilespmem:$0x1FA40] =	vst v63  }
0x9e: {  	s5 =	sadd.s32 s1, s10  }
0x9f: {  	[tilespmem:s15], [sflag:$0x2] =	stream.linear.gather [hbm4b:s5+s3], $0x1200, $0x38;
	[tilespmem:$0x1FA40] =	vst v63  }
0xa0: {  	_ =	swait.ge [sflag:s16], $0x1200  }
0xa1: {  	[sflag:s16] =	ssyncset.done $0x0  }
0xa2: {  	[sflag:s16] =	ssyncadd.s32 $0xFFFFEE00  }
0xa3: {  	[spmem:s2] =	stream.indirect.scatter.add.f32 [tilespmem:s13], [sflag:$0x3], $0xC0, s21, s17, $0xb8;
	[tilespmem:$0x1FA40] =	vst v63  }
0xa4: {  	_ =	swait.ge [sflag:s18], $0x1200  }
0xa5: {  	[sflag:s18] =	ssyncset.done $0x0  }
0xa6: {  	[sflag:s18] =	ssyncadd.s32 $0xFFFFEE00  }
0xa7: {  	[spmem:s2] =	stream.indirect.scatter.add.f32 [tilespmem:s15], [sflag:$0x4], $0xC0, s22, s17, $0xb8;
	[tilespmem:$0x1FA40] =	vst v63  }
0xa8: {  	_ =	swait.ge [sflag:s19], $0x1200  }
0xa9: {  	[sflag:s19] =	ssyncset.done $0x0  }
0xaa: {  	[sflag:s19] =	ssyncadd.s32 $0xFFFFEE00  }
0xab: {  	_ =	swait.ge [sflag:s20], $0x1200  }
0xac: {  	[sflag:s20] =	ssyncset.done $0x0  }
0xad: {  	s5 =	sadd.s32 $0x900, s0;
	[sflag:s20] =	ssyncadd.s32 $0xFFFFEE00  }
0xae: {  	[tilespmem:s13], [sflag:$0x1] =	stream.linear.gather [hbm4b:s5+s3], $0x1200, $0x38;
	[tilespmem:$0x1FA40] =	vst v63  }
0xaf: {  	s5 =	sadd.s32 s1, s9  }
0xb0: {  	[tilespmem:s15], [sflag:$0x2] =	stream.linear.gather [hbm4b:s5+s3], $0x1200, $0x38;
	[tilespmem:$0x1FA40] =	vst v63  }
0xb1: {  	_ =	swait.ge [sflag:s16], $0x1200  }
0xb2: {  	[sflag:s16] =	ssyncset.done $0x0  }
0xb3: {  	[sflag:s16] =	ssyncadd.s32 $0xFFFFEE00  }
0xb4: {  	[spmem:s2] =	stream.indirect.scatter.add.f32 [tilespmem:s13], [sflag:$0x3], $0xC0, s23, s17, $0xb8;
	[tilespmem:$0x1FA40] =	vst v63  }
0xb5: {  	_ =	swait.ge [sflag:s18], $0x1200  }
0xb6: {  	[sflag:s18] =	ssyncset.done $0x0  }
0xb7: {  	[sflag:s18] =	ssyncadd.s32 $0xFFFFEE00  }
0xb8: {  	[spmem:s2] =	stream.indirect.scatter.add.f32 [tilespmem:s15], [sflag:$0x4], $0xC0, s24, s17, $0xb8;
	[tilespmem:$0x1FA40] =	vst v63  }
0xb9: {  	_ =	swait.ge [sflag:s19], $0x1200  }
0xba: {  	[sflag:s19] =	ssyncset.done $0x0  }
0xbb: {  	[sflag:s19] =	ssyncadd.s32 $0xFFFFEE00  }
0xbc: {  	_ =	swait.ge [sflag:s20], $0x1200  }
0xbd: {  	[sflag:s20] =	ssyncset.done $0x0  }
0xbe: {  	s0 =	sadd.s32 $0xD80, s0;
	[sflag:s20] =	ssyncadd.s32 $0xFFFFEE00  }
0xbf: {  	[tilespmem:s13], [sflag:$0x1] =	stream.linear.gather [hbm4b:s0+s3], $0x1200, $0x38;
	[tilespmem:$0x1FA40] =	vst v63  }
0xc0: {  	s5 =	sadd.s32 s1, s8  }
0xc1: {  	[tilespmem:s15], [sflag:$0x2] =	stream.linear.gather [hbm4b:s5+s3], $0x1200, $0x38;
	[tilespmem:$0x1FA40] =	vst v63  }
0xc2: {  	_ =	swait.ge [sflag:s16], $0x1200  }
0xc3: {  	[sflag:s16] =	ssyncset.done $0x0  }
0xc4: {  	[sflag:s16] =	ssyncadd.s32 $0xFFFFEE00  }
0xc5: {  	[spmem:s2] =	stream.indirect.scatter.add.f32 [tilespmem:s13], [sflag:$0x3], $0xC0, s26, s17, $0xb8;
	[tilespmem:$0x1FA40] =	vst v63  }
0xc6: {  	_ =	swait.ge [sflag:s18], $0x1200  }
0xc7: {  	[sflag:s18] =	ssyncset.done $0x0  }
0xc8: {  	p0 =	sne.s32 s30, $0x1E600;
	[sflag:s18] =	ssyncadd.s32 $0xFFFFEE00  }
0xc9: {  	[spmem:s2] =	stream.indirect.scatter.add.f32 [tilespmem:s15], [sflag:$0x4], $0xC0, s28, s17, $0xb8;
	[tilespmem:$0x1FA40] =	vst v63  }
.Ltmp2:
0xca: {  	_ =	swait.ge [sflag:s19], $0x1200;
	(pc) =	sbr.rel @p0 .LBB2_6-.Ltmp2, $4  }
0xcb: {  	[sflag:s19] =	ssyncset.done $0x0  }
0xcc: {  	[sflag:s19] =	ssyncadd.s32 $0xFFFFEE00  }
0xcd: {  	_ =	swait.ge [sflag:s20], $0x1200  }
0xce: {  	s30 =	sadd.s32 $0x1200, s30;
	[sflag:s20] =	ssyncset.done $0x0  }
0xcf: {  	s0 =	stileid.u32;
	s29 =	sadd.s32 $0x1, s29  }
0xd0: {  	[sflag:s20] =	ssyncadd.s32 $0xFFFFEE00;
	s0 =	sshll.u32 s0, $0x6;
	p0 =	sne.s32 s29, s7  }
.Ltmp3:
0xd1: {  	[bflag:$0x0] =	sbarrier.arrive $0xFFFF;
	s0 =	sor.u32 $0x1C05, s0;
	(pc) =	sbr.rel @p0 .LBB2_1-.Ltmp3, $4  }
0xd2: {  	[hbm:s6], [sflag:s0] =	dma.local [spmem:s25], $0x3AB0  }
0xd3: {  	_ =	swait.ge [sflag:s14], $0x3AB0  }
0xd4: {  	[sflag:s14] =	ssyncset.done $0x0  }
0xd5: {  	[sflag:s14] =	ssyncadd.s32 $0xFFFFC550  }
0xd6: {  	_ =	sfence.sel $0x180000  }
0xd7: {  	[bflag:$0x0] =	sbarrier.arrive $0xFFFF  }
0xd8: {  	_ =	strace $0x9000004D  }
0xd9: {  	s0 =	stileid.u32;
	[bflag:$0x2] =	sbarrier.arrive $0xFFFF  }
0xda: {  	p0 =	sne.s32 s0, $0x0;
	s0 =	rddreg [dreg:$0x2]  }
0xdb: {  	s0 =	sadd.s32 @!p0 $0x100000, s0  }
0xdc: {  	[sflag:s0] =	ssyncadd.tile.s32 @!p0 $0x1;
	_ =	shalt  }
.Lfunc_end2:
_tile_overlayer_lowered:
.L_overlay_start_2:
0xdd: {  	(tag) =	ssettag $0x2  }
0xde: {  	s0 =	rddreg [dreg:$0x0];
	s2 =	stileid.u32  }
0xdf: {  	s1 =	rddreg [dreg:$0x1];
	p0 =	sne.s32 s2, $0x0  }
0xe0: {  	s3 =	rddreg [dreg:$0x2];
	[bflag:$0x3] =	sbarrier.arrive $0xFFFF;
	s2 =	simm.s32 @!p0 $0x1C05  }
0xe1: {  	[timem:s3], [sflag:s2] =	dma.local @!p0 [hbm:s0], s1  }
0xe2: {  	s0 =	simm.s32 @!p0 $0x5  }
0xe3: {  	_ =	swait.ge @!p0 [sflag:s0], s1  }
0xe4: {  	s1 =	ssub.s32 @!p0 $0x0, s1;
	[sflag:s0] =	ssyncset.done @!p0 $0x0  }
0xe5: {  	[sflag:s0] =	ssyncadd.s32 @!p0 s1  }
0xe6: {  	[bflag:$0x3] =	sbarrier.arrive $0xFFFF  }
0xe7: {  	_ =	shalt  }

// kernel: kernel.19.cloned.1.call-start
scs
__scs_entry_jumppad:
0x0: {  	(pc) =	sbr.rel $0x88, $3  }
0x1: {  	(tag) =	ssettag $0x0;
	lr =	simm.s32 $0x1  }
0x2: {  	[smem:$0x3F94] =	sst lr;
	_ =	strace $0xD0000000  }
0x3: {  	_ = 	snop  }
0x4: {  	_ = 	snop  }
0x5: {  	_ = 	snop  }
0x6: {  	_ = 	snop  }
0x7: {  	_ = 	snop  }
__scs_overlays_trampoline_lowered:
0x8: {  	[smem:$0x3FA3] =	sst s0  }
0x9: {  	[smem:$0x3FA4] =	sst s1  }
0xa: {  	[smem:$0x3FA5] =	sst s2  }
0xb: {  	[smem:$0x3FA6] =	sst s3  }
0xc: {  	[smem:$0x3FA7] =	sst s4  }
0xd: {  	[smem:$0x3FA8] =	sst s5  }
0xe: {  	[smem:$0x3FA9] =	sst s6  }
0xf: {  	[smem:$0x3FAA] =	sst s7  }
0x10: {  	[smem:$0x3FAB] =	sst s8  }
0x11: {  	[smem:$0x3FAC] =	sst s9;
	s0 =	simm.s32 @!p0 $0x0  }
0x12: {  	s1 =	sld [smem:$0x3F92];
	s0 =	simm.s32 @p0 $0x1  }
0x13: {  	[smem:$0x3FAD] =	sst s0;
	s0 =	simm.s32 @!p1 $0x0  }
0x14: {  	s2 =	sld [smem:$0x3F91];
	s0 =	simm.s32 @p1 $0x1  }
0x15: {  	[smem:$0x3FAE] =	sst s0;
	s0 =	simm.s32 @!p2 $0x0  }
0x16: {  	s3 =	sld [smem:$0x3FDB];
	s0 =	simm.s32 @p2 $0x1  }
0x17: {  	s4 =	simm.s32 $0x1BF5;
	[smem:$0x3FB0] =	sst s0  }
0x18: {  	s0 =	sld [smem:$0x3F93];
	_ =	swait.ge [sflag:s4], $0x0  }
0x19: {  	s7 =	sld [smem:$0x3F94]  }
0x1a: {  	s8 =	sadd.s32 $0xFFFFE003, lr  }
0x1b: {  	s9 =	sadd.s32 $0xFFFFFEF7, lr;
	s5 =	simm.s32 $0xFFFFFFFF;
	p2 =	slt.u32 s8, $0xFFFFF086  }
0x1c: {  	p1 =	slt.u32 s9, $0xF7A;
	s5 =	simm.s32 @!p2 $0x0  }
0x1d: {  	s5 =	simm.s32 @p1 $0x1;
	p0 =	seq.s32 s7, s2  }
0x1e: {  	s7 =	smul.u32 @!p0 $0xF7A, s2;
	p2 =	seq.s32 @!p0 s5, $0x0  }
0x1f: {  	s9 =	smul.u32 $0xF7A, s1;
	s8 =	simm.s32 @!p0 $0x1BF5;
	p2 =	por !p2, p0  }
0x20: {  	[sflag:s8] =	ssyncset.s32 @!p0 $0xFFFFF086;
	s6 =	sadd.s32 @!p0 s3, s7;
	s7 =	simm.s32 @!p0 $0x108  }
0x21: {  	s3 =	sadd.s32 s3, s9;
	s6 =	sadd.s32 @!p0 $0x88, s6;
	s7 =	simm.s32 @p2 $0x1082  }
0x22: {  	[simem:s7], [sflag:s8] =	dma.local @!p0 [hbm:s6], $0xF7A  }
0x23: {  	s9 =	sor.u32 $0xD0000000, s2;
	s6 =	simm.s32 $0x108;
	_ =	swait.ge @!p0 [sflag:s8], $0x0  }
0x24: {  	s3 =	sadd.s32 $0x88, s3;
	s6 =	simm.s32 @!p1 $0x1082;
	[sflag:s4] =	ssyncset.s32 $0xFFFFF086  }
0x25: {  	[simem:s6], [sflag:s4] =	dma.local [hbm:s3], $0xF7A  }
0x26: {  	[smem:$0x3F94] =	sst s1;
	(tag) =	ssettag s2;
	_ =	strace s9  }
0x27: {  	s1 =	sld [smem:$0x3FA4]  }
0x28: {  	s2 =	sld [smem:$0x3FA5]  }
0x29: {  	s4 =	sld [smem:$0x3FA7]  }
0x2a: {  	p0 =	seq.s32 s5, $0x0;
	s5 =	sld [smem:$0x3FA8]  }
0x2b: {  	s6 =	sld [smem:$0x3FA9]  }
0x2c: {  	s7 =	sld [smem:$0x3FAA]  }
0x2d: {  	s3 =	simm.s32 $0x108;
	s8 =	sld [smem:$0x3FAB]  }
0x2e: {  	s3 =	simm.s32 @!p0 $0x1082;
	s9 =	sld [smem:$0x3FAC]  }
0x2f: {  	lr =	sadd.s32 s0, s3;
	s0 =	sld [smem:$0x3FA3]  }
0x30: {  	s3 =	sld [smem:$0x3FA6]  }
0x31: {  	[smem:$0x3FAF] =	sst s10  }
0x32: {  	s10 =	sld [smem:$0x3FAD];
	_ =	sdelay $0x3  }
0x33: {  	p0 =	seq.s32 s10, $0x1;
	s10 =	sld [smem:$0x3FAF];
	_ =	sdelay $0x3  }
0x34: {  	[smem:$0x3FAF] =	sst s10  }
0x35: {  	s10 =	sld [smem:$0x3FAE];
	_ =	sdelay $0x3  }
0x36: {  	p1 =	seq.s32 s10, $0x1;
	s10 =	sld [smem:$0x3FAF];
	_ =	sdelay $0x3  }
0x37: {  	[smem:$0x3FAF] =	sst s10  }
0x38: {  	s10 =	sld [smem:$0x3FB0]  }
0x39: {  	_ = 	snop;
	(pc) =	sbr.ind lr, $3  }
0x3a: {  	_ = 	snop  }
0x3b: {  	_ = 	snop  }
0x3c: {  	p2 =	seq.s32 s10, $0x1;
	s10 =	sld [smem:$0x3FAF]  }
0x3d: {  	_ =	shalt  }
0x3e: {  	_ =	shalt  }
0x3f: {  	_ =	shalt  }
0x40: {  	_ =	shalt  }
0x41: {  	_ =	shalt  }
0x42: {  	_ =	shalt  }
0x43: {  	_ =	shalt  }
0x44: {  	_ =	shalt  }
0x45: {  	_ =	shalt  }
0x46: {  	_ =	shalt  }
0x47: {  	_ =	shalt  }
0x48: {  	_ =	shalt  }
0x49: {  	_ =	shalt  }
0x4a: {  	_ =	shalt  }
0x4b: {  	_ =	shalt  }
0x4c: {  	_ =	shalt  }
0x4d: {  	_ =	shalt  }
0x4e: {  	_ =	shalt  }
0x4f: {  	_ =	shalt  }
0x50: {  	_ =	shalt  }
0x51: {  	_ =	shalt  }
0x52: {  	_ =	shalt  }
0x53: {  	_ =	shalt  }
0x54: {  	_ =	shalt  }
0x55: {  	_ =	shalt  }
0x56: {  	_ =	shalt  }
0x57: {  	_ =	shalt  }
0x58: {  	_ =	shalt  }
0x59: {  	_ =	shalt  }
0x5a: {  	_ =	shalt  }
0x5b: {  	_ =	shalt  }
0x5c: {  	_ =	shalt  }
0x5d: {  	_ =	shalt  }
0x5e: {  	_ =	shalt  }
0x5f: {  	_ =	shalt  }
0x60: {  	_ =	shalt  }
0x61: {  	_ =	shalt  }
0x62: {  	_ =	shalt  }
0x63: {  	_ =	shalt  }
0x64: {  	_ =	shalt  }
0x65: {  	_ =	shalt  }
0x66: {  	_ =	shalt  }
0x67: {  	_ =	shalt  }
0x68: {  	_ =	shalt  }
0x69: {  	_ =	shalt  }
0x6a: {  	_ =	shalt  }
0x6b: {  	_ =	shalt  }
0x6c: {  	_ =	shalt  }
0x6d: {  	_ =	shalt  }
0x6e: {  	_ =	shalt  }
0x6f: {  	_ =	shalt  }
0x70: {  	_ =	shalt  }
0x71: {  	_ =	shalt  }
0x72: {  	_ =	shalt  }
0x73: {  	_ =	shalt  }
0x74: {  	_ =	shalt  }
0x75: {  	_ =	shalt  }
0x76: {  	_ =	shalt  }
0x77: {  	_ =	shalt  }
0x78: {  	_ =	shalt  }
0x79: {  	_ =	shalt  }
0x7a: {  	_ =	shalt  }
0x7b: {  	_ =	shalt  }
0x7c: {  	_ =	shalt  }
0x7d: {  	_ =	shalt  }
0x7e: {  	_ =	shalt  }
0x7f: {  	_ =	shalt  }
0x80: {  	_ =	shalt  }
0x81: {  	_ =	shalt  }
0x82: {  	_ =	shalt  }
0x83: {  	_ =	shalt  }
0x84: {  	_ =	shalt  }
0x85: {  	_ =	shalt  }
0x86: {  	_ =	shalt  }
0x87: {  	_ =	shalt  }
.Lfunc_end0:
.L_simem_size_0:
called_computation.2_lowered:
.L_overlay_start_0:
0x88: {  	s2 =	sld [smem:$0x3FD9]  }
0x89: {  	s3 =	sld [smem:$0x3FFE];
	_ =	sdelay $0x1  }
0x8a: {  	s1 =	srdreg.scid  }
0x8b: {  	s0 =	sand.u32 $0x1, s1  }
0x8c: {  	s16 =	sshll.u32 s0, $0xA;
	s2 =	sadd.s32 s3, s2  }
0x8d: {  	s2 =	sadd.s32 s2, s16  }
0x8e: {  	[smem:$0x3FBB] =	sst s2  }
0x8f: {  	_ = 	snop  }
0x90: {  	(tm) =	ssettm $0x1  }
0x91: {  	s17 =	sld [smem:$0x3FFB];
	_ =	sdelay $0x3  }
0x92: {  	_ =	strace s17  }
0x93: {  	s2 =	sld [smem:$0x3FFC];
	_ =	sdelay $0x3  }
0x94: {  	_ =	strace s2  }
0x95: {  	s2 =	sld [smem:$0x3FFD];
	_ =	sdelay $0x3  }
0x96: {  	_ =	strace s2  }
0x97: {  	_ =	strace $0x8FFFFFFF  }
0x98: {  	s18 =	sld [smem:$0x3FDB];
	_ =	sdelay $0x1  }
0x99: {  	s19 =	simm.s32 $_scs_section_size  }
0x9a: {  	s4 =	simm.s32 $_size__tile_overlayer_lowered;
	s5 =	simm.s32 $_tile_overlayer_lowered  }
0x9b: {  	s22 =	simm.s32 $0x1BFF;
	s21 =	sshll.u32 s5, $0x1;
	s2 =	sadd.s32 s19, s18  }
0x9c: {  	s6 =	simm.s32 $0x0;
	s20 =	sshll.u32 s4, $0x1;
	s4 =	sadd.s32 s21, s2  }
0x9d: {  	[timem:s6], [sflag:s22] =	dma.local [hbm:s4], s20  }
0x9e: {  	_ =	swait.ge [sflag:s22], s20  }
0x9f: {  	s3 =	ssub.s32 $0x0, s20;
	[sflag:s22] =	ssyncset.done $0x0  }
0xa0: {  	[sflag:s22] =	ssyncadd.s32 s3;
	_ =	sdelay $0x1  }
0xa1: {  	s23 =	simm.s32 $0x1B8B  }
0xa2: {  	_ =	swait.ge [sflag:s23], $0x1  }
0xa3: {  	[sflag:s23] =	ssyncset.done $0x0  }
0xa4: {  	s25 =	simm.s32 $0x1B8E;
	s24 =	sld [smem:$0x3FFE];
	[sflag:s23] =	ssyncadd.s32 $0xFFFFFFFF  }
0xa5: {  	s26 =	simm.s32 $execute0_lowered;
	[smem:$0x3FD2] =	sst s25  }
0xa6: {  	s4 =	sshll.u32 s26, $0x1;
	_ =	strace $0x80000049;
	[dreg:$0x1] =	wrdreg $0xFFFFFFFF  }
0xa7: {  	s28 =	simm.s32 $_size_execute0_lowered;
	s2 =	sadd.s32 s2, s4;
	[dreg:$0x0] =	wrdreg $0x0  }
0xa8: {  	s4 =	sshll.u32 s28, $0x1;
	[dreg:$0x2] =	wrdreg s2  }
0xa9: {  	[dreg:$0x3] =	wrdreg s4  }
0xaa: {  	[dreg:$0x4] =	wrdreg $0xC0  }
0xab: {  	_ =	task [dreg:s6], $0x5FFFF  }
0xac: {  	[dreg:$0x1] =	wrdreg $0xFFFFFFFF  }
0xad: {  	[dreg:$0x0] =	wrdreg $0x60  }
0xae: {  	[dreg:$0x2] =	wrdreg s24  }
0xaf: {  	[dreg:$0x3] =	wrdreg $0x25000  }
0xb0: {  	[dreg:$0x4] =	wrdreg $0xA  }
0xb1: {  	_ =	task.clear_ibuf [dreg:s6], $0x5FFFF;
	_ =	strace $0x90000049  }
0xb2: {  	s29 =	simm.s32 $0xA;
	_ =	strace $0x8000004B  }
0xb3: {  	_ =	swait.ge [sflag:s29], $0x1  }
0xb4: {  	[sflag:s29] =	ssyncadd.s32 $0xFFFFFFFF  }
0xb5: {  	_ =	strace $0x9000004B  }
0xb6: {  	_ =	sfence  }
0xb7: {  	s30 =	sld [smem:$0x0];
	_ =	sdelay $0x2  }
0xb8: {  	s31 =	sshll.u32 s1, $0xD;
	s1 =	sshrl.u32 s1, $0x2  }
0xb9: {  	s3 =	sand.u32 $0x4000, s31;
	s1 =	sadd.s32 s1, s30  }
0xba: {  	s0 =	sor.u32 s3, s0;
	s1 =	sshll.u32 s1, $0x11  }
0xbb: {  	s0 =	sor.u32 s1, s0  }
0xbc: {  	s0 =	sadd.s32 $0x8F2B, s0  }
0xbd: {  	[sflag:s0] =	ssyncadd.remote.s32 $0x1  }
0xbe: {  	_ =	sfence.sel $0xFFFF  }
0xbf: {  	[dreg:$0x0] =	wrdreg $0xFFFFFFFF;
	(pc) =	sbr.abs _section_cstart, $3  }
0xc0: {  	[dreg:$0x1] =	wrdreg $0xFFFFFFFF  }
0xc1: {  	_ =	task.clear_ibuf [dreg:s6], $0x2FFFF;
	_ =	strace $0x9FFFFFFF  }
0xc2: {  	(tm) =	ssettm $0x7FFFFFFF  }
0xc3: {  	_ =	shalt  }
tec
execute0_lowered:
.L_overlay_start_1:
0x0: {  	(tag) =	ssettag $0x1  }
0x1: {  	s0 =	stileid.u32;
	s4 =	rddreg [dreg:$0x0]  }
0x2: {  	s1 =	srdreg.scid;
	s2 =	rddreg [dreg:$0x1];
	s3 =	simm.s32 $0x0  }
0x3: {  	s13 =	simm.s32 $0x1500;
	s14 =	simm.s32 $0x5;
	s15 =	simm.s32 $0x1D00  }
0x4: {  	s16 =	simm.s32 $0x1;
	s17 =	simm.s32 $0x80;
	s5 =	smul.u32 $0x5400, s0  }
0x5: {  	s18 =	simm.s32 $0x2;
	s19 =	simm.s32 $0x3;
	s9 =	smul.u32 $0x2720, s0  }
0x6: {  	s20 =	simm.s32 $0x4;
	s7 =	sand.u32 $0x1, s1;
	s30 =	smul.u32 $0x9C80, s0  }
0x7: {  	s22 =	simm.s32 $0x0;
	s29 =	sshll.u32 s0, $0x1;
	s8 =	smul.u32 $0x27200, s7  }
0x8: {  	[smem:$0x7FF] =	sst s3;
	s1 =	sor.u32 s7, s29;
	s31 =	smul.u32 $0x2A00, s7  }
0x9: {  	s10 =	ssub.s32 $0x2, s7;
	s6 =	smul.u32 $0x2A0, s1;
	s1 =	rddreg [dreg:$0x2]  }
0xa: {  	_ =	strace $0x8000004A;
	s11 =	sadd.s32 s5, s4;
	s12 =	sshrl.u32 s10, $0x1  }
0xb: {  	s5 =	sshrl.u32 s30, $0x2;
	s21 =	sadd.s32 s9, s2;
	s8 =	sadd.s32 s9, s8  }
0xc: {  	s10 =	ssub.s32 s10, s12;
	s12 =	sadd.s32 s31, s11;
	s21 =	sshrl.u32 s21, $0x3  }
0xd: {  	s6 =	sadd.s32 s6, s4;
	s8 =	sshrl.u32 s8, $0x3;
	s12 =	sadd.s32 $0xB48400, s12  }
0xe: {  	s8 =	sadd.s32 s8, s4;
	s4 =	sadd.s32 s5, s2;
	s6 =	sadd.s32 $0x3F800, s6  }
0xf: {  	s5 =	sadd.s32 $0x2000, s4;
	s7 =	sadd.s32 $0x4A800, s8;
	s8 =	smax.u32 s10, $0x1  }
0x10: {  	v0 =	vimm.f32 $0.0e+00;
	s9 =	sadd.s32 $0x800, s4;
	s10 =	sadd.s32 $0x1000, s4;
	s11 =	sadd.s32 $0x1800, s4  }
.LBB2_1:
0x11: {  	s23 =	simm.s32 $0x40;
	s24 =	simm.s32 $0x0  }
.LBB2_2:
0x12: {  	p0 =	sne.s32 s23, $0x1FC0;
	[tilespmem:s24+$0x1500] =	vst v0;
	s24 =	smov.u32 s23;
	s23 =	sadd.s32 $0x40, s23  }
.Ltmp0:
0x13: {  	(pc) =	sbr.rel @p0 .LBB2_2-.Ltmp0, $2  }
0x14: {  	_ =	sdelay $0x2  }
0x15: {  	s24 =	sshra.s32 s24, $0x2  }
0x16: {  	[tilespmem:s24+$0x1500] =	vst v0  }
0x17: {  	[spmem:s4] =	stream.linear.scatter [tilespmem:s13], [sflag:$0x5], $0x800, $0x38;
	[tilespmem:$0x4C20] =	vst v63  }
0x18: {  	_ =	swait.ge [sflag:s14], $0x800  }
0x19: {  	[sflag:s14] =	ssyncset.done $0x0  }
0x1a: {  	[sflag:s14] =	ssyncadd.s32 $0xFFFFF800  }
0x1b: {  	[spmem:s9] =	stream.linear.scatter [tilespmem:s13], [sflag:$0x5], $0x800, $0x38;
	[tilespmem:$0x4C20] =	vst v63  }
0x1c: {  	_ =	swait.ge [sflag:s14], $0x800  }
0x1d: {  	[sflag:s14] =	ssyncset.done $0x0  }
0x1e: {  	[sflag:s14] =	ssyncadd.s32 $0xFFFFF800  }
0x1f: {  	[spmem:s10] =	stream.linear.scatter [tilespmem:s13], [sflag:$0x5], $0x800, $0x38;
	[tilespmem:$0x4C20] =	vst v63  }
0x20: {  	_ =	swait.ge [sflag:s14], $0x800  }
0x21: {  	[sflag:s14] =	ssyncset.done $0x0  }
0x22: {  	[sflag:s14] =	ssyncadd.s32 $0xFFFFF800  }
0x23: {  	[spmem:s11] =	stream.linear.scatter [tilespmem:s13], [sflag:$0x5], $0x800, $0x38;
	[tilespmem:$0x4C20] =	vst v63  }
0x24: {  	_ =	swait.ge [sflag:s14], $0x800  }
0x25: {  	[sflag:s14] =	ssyncset.done $0x0  }
0x26: {  	[sflag:s14] =	ssyncadd.s32 $0xFFFFF800  }
0x27: {  	[spmem:s5] =	stream.linear.scatter [tilespmem:s13], [sflag:$0x5], $0x720, $0x38;
	[tilespmem:$0x4C20] =	vst v63  }
0x28: {  	_ =	swait.ge [sflag:s14], $0x720  }
0x29: {  	[sflag:s14] =	ssyncset.done $0x0  }
0x2a: {  	[sflag:s14] =	ssyncadd.s32 $0xFFFFF8E0  }
0x2b: {  	s23 =	simm.s32 $0x0;
	[bflag:$0x0] =	sbarrier.arrive $0xFFFF  }
0x2c: {  	[tilespmem:s23], [sflag:$0x5] =	stream.linear.gather [hbm4b:s6+s23], $0x1500, $0x38;
	[tilespmem:$0x4C20] =	vst v63  }
0x2d: {  	_ =	swait.ge [sflag:s14], $0x1500  }
0x2e: {  	[sflag:s14] =	ssyncset.done $0x0  }
0x2f: {  	s29 =	sadd.s32 $0x0, s12;
	[sflag:s14] =	ssyncadd.s32 $0xFFFFEB00  }
0x30: {  	[tilespmem:s13], [sflag:$0x1] =	stream.linear.gather [hbm4b:s29+s3], $0x800, $0x38;
	[tilespmem:$0x4C20] =	vst v63  }
0x31: {  	s23 =	sadd.s32 $0x100, s29  }
0x32: {  	[tilespmem:s15], [sflag:$0x2] =	stream.linear.gather [hbm4b:s23+s3], $0x800, $0x38;
	[tilespmem:$0x4C20] =	vst v63  }
0x33: {  	_ =	swait.ge [sflag:s16], $0x800  }
0x34: {  	[sflag:s16] =	ssyncset.done $0x0  }
0x35: {  	s30 =	simm.s32 $0x0;
	[sflag:s16] =	ssyncadd.s32 $0xFFFFF800  }
0x36: {  	[spmem:s2] =	stream.indirect.scatter.add.f32 [tilespmem:s13], [sflag:$0x3], $0x10, s30, s17, $0xb8;
	[tilespmem:$0x4C20] =	vst v63  }
0x37: {  	_ =	swait.ge [sflag:s18], $0x800  }
0x38: {  	[sflag:s18] =	ssyncset.done $0x0  }
0x39: {  	s31 =	simm.s32 $0x80;
	[sflag:s18] =	ssyncadd.s32 $0xFFFFF800  }
0x3a: {  	[spmem:s2] =	stream.indirect.scatter.add.f32 [tilespmem:s15], [sflag:$0x4], $0x10, s31, s17, $0xb8;
	[tilespmem:$0x4C20] =	vst v63  }
0x3b: {  	_ =	swait.ge [sflag:s19], $0x800  }
0x3c: {  	[sflag:s19] =	ssyncset.done $0x0  }
0x3d: {  	[sflag:s19] =	ssyncadd.s32 $0xFFFFF800  }
0x3e: {  	s24 =	simm.s32 $0x200;
	_ =	swait.ge [sflag:s20], $0x800  }
0x3f: {  	s25 =	simm.s32 $0x400;
	s23 =	simm.s32 $0x180;
	[sflag:s20] =	ssyncset.done $0x0  }
.LBB2_4:
0x40: {  	s26 =	sadd.s32 s24, s12  }
0x41: {  	[sflag:s20] =	ssyncadd.s32 $0xFFFFF800;
	s24 =	smov.u32 s25;
	s28 =	sadd.s32 $0x200, s25  }
0x42: {  	[tilespmem:s13], [sflag:$0x1] =	stream.linear.gather [hbm4b:s26+s3], $0x800, $0x38;
	[tilespmem:$0x4C20] =	vst v63  }
0x43: {  	p0 =	sne.s32 s25, $0x2800;
	s25 =	sadd.s32 $0x100, s26  }
0x44: {  	[tilespmem:s15], [sflag:$0x2] =	stream.linear.gather [hbm4b:s25+s3], $0x800, $0x38;
	[tilespmem:$0x4C20] =	vst v63  }
0x45: {  	_ =	swait.ge [sflag:s16], $0x800  }
0x46: {  	[sflag:s16] =	ssyncset.done $0x0  }
0x47: {  	s25 =	sadd.s32 $0xFFFFFF80, s23;
	[sflag:s16] =	ssyncadd.s32 $0xFFFFF800  }
0x48: {  	[spmem:s2] =	stream.indirect.scatter.add.f32 [tilespmem:s13], [sflag:$0x3], $0x10, s25, s17, $0xb8;
	[tilespmem:$0x4C20] =	vst v63  }
0x49: {  	_ =	swait.ge [sflag:s18], $0x800  }
0x4a: {  	[sflag:s18] =	ssyncset.done $0x0  }
0x4b: {  	[sflag:s18] =	ssyncadd.s32 $0xFFFFF800  }
0x4c: {  	[spmem:s2] =	stream.indirect.scatter.add.f32 [tilespmem:s15], [sflag:$0x4], $0x10, s23, s17, $0xb8;
	[tilespmem:$0x4C20] =	vst v63  }
.Ltmp1:
0x4d: {  	_ =	swait.ge [sflag:s19], $0x800;
	(pc) =	sbr.rel @p0 .LBB2_4-.Ltmp1, $4  }
0x4e: {  	[sflag:s19] =	ssyncset.done $0x0  }
0x4f: {  	[sflag:s19] =	ssyncadd.s32 $0xFFFFF800  }
0x50: {  	_ =	swait.ge [sflag:s20], $0x800  }
0x51: {  	s25 =	smov.u32 s28;
	s23 =	sadd.s32 $0x100, s23;
	[sflag:s20] =	ssyncset.done $0x0  }
0x52: {  	s24 =	sadd.s32 s24, s12;
	[sflag:s20] =	ssyncadd.s32 $0xFFFFF800  }
0x53: {  	[tilespmem:s13], [sflag:$0x1] =	stream.linear.gather [hbm4b:s24+s3], $0x800, $0x38;
	[tilespmem:$0x4C20] =	vst v63  }
0x54: {  	s24 =	sadd.s32 $0x100, s24  }
0x55: {  	[tilespmem:s15], [sflag:$0x2] =	stream.linear.gather [hbm4b:s24+s3], $0x800, $0x38;
	[tilespmem:$0x4C20] =	vst v63  }
0x56: {  	_ =	swait.ge [sflag:s16], $0x800  }
0x57: {  	[sflag:s16] =	ssyncset.done $0x0  }
0x58: {  	s30 =	sadd.s32 $0xFFFFFF80, s23;
	[sflag:s16] =	ssyncadd.s32 $0xFFFFF800  }
0x59: {  	[spmem:s2] =	stream.indirect.scatter.add.f32 [tilespmem:s13], [sflag:$0x3], $0x10, s30, s17, $0xb8;
	[tilespmem:$0x4C20] =	vst v63  }
0x5a: {  	_ =	swait.ge [sflag:s18], $0x800  }
0x5b: {  	[sflag:s18] =	ssyncset.done $0x0  }
0x5c: {  	[sflag:s18] =	ssyncadd.s32 $0xFFFFF800  }
0x5d: {  	[spmem:s2] =	stream.indirect.scatter.add.f32 [tilespmem:s15], [sflag:$0x4], $0x10, s23, s17, $0xb8;
	[tilespmem:$0x4C20] =	vst v63  }
0x5e: {  	_ =	swait.ge [sflag:s19], $0x800  }
0x5f: {  	[sflag:s19] =	ssyncset.done $0x0  }
0x60: {  	[sflag:s19] =	ssyncadd.s32 $0xFFFFF800  }
0x61: {  	_ =	swait.ge [sflag:s20], $0x800  }
0x62: {  	s22 =	sadd.s32 $0x1, s22;
	[sflag:s20] =	ssyncset.done $0x0  }
0x63: {  	s31 =	sshll.u32 s0, $0x6;
	p0 =	sne.s32 s22, s8;
	[sflag:s20] =	ssyncadd.s32 $0xFFFFF800  }
.Ltmp2:
0x64: {  	s23 =	sor.u32 $0x1C05, s31;
	[bflag:$0x0] =	sbarrier.arrive $0xFFFF;
	(pc) =	sbr.rel @p0 .LBB2_1-.Ltmp2, $4  }
0x65: {  	[hbm:s7], [sflag:s23] =	dma.local [spmem:s21], $0x4E4  }
0x66: {  	_ =	swait.ge [sflag:s14], $0x4E4  }
0x67: {  	[sflag:s14] =	ssyncset.done $0x0  }
0x68: {  	[sflag:s14] =	ssyncadd.s32 $0xFFFFFB1C  }
0x69: {  	_ =	sfence.sel $0x180000  }
0x6a: {  	[bflag:$0x0] =	sbarrier.arrive $0xFFFF  }
0x6b: {  	p0 =	sne.s32 s0, $0x0;
	_ =	strace $0x9000004A  }
0x6c: {  	s0 =	sadd.s32 @!p0 $0x100000, s1;
	[bflag:$0x2] =	sbarrier.arrive $0xFFFF  }
0x6d: {  	[sflag:s0] =	ssyncadd.tile.s32 @!p0 $0x1;
	_ =	shalt  }
.Lfunc_end2:
_tile_overlayer_lowered:
.L_overlay_start_2:
0x6e: {  	(tag) =	ssettag $0x2  }
0x6f: {  	s0 =	rddreg [dreg:$0x0];
	s2 =	stileid.u32  }
0x70: {  	s1 =	rddreg [dreg:$0x1];
	p0 =	sne.s32 s2, $0x0  }
0x71: {  	s3 =	rddreg [dreg:$0x2];
	[bflag:$0x3] =	sbarrier.arrive $0xFFFF;
	s2 =	simm.s32 @!p0 $0x1C05  }
0x72: {  	[timem:s3], [sflag:s2] =	dma.local @!p0 [hbm:s0], s1  }
0x73: {  	s0 =	simm.s32 @!p0 $0x5  }
0x74: {  	_ =	swait.ge @!p0 [sflag:s0], s1  }
0x75: {  	s1 =	ssub.s32 @!p0 $0x0, s1;
	[sflag:s0] =	ssyncset.done @!p0 $0x0  }
0x76: {  	[sflag:s0] =	ssyncadd.s32 @!p0 s1  }
0x77: {  	[bflag:$0x3] =	sbarrier.arrive $0xFFFF  }
0x78: {  	_ =	shalt  }

// kernel: kernel.22.cloned.1.call-start
scs
__scs_entry_jumppad:
0x0: {  	(pc) =	sbr.rel $0x88, $3  }
0x1: {  	(tag) =	ssettag $0x0;
	lr =	simm.s32 $0x1  }
0x2: {  	[smem:$0x3F94] =	sst lr;
	_ =	strace $0xD0000000  }
0x3: {  	_ = 	snop  }
0x4: {  	_ = 	snop  }
0x5: {  	_ = 	snop  }
0x6: {  	_ = 	snop  }
0x7: {  	_ = 	snop  }
__scs_overlays_trampoline_lowered:
0x8: {  	[smem:$0x3FA3] =	sst s0  }
0x9: {  	[smem:$0x3FA4] =	sst s1  }
0xa: {  	[smem:$0x3FA5] =	sst s2  }
0xb: {  	[smem:$0x3FA6] =	sst s3  }
0xc: {  	[smem:$0x3FA7] =	sst s4  }
0xd: {  	[smem:$0x3FA8] =	sst s5  }
0xe: {  	[smem:$0x3FA9] =	sst s6  }
0xf: {  	[smem:$0x3FAA] =	sst s7  }
0x10: {  	[smem:$0x3FAB] =	sst s8  }
0x11: {  	[smem:$0x3FAC] =	sst s9;
	s0 =	simm.s32 @!p0 $0x0  }
0x12: {  	s1 =	sld [smem:$0x3F92];
	s0 =	simm.s32 @p0 $0x1  }
0x13: {  	[smem:$0x3FAD] =	sst s0;
	s0 =	simm.s32 @!p1 $0x0  }
0x14: {  	s2 =	sld [smem:$0x3F91];
	s0 =	simm.s32 @p1 $0x1  }
0x15: {  	[smem:$0x3FAE] =	sst s0;
	s0 =	simm.s32 @!p2 $0x0  }
0x16: {  	s3 =	sld [smem:$0x3FDB];
	s0 =	simm.s32 @p2 $0x1  }
0x17: {  	s4 =	simm.s32 $0x1BF5;
	[smem:$0x3FB0] =	sst s0  }
0x18: {  	s0 =	sld [smem:$0x3F93];
	_ =	swait.ge [sflag:s4], $0x0  }
0x19: {  	s7 =	sld [smem:$0x3F94]  }
0x1a: {  	s8 =	sadd.s32 $0xFFFFE003, lr  }
0x1b: {  	s9 =	sadd.s32 $0xFFFFFEF7, lr;
	s5 =	simm.s32 $0xFFFFFFFF;
	p2 =	slt.u32 s8, $0xFFFFF086  }
0x1c: {  	p1 =	slt.u32 s9, $0xF7A;
	s5 =	simm.s32 @!p2 $0x0  }
0x1d: {  	s5 =	simm.s32 @p1 $0x1;
	p0 =	seq.s32 s7, s2  }
0x1e: {  	s7 =	smul.u32 @!p0 $0xF7A, s2;
	p2 =	seq.s32 @!p0 s5, $0x0  }
0x1f: {  	s9 =	smul.u32 $0xF7A, s1;
	s8 =	simm.s32 @!p0 $0x1BF5;
	p2 =	por !p2, p0  }
0x20: {  	[sflag:s8] =	ssyncset.s32 @!p0 $0xFFFFF086;
	s6 =	sadd.s32 @!p0 s3, s7;
	s7 =	simm.s32 @!p0 $0x108  }
0x21: {  	s3 =	sadd.s32 s3, s9;
	s6 =	sadd.s32 @!p0 $0x88, s6;
	s7 =	simm.s32 @p2 $0x1082  }
0x22: {  	[simem:s7], [sflag:s8] =	dma.local @!p0 [hbm:s6], $0xF7A  }
0x23: {  	s9 =	sor.u32 $0xD0000000, s2;
	s6 =	simm.s32 $0x108;
	_ =	swait.ge @!p0 [sflag:s8], $0x0  }
0x24: {  	s3 =	sadd.s32 $0x88, s3;
	s6 =	simm.s32 @!p1 $0x1082;
	[sflag:s4] =	ssyncset.s32 $0xFFFFF086  }
0x25: {  	[simem:s6], [sflag:s4] =	dma.local [hbm:s3], $0xF7A  }
0x26: {  	[smem:$0x3F94] =	sst s1;
	(tag) =	ssettag s2;
	_ =	strace s9  }
0x27: {  	s1 =	sld [smem:$0x3FA4]  }
0x28: {  	s2 =	sld [smem:$0x3FA5]  }
0x29: {  	s4 =	sld [smem:$0x3FA7]  }
0x2a: {  	p0 =	seq.s32 s5, $0x0;
	s5 =	sld [smem:$0x3FA8]  }
0x2b: {  	s6 =	sld [smem:$0x3FA9]  }
0x2c: {  	s7 =	sld [smem:$0x3FAA]  }
0x2d: {  	s3 =	simm.s32 $0x108;
	s8 =	sld [smem:$0x3FAB]  }
0x2e: {  	s3 =	simm.s32 @!p0 $0x1082;
	s9 =	sld [smem:$0x3FAC]  }
0x2f: {  	lr =	sadd.s32 s0, s3;
	s0 =	sld [smem:$0x3FA3]  }
0x30: {  	s3 =	sld [smem:$0x3FA6]  }
0x31: {  	[smem:$0x3FAF] =	sst s10  }
0x32: {  	s10 =	sld [smem:$0x3FAD];
	_ =	sdelay $0x3  }
0x33: {  	p0 =	seq.s32 s10, $0x1;
	s10 =	sld [smem:$0x3FAF];
	_ =	sdelay $0x3  }
0x34: {  	[smem:$0x3FAF] =	sst s10  }
0x35: {  	s10 =	sld [smem:$0x3FAE];
	_ =	sdelay $0x3  }
0x36: {  	p1 =	seq.s32 s10, $0x1;
	s10 =	sld [smem:$0x3FAF];
	_ =	sdelay $0x3  }
0x37: {  	[smem:$0x3FAF] =	sst s10  }
0x38: {  	s10 =	sld [smem:$0x3FB0]  }
0x39: {  	_ = 	snop;
	(pc) =	sbr.ind lr, $3  }
0x3a: {  	_ = 	snop  }
0x3b: {  	_ = 	snop  }
0x3c: {  	p2 =	seq.s32 s10, $0x1;
	s10 =	sld [smem:$0x3FAF]  }
0x3d: {  	_ =	shalt  }
0x3e: {  	_ =	shalt  }
0x3f: {  	_ =	shalt  }
0x40: {  	_ =	shalt  }
0x41: {  	_ =	shalt  }
0x42: {  	_ =	shalt  }
0x43: {  	_ =	shalt  }
0x44: {  	_ =	shalt  }
0x45: {  	_ =	shalt  }
0x46: {  	_ =	shalt  }
0x47: {  	_ =	shalt  }
0x48: {  	_ =	shalt  }
0x49: {  	_ =	shalt  }
0x4a: {  	_ =	shalt  }
0x4b: {  	_ =	shalt  }
0x4c: {  	_ =	shalt  }
0x4d: {  	_ =	shalt  }
0x4e: {  	_ =	shalt  }
0x4f: {  	_ =	shalt  }
0x50: {  	_ =	shalt  }
0x51: {  	_ =	shalt  }
0x52: {  	_ =	shalt  }
0x53: {  	_ =	shalt  }
0x54: {  	_ =	shalt  }
0x55: {  	_ =	shalt  }
0x56: {  	_ =	shalt  }
0x57: {  	_ =	shalt  }
0x58: {  	_ =	shalt  }
0x59: {  	_ =	shalt  }
0x5a: {  	_ =	shalt  }
0x5b: {  	_ =	shalt  }
0x5c: {  	_ =	shalt  }
0x5d: {  	_ =	shalt  }
0x5e: {  	_ =	shalt  }
0x5f: {  	_ =	shalt  }
0x60: {  	_ =	shalt  }
0x61: {  	_ =	shalt  }
0x62: {  	_ =	shalt  }
0x63: {  	_ =	shalt  }
0x64: {  	_ =	shalt  }
0x65: {  	_ =	shalt  }
0x66: {  	_ =	shalt  }
0x67: {  	_ =	shalt  }
0x68: {  	_ =	shalt  }
0x69: {  	_ =	shalt  }
0x6a: {  	_ =	shalt  }
0x6b: {  	_ =	shalt  }
0x6c: {  	_ =	shalt  }
0x6d: {  	_ =	shalt  }
0x6e: {  	_ =	shalt  }
0x6f: {  	_ =	shalt  }
0x70: {  	_ =	shalt  }
0x71: {  	_ =	shalt  }
0x72: {  	_ =	shalt  }
0x73: {  	_ =	shalt  }
0x74: {  	_ =	shalt  }
0x75: {  	_ =	shalt  }
0x76: {  	_ =	shalt  }
0x77: {  	_ =	shalt  }
0x78: {  	_ =	shalt  }
0x79: {  	_ =	shalt  }
0x7a: {  	_ =	shalt  }
0x7b: {  	_ =	shalt  }
0x7c: {  	_ =	shalt  }
0x7d: {  	_ =	shalt  }
0x7e: {  	_ =	shalt  }
0x7f: {  	_ =	shalt  }
0x80: {  	_ =	shalt  }
0x81: {  	_ =	shalt  }
0x82: {  	_ =	shalt  }
0x83: {  	_ =	shalt  }
0x84: {  	_ =	shalt  }
0x85: {  	_ =	shalt  }
0x86: {  	_ =	shalt  }
0x87: {  	_ =	shalt  }
.Lfunc_end0:
.L_simem_size_0:
called_computation.3_lowered:
.L_overlay_start_0:
0x88: {  	s2 =	sld [smem:$0x3FD9]  }
0x89: {  	s3 =	sld [smem:$0x3FFE];
	_ =	sdelay $0x1  }
0x8a: {  	s1 =	srdreg.scid  }
0x8b: {  	s0 =	sand.u32 $0x1, s1  }
0x8c: {  	s16 =	sshll.u32 s0, $0xA;
	s2 =	sadd.s32 s3, s2  }
0x8d: {  	s2 =	sadd.s32 s2, s16  }
0x8e: {  	[smem:$0x3FBB] =	sst s2  }
0x8f: {  	_ = 	snop  }
0x90: {  	(tm) =	ssettm $0x1  }
0x91: {  	s17 =	sld [smem:$0x3FFB];
	_ =	sdelay $0x3  }
0x92: {  	_ =	strace s17  }
0x93: {  	s2 =	sld [smem:$0x3FFC];
	_ =	sdelay $0x3  }
0x94: {  	_ =	strace s2  }
0x95: {  	s2 =	sld [smem:$0x3FFD];
	_ =	sdelay $0x3  }
0x96: {  	_ =	strace s2  }
0x97: {  	_ =	strace $0x8FFFFFFF  }
0x98: {  	s18 =	sld [smem:$0x3FDB];
	_ =	sdelay $0x1  }
0x99: {  	s19 =	simm.s32 $_scs_section_size  }
0x9a: {  	s4 =	simm.s32 $_size__tile_overlayer_lowered;
	s5 =	simm.s32 $_tile_overlayer_lowered  }
0x9b: {  	s22 =	simm.s32 $0x1BFF;
	s21 =	sshll.u32 s5, $0x1;
	s2 =	sadd.s32 s19, s18  }
0x9c: {  	s6 =	simm.s32 $0x0;
	s20 =	sshll.u32 s4, $0x1;
	s4 =	sadd.s32 s21, s2  }
0x9d: {  	[timem:s6], [sflag:s22] =	dma.local [hbm:s4], s20  }
0x9e: {  	_ =	swait.ge [sflag:s22], s20  }
0x9f: {  	s3 =	ssub.s32 $0x0, s20;
	[sflag:s22] =	ssyncset.done $0x0  }
0xa0: {  	[sflag:s22] =	ssyncadd.s32 s3;
	_ =	sdelay $0x1  }
0xa1: {  	s23 =	simm.s32 $0x1B8B  }
0xa2: {  	_ =	swait.ge [sflag:s23], $0x1  }
0xa3: {  	[sflag:s23] =	ssyncset.done $0x0  }
0xa4: {  	s25 =	simm.s32 $0x1B8E;
	s24 =	sld [smem:$0x3FFE];
	[sflag:s23] =	ssyncadd.s32 $0xFFFFFFFF  }
0xa5: {  	s26 =	simm.s32 $execute0_lowered;
	[smem:$0x3FD2] =	sst s25  }
0xa6: {  	s4 =	sshll.u32 s26, $0x1;
	_ =	strace $0x8000004F;
	[dreg:$0x1] =	wrdreg $0xFFFFFFFF  }
0xa7: {  	s28 =	simm.s32 $_size_execute0_lowered;
	s2 =	sadd.s32 s2, s4;
	[dreg:$0x0] =	wrdreg $0x0  }
0xa8: {  	s4 =	sshll.u32 s28, $0x1;
	[dreg:$0x2] =	wrdreg s2  }
0xa9: {  	[dreg:$0x3] =	wrdreg s4  }
0xaa: {  	[dreg:$0x4] =	wrdreg $0xC0  }
0xab: {  	_ =	task [dreg:s6], $0x5FFFF  }
0xac: {  	[dreg:$0x1] =	wrdreg $0xFFFFFFFF  }
0xad: {  	[dreg:$0x0] =	wrdreg $0x60  }
0xae: {  	[dreg:$0x2] =	wrdreg s24  }
0xaf: {  	[dreg:$0x3] =	wrdreg $0x9  }
0xb0: {  	_ =	task.clear_ibuf [dreg:s6], $0x4FFFF;
	_ =	strace $0x9000004F  }
0xb1: {  	s29 =	simm.s32 $0x9;
	_ =	strace $0x80000051  }
0xb2: {  	_ =	swait.ge [sflag:s29], $0x1  }
0xb3: {  	[sflag:s29] =	ssyncadd.s32 $0xFFFFFFFF  }
0xb4: {  	_ =	strace $0x90000051  }
0xb5: {  	_ =	sfence  }
0xb6: {  	s30 =	sld [smem:$0x0];
	_ =	sdelay $0x2  }
0xb7: {  	s31 =	sshll.u32 s1, $0xD;
	s1 =	sshrl.u32 s1, $0x2  }
0xb8: {  	s3 =	sand.u32 $0x4000, s31;
	s1 =	sadd.s32 s1, s30  }
0xb9: {  	s0 =	sor.u32 s3, s0;
	s1 =	sshll.u32 s1, $0x11  }
0xba: {  	s0 =	sor.u32 s1, s0  }
0xbb: {  	s0 =	sadd.s32 $0x8F2B, s0  }
0xbc: {  	[sflag:s0] =	ssyncadd.remote.s32 $0x1  }
0xbd: {  	_ =	sfence.sel $0xFFFF  }
0xbe: {  	[dreg:$0x0] =	wrdreg $0xFFFFFFFF;
	(pc) =	sbr.abs _section_cstart, $3  }
0xbf: {  	[dreg:$0x1] =	wrdreg $0xFFFFFFFF  }
0xc0: {  	_ =	task.clear_ibuf [dreg:s6], $0x2FFFF;
	_ =	strace $0x9FFFFFFF  }
0xc1: {  	(tm) =	ssettm $0x7FFFFFFF  }
tec
execute0_lowered:
.L_overlay_start_1:
0x0: {  	(tag) =	ssettag $0x1  }
0x1: {  	s4 =	rddreg [dreg:$0x0]  }
0x2: {  	s0 =	rddreg [dreg:$0x1]  }
0x3: {  	s3 =	srdreg.scid;
	s1 =	stileid.u32;
	s2 =	simm.s32 $0x0  }
0x4: {  	s11 =	simm.s32 $0x100;
	s12 =	simm.s32 $0x2A00;
	s13 =	simm.s32 $0x6A00  }
0x5: {  	s14 =	simm.s32 $0x1;
	s15 =	simm.s32 $0x2;
	s16 =	simm.s32 $0x3  }
0x6: {  	s17 =	simm.s32 $0x4;
	s18 =	simm.s32 $0x0;
	s5 =	sand.u32 $0x1, s3  }
0x7: {  	s30 =	sshll.u32 s1, $0x1;
	[smem:$0x7FF] =	sst s2;
	s7 =	smul.u32 $0x15000, s1  }
0x8: {  	s3 =	sor.u32 s5, s30;
	s8 =	ssub.s32 $0x2, s5;
	s10 =	smul.u32 $0xA800, s5  }
0x9: {  	_ =	strace $0x80000050;
	s6 =	smul.u32 $0x2A0, s3;
	s9 =	sshrl.u32 s8, $0x1  }
0xa: {  	s3 =	sadd.s32 $0x4A800, s4;
	s7 =	sadd.s32 s7, s4;
	s8 =	ssub.s32 s8, s9  }
0xb: {  	s31 =	sadd.s32 s10, s7;
	s9 =	simm.s32 $0x5;
	s6 =	sadd.s32 s6, s4  }
0xc: {  	s10 =	simm.s32 $0x1500;
	s7 =	sadd.s32 $0x5E200, s31;
	s4 =	sadd.s32 $0x44C00, s6  }
0xd: {  	s5 =	sadd.s32 $0x3F800, s6;
	s6 =	smax.u32 s8, $0x1;
	s8 =	sadd.s32 $0x1AE200, s31  }
.LBB2_1:
0xe: {  	[tilespmem:s2], [sflag:$0x5] =	stream.linear.gather [hbm4b:s4+s2], $0x1500, $0x38;
	[tilespmem:$0xAA00] =	vst v63  }
0xf: {  	_ =	swait.ge [sflag:s9], $0x1500  }
0x10: {  	[sflag:s9] =	ssyncset.done $0x0  }
0x11: {  	[sflag:s9] =	ssyncadd.s32 $0xFFFFEB00  }
0x12: {  	[tilespmem:s10], [sflag:$0x5] =	stream.linear.gather [hbm4b:s5+s2], $0x1500, $0x38;
	[tilespmem:$0xAA00] =	vst v63  }
0x13: {  	_ =	swait.ge [sflag:s9], $0x1500  }
0x14: {  	[sflag:s9] =	ssyncset.done $0x0  }
0x15: {  	s19 =	simm.s32 $0x0;
	[sflag:s9] =	ssyncadd.s32 $0xFFFFEB00  }
0x16: {  	[tilespmem:s12], [sflag:$0x1] =	stream.indirect.gather [hbm4b:s3+s11], $0x40, s19, s11, $0xb8;
	[tilespmem:$0xAA00] =	vst v63  }
0x17: {  	s31 =	simm.s32 $0x1500  }
0x18: {  	[tilespmem:s13], [sflag:$0x2] =	stream.indirect.gather [hbm4b:s3+s11], $0x40, s31, s11, $0xb8;
	[tilespmem:$0xAA00] =	vst v63  }
0x19: {  	_ =	swait.ge [sflag:s14], $0x4000  }
0x1a: {  	[sflag:s14] =	ssyncset.done $0x0  }
0x1b: {  	[sflag:s14] =	ssyncadd.s32 $0xFFFFC000  }
0x1c: {  	[hbm4b:s8+s2] =	stream.linear.scatter [tilespmem:s12], [sflag:$0x3], $0x4000, $0x38;
	[tilespmem:$0xAA00] =	vst v63  }
0x1d: {  	_ =	swait.ge [sflag:s15], $0x4000  }
0x1e: {  	[sflag:s15] =	ssyncset.done $0x0  }
0x1f: {  	[sflag:s15] =	ssyncadd.s32 $0xFFFFC000  }
0x20: {  	[hbm4b:s7+s2] =	stream.linear.scatter [tilespmem:s13], [sflag:$0x4], $0x4000, $0x38;
	[tilespmem:$0xAA00] =	vst v63  }
0x21: {  	_ =	swait.ge [sflag:s16], $0x4000  }
0x22: {  	[sflag:s16] =	ssyncset.done $0x0  }
0x23: {  	[sflag:s16] =	ssyncadd.s32 $0xFFFFC000  }
0x24: {  	s21 =	simm.s32 $0x400;
	s22 =	simm.s32 $0x800;
	_ =	swait.ge [sflag:s17], $0x4000  }
0x25: {  	s20 =	sadd.s32 $0x800, s8;
	s19 =	sadd.s32 $0x800, s7;
	[sflag:s17] =	ssyncset.done $0x0  }
.LBB2_2:
0x26: {  	s23 =	sshra.s32 s21, $0x2  }
0x27: {  	[sflag:s17] =	ssyncadd.s32 $0xFFFFC000;
	s21 =	smov.u32 s22;
	s24 =	sadd.s32 $0x400, s22  }
0x28: {  	[tilespmem:s12], [sflag:$0x1] =	stream.indirect.gather [hbm4b:s3+s11], $0x40, s23, s11, $0xb8;
	[tilespmem:$0xAA00] =	vst v63  }
0x29: {  	p0 =	sne.s32 s22, $0x5000;
	s22 =	sadd.s32 $0x1500, s23  }
0x2a: {  	[tilespmem:s13], [sflag:$0x2] =	stream.indirect.gather [hbm4b:s3+s11], $0x40, s22, s11, $0xb8;
	[tilespmem:$0xAA00] =	vst v63  }
0x2b: {  	_ =	swait.ge [sflag:s14], $0x4000  }
0x2c: {  	[sflag:s14] =	ssyncset.done $0x0  }
0x2d: {  	[sflag:s14] =	ssyncadd.s32 $0xFFFFC000  }
0x2e: {  	[hbm4b:s20+s2] =	stream.linear.scatter [tilespmem:s12], [sflag:$0x3], $0x4000, $0x38;
	[tilespmem:$0xAA00] =	vst v63  }
0x2f: {  	_ =	swait.ge [sflag:s15], $0x4000  }
0x30: {  	[sflag:s15] =	ssyncset.done $0x0  }
0x31: {  	[sflag:s15] =	ssyncadd.s32 $0xFFFFC000  }
0x32: {  	[hbm4b:s19+s2] =	stream.linear.scatter [tilespmem:s13], [sflag:$0x4], $0x4000, $0x38;
	[tilespmem:$0xAA00] =	vst v63  }
.Ltmp0:
0x33: {  	_ =	swait.ge [sflag:s16], $0x4000;
	(pc) =	sbr.rel @p0 .LBB2_2-.Ltmp0, $4  }
0x34: {  	[sflag:s16] =	ssyncset.done $0x0  }
0x35: {  	[sflag:s16] =	ssyncadd.s32 $0xFFFFC000  }
0x36: {  	s22 =	smov.u32 s24;
	_ =	swait.ge [sflag:s17], $0x4000  }
0x37: {  	s20 =	sadd.s32 $0x800, s20;
	s19 =	sadd.s32 $0x800, s19;
	[sflag:s17] =	ssyncset.done $0x0  }
0x38: {  	s21 =	sshra.s32 s21, $0x2;
	[sflag:s17] =	ssyncadd.s32 $0xFFFFC000  }
0x39: {  	[tilespmem:s12], [sflag:$0x1] =	stream.indirect.gather [hbm4b:s3+s11], $0x40, s21, s11, $0xb8;
	[tilespmem:$0xAA00] =	vst v63  }
0x3a: {  	s21 =	sadd.s32 $0x1500, s21  }
0x3b: {  	[tilespmem:s13], [sflag:$0x2] =	stream.indirect.gather [hbm4b:s3+s11], $0x40, s21, s11, $0xb8;
	[tilespmem:$0xAA00] =	vst v63  }
0x3c: {  	_ =	swait.ge [sflag:s14], $0x4000  }
0x3d: {  	[sflag:s14] =	ssyncset.done $0x0  }
0x3e: {  	[sflag:s14] =	ssyncadd.s32 $0xFFFFC000  }
0x3f: {  	[hbm4b:s20+s2] =	stream.linear.scatter [tilespmem:s12], [sflag:$0x3], $0x4000, $0x38;
	[tilespmem:$0xAA00] =	vst v63  }
0x40: {  	_ =	swait.ge [sflag:s15], $0x4000  }
0x41: {  	[sflag:s15] =	ssyncset.done $0x0  }
0x42: {  	s18 =	sadd.s32 $0x1, s18;
	[sflag:s15] =	ssyncadd.s32 $0xFFFFC000  }
0x43: {  	[hbm4b:s19+s2] =	stream.linear.scatter [tilespmem:s13], [sflag:$0x4], $0x4000, $0x38;
	[tilespmem:$0xAA00] =	vst v63  }
0x44: {  	p0 =	sne.s32 s18, s6;
	_ =	swait.ge [sflag:s16], $0x4000  }
.Ltmp1:
0x45: {  	[sflag:s16] =	ssyncset.done $0x0;
	(pc) =	sbr.rel @p0 .LBB2_1-.Ltmp1, $4  }
0x46: {  	[sflag:s16] =	ssyncadd.s32 $0xFFFFC000  }
0x47: {  	_ =	swait.ge [sflag:s17], $0x4000  }
0x48: {  	[sflag:s17] =	ssyncset.done $0x0  }
0x49: {  	[sflag:s17] =	ssyncadd.s32 $0xFFFFC000  }
0x4a: {  	_ =	sfence.sel $0x180000  }
0x4b: {  	[bflag:$0x0] =	sbarrier.arrive $0xFFFF  }
0x4c: {  	p0 =	sne.s32 s1, $0x0;
	_ =	strace $0x90000050  }
0x4d: {  	s0 =	sadd.s32 @!p0 $0x100000, s0;
	[bflag:$0x2] =	sbarrier.arrive $0xFFFF  }
0x4e: {  	[sflag:s0] =	ssyncadd.tile.s32 @!p0 $0x1;
	_ =	shalt  }
.Lfunc_end2:
_tile_overlayer_lowered:
.L_overlay_start_2:
0x4f: {  	(tag) =	ssettag $0x2  }
0x50: {  	s0 =	rddreg [dreg:$0x0];
	s2 =	stileid.u32  }
0x51: {  	s1 =	rddreg [dreg:$0x1];
	p0 =	sne.s32 s2, $0x0  }
0x52: {  	s3 =	rddreg [dreg:$0x2];
	[bflag:$0x3] =	sbarrier.arrive $0xFFFF;
	s2 =	simm.s32 @!p0 $0x1C05  }
0x53: {  	[timem:s3], [sflag:s2] =	dma.local @!p0 [hbm:s0], s1  }
0x54: {  	s0 =	simm.s32 @!p0 $0x5  }
0x55: {  	_ =	swait.ge @!p0 [sflag:s0], s1  }
0x56: {  	s1 =	ssub.s32 @!p0 $0x0, s1;
	[sflag:s0] =	ssyncset.done @!p0 $0x0  }
0x57: {  	[sflag:s0] =	ssyncadd.s32 @!p0 s1  }
0x58: {  	[bflag:$0x3] =	sbarrier.arrive $0xFFFF  }
0x59: {  	_ =	shalt  }

// kernel: kernel.25.cloned.1.call-start
scs
__scs_entry_jumppad:
0x0: {  	(pc) =	sbr.rel $0x88, $3  }
0x1: {  	(tag) =	ssettag $0x0;
	lr =	simm.s32 $0x1  }
0x2: {  	[smem:$0x3F94] =	sst lr;
	_ =	strace $0xD0000000  }
0x3: {  	_ = 	snop  }
0x4: {  	_ = 	snop  }
0x5: {  	_ = 	snop  }
0x6: {  	_ = 	snop  }
0x7: {  	_ = 	snop  }
__scs_overlays_trampoline_lowered:
0x8: {  	[smem:$0x3FA3] =	sst s0  }
0x9: {  	[smem:$0x3FA4] =	sst s1  }
0xa: {  	[smem:$0x3FA5] =	sst s2  }
0xb: {  	[smem:$0x3FA6] =	sst s3  }
0xc: {  	[smem:$0x3FA7] =	sst s4  }
0xd: {  	[smem:$0x3FA8] =	sst s5  }
0xe: {  	[smem:$0x3FA9] =	sst s6  }
0xf: {  	[smem:$0x3FAA] =	sst s7  }
0x10: {  	[smem:$0x3FAB] =	sst s8  }
0x11: {  	[smem:$0x3FAC] =	sst s9;
	s0 =	simm.s32 @!p0 $0x0  }
0x12: {  	s1 =	sld [smem:$0x3F92];
	s0 =	simm.s32 @p0 $0x1  }
0x13: {  	[smem:$0x3FAD] =	sst s0;
	s0 =	simm.s32 @!p1 $0x0  }
0x14: {  	s2 =	sld [smem:$0x3F91];
	s0 =	simm.s32 @p1 $0x1  }
0x15: {  	[smem:$0x3FAE] =	sst s0;
	s0 =	simm.s32 @!p2 $0x0  }
0x16: {  	s3 =	sld [smem:$0x3FDB];
	s0 =	simm.s32 @p2 $0x1  }
0x17: {  	s4 =	simm.s32 $0x1BF5;
	[smem:$0x3FB0] =	sst s0  }
0x18: {  	s0 =	sld [smem:$0x3F93];
	_ =	swait.ge [sflag:s4], $0x0  }
0x19: {  	s7 =	sld [smem:$0x3F94]  }
0x1a: {  	s8 =	sadd.s32 $0xFFFFE003, lr  }
0x1b: {  	s9 =	sadd.s32 $0xFFFFFEF7, lr;
	s5 =	simm.s32 $0xFFFFFFFF;
	p2 =	slt.u32 s8, $0xFFFFF086  }
0x1c: {  	p1 =	slt.u32 s9, $0xF7A;
	s5 =	simm.s32 @!p2 $0x0  }
0x1d: {  	s5 =	simm.s32 @p1 $0x1;
	p0 =	seq.s32 s7, s2  }
0x1e: {  	s7 =	smul.u32 @!p0 $0xF7A, s2;
	p2 =	seq.s32 @!p0 s5, $0x0  }
0x1f: {  	s9 =	smul.u32 $0xF7A, s1;
	s8 =	simm.s32 @!p0 $0x1BF5;
	p2 =	por !p2, p0  }
0x20: {  	[sflag:s8] =	ssyncset.s32 @!p0 $0xFFFFF086;
	s6 =	sadd.s32 @!p0 s3, s7;
	s7 =	simm.s32 @!p0 $0x108  }
0x21: {  	s3 =	sadd.s32 s3, s9;
	s6 =	sadd.s32 @!p0 $0x88, s6;
	s7 =	simm.s32 @p2 $0x1082  }
0x22: {  	[simem:s7], [sflag:s8] =	dma.local @!p0 [hbm:s6], $0xF7A  }
0x23: {  	s9 =	sor.u32 $0xD0000000, s2;
	s6 =	simm.s32 $0x108;
	_ =	swait.ge @!p0 [sflag:s8], $0x0  }
0x24: {  	s3 =	sadd.s32 $0x88, s3;
	s6 =	simm.s32 @!p1 $0x1082;
	[sflag:s4] =	ssyncset.s32 $0xFFFFF086  }
0x25: {  	[simem:s6], [sflag:s4] =	dma.local [hbm:s3], $0xF7A  }
0x26: {  	[smem:$0x3F94] =	sst s1;
	(tag) =	ssettag s2;
	_ =	strace s9  }
0x27: {  	s1 =	sld [smem:$0x3FA4]  }
0x28: {  	s2 =	sld [smem:$0x3FA5]  }
0x29: {  	s4 =	sld [smem:$0x3FA7]  }
0x2a: {  	p0 =	seq.s32 s5, $0x0;
	s5 =	sld [smem:$0x3FA8]  }
0x2b: {  	s6 =	sld [smem:$0x3FA9]  }
0x2c: {  	s7 =	sld [smem:$0x3FAA]  }
0x2d: {  	s3 =	simm.s32 $0x108;
	s8 =	sld [smem:$0x3FAB]  }
0x2e: {  	s3 =	simm.s32 @!p0 $0x1082;
	s9 =	sld [smem:$0x3FAC]  }
0x2f: {  	lr =	sadd.s32 s0, s3;
	s0 =	sld [smem:$0x3FA3]  }
0x30: {  	s3 =	sld [smem:$0x3FA6]  }
0x31: {  	[smem:$0x3FAF] =	sst s10  }
0x32: {  	s10 =	sld [smem:$0x3FAD];
	_ =	sdelay $0x3  }
0x33: {  	p0 =	seq.s32 s10, $0x1;
	s10 =	sld [smem:$0x3FAF];
	_ =	sdelay $0x3  }
0x34: {  	[smem:$0x3FAF] =	sst s10  }
0x35: {  	s10 =	sld [smem:$0x3FAE];
	_ =	sdelay $0x3  }
0x36: {  	p1 =	seq.s32 s10, $0x1;
	s10 =	sld [smem:$0x3FAF];
	_ =	sdelay $0x3  }
0x37: {  	[smem:$0x3FAF] =	sst s10  }
0x38: {  	s10 =	sld [smem:$0x3FB0]  }
0x39: {  	_ = 	snop;
	(pc) =	sbr.ind lr, $3  }
0x3a: {  	_ = 	snop  }
0x3b: {  	_ = 	snop  }
0x3c: {  	p2 =	seq.s32 s10, $0x1;
	s10 =	sld [smem:$0x3FAF]  }
0x3d: {  	_ =	shalt  }
0x3e: {  	_ =	shalt  }
0x3f: {  	_ =	shalt  }
0x40: {  	_ =	shalt  }
0x41: {  	_ =	shalt  }
0x42: {  	_ =	shalt  }
0x43: {  	_ =	shalt  }
0x44: {  	_ =	shalt  }
0x45: {  	_ =	shalt  }
0x46: {  	_ =	shalt  }
0x47: {  	_ =	shalt  }
0x48: {  	_ =	shalt  }
0x49: {  	_ =	shalt  }
0x4a: {  	_ =	shalt  }
0x4b: {  	_ =	shalt  }
0x4c: {  	_ =	shalt  }
0x4d: {  	_ =	shalt  }
0x4e: {  	_ =	shalt  }
0x4f: {  	_ =	shalt  }
0x50: {  	_ =	shalt  }
0x51: {  	_ =	shalt  }
0x52: {  	_ =	shalt  }
0x53: {  	_ =	shalt  }
0x54: {  	_ =	shalt  }
0x55: {  	_ =	shalt  }
0x56: {  	_ =	shalt  }
0x57: {  	_ =	shalt  }
0x58: {  	_ =	shalt  }
0x59: {  	_ =	shalt  }
0x5a: {  	_ =	shalt  }
0x5b: {  	_ =	shalt  }
0x5c: {  	_ =	shalt  }
0x5d: {  	_ =	shalt  }
0x5e: {  	_ =	shalt  }
0x5f: {  	_ =	shalt  }
0x60: {  	_ =	shalt  }
0x61: {  	_ =	shalt  }
0x62: {  	_ =	shalt  }
0x63: {  	_ =	shalt  }
0x64: {  	_ =	shalt  }
0x65: {  	_ =	shalt  }
0x66: {  	_ =	shalt  }
0x67: {  	_ =	shalt  }
0x68: {  	_ =	shalt  }
0x69: {  	_ =	shalt  }
0x6a: {  	_ =	shalt  }
0x6b: {  	_ =	shalt  }
0x6c: {  	_ =	shalt  }
0x6d: {  	_ =	shalt  }
0x6e: {  	_ =	shalt  }
0x6f: {  	_ =	shalt  }
0x70: {  	_ =	shalt  }
0x71: {  	_ =	shalt  }
0x72: {  	_ =	shalt  }
0x73: {  	_ =	shalt  }
0x74: {  	_ =	shalt  }
0x75: {  	_ =	shalt  }
0x76: {  	_ =	shalt  }
0x77: {  	_ =	shalt  }
0x78: {  	_ =	shalt  }
0x79: {  	_ =	shalt  }
0x7a: {  	_ =	shalt  }
0x7b: {  	_ =	shalt  }
0x7c: {  	_ =	shalt  }
0x7d: {  	_ =	shalt  }
0x7e: {  	_ =	shalt  }
0x7f: {  	_ =	shalt  }
0x80: {  	_ =	shalt  }
0x81: {  	_ =	shalt  }
0x82: {  	_ =	shalt  }
0x83: {  	_ =	shalt  }
0x84: {  	_ =	shalt  }
0x85: {  	_ =	shalt  }
0x86: {  	_ =	shalt  }
0x87: {  	_ =	shalt  }
.Lfunc_end0:
.L_simem_size_0:
called_computation.4_lowered:
.L_overlay_start_0:
0x88: {  	s2 =	sld [smem:$0x3FD9]  }
0x89: {  	s3 =	sld [smem:$0x3FFE];
	_ =	sdelay $0x1  }
0x8a: {  	s1 =	srdreg.scid  }
0x8b: {  	s0 =	sand.u32 $0x1, s1  }
0x8c: {  	s16 =	sshll.u32 s0, $0xA;
	s2 =	sadd.s32 s3, s2  }
0x8d: {  	s2 =	sadd.s32 s2, s16  }
0x8e: {  	[smem:$0x3FBB] =	sst s2  }
0x8f: {  	_ = 	snop  }
0x90: {  	(tm) =	ssettm $0x1  }
0x91: {  	s17 =	sld [smem:$0x3FFB];
	_ =	sdelay $0x3  }
0x92: {  	_ =	strace s17  }
0x93: {  	s2 =	sld [smem:$0x3FFC];
	_ =	sdelay $0x3  }
0x94: {  	_ =	strace s2  }
0x95: {  	s2 =	sld [smem:$0x3FFD];
	_ =	sdelay $0x3  }
0x96: {  	_ =	strace s2  }
0x97: {  	_ =	strace $0x8FFFFFFF  }
0x98: {  	s18 =	sld [smem:$0x3FDB];
	_ =	sdelay $0x1  }
0x99: {  	s19 =	simm.s32 $_scs_section_size  }
0x9a: {  	s4 =	simm.s32 $_size__tile_overlayer_lowered;
	s5 =	simm.s32 $_tile_overlayer_lowered  }
0x9b: {  	s22 =	simm.s32 $0x1BFF;
	s21 =	sshll.u32 s5, $0x1;
	s2 =	sadd.s32 s19, s18  }
0x9c: {  	s6 =	simm.s32 $0x0;
	s20 =	sshll.u32 s4, $0x1;
	s4 =	sadd.s32 s21, s2  }
0x9d: {  	[timem:s6], [sflag:s22] =	dma.local [hbm:s4], s20  }
0x9e: {  	_ =	swait.ge [sflag:s22], s20  }
0x9f: {  	s3 =	ssub.s32 $0x0, s20;
	[sflag:s22] =	ssyncset.done $0x0  }
0xa0: {  	[sflag:s22] =	ssyncadd.s32 s3;
	_ =	sdelay $0x1  }
0xa1: {  	s23 =	simm.s32 $0x1B8B  }
0xa2: {  	_ =	swait.ge [sflag:s23], $0x1  }
0xa3: {  	[sflag:s23] =	ssyncset.done $0x0  }
0xa4: {  	s25 =	simm.s32 $0x1B8E;
	s24 =	sld [smem:$0x3FFE];
	[sflag:s23] =	ssyncadd.s32 $0xFFFFFFFF  }
0xa5: {  	s26 =	simm.s32 $execute0_lowered;
	[smem:$0x3FD2] =	sst s25  }
0xa6: {  	s4 =	sshll.u32 s26, $0x1;
	_ =	strace $0x80000052;
	[dreg:$0x1] =	wrdreg $0xFFFFFFFF  }
0xa7: {  	s28 =	simm.s32 $_size_execute0_lowered;
	s2 =	sadd.s32 s2, s4;
	[dreg:$0x0] =	wrdreg $0x0  }
0xa8: {  	s4 =	sshll.u32 s28, $0x1;
	[dreg:$0x2] =	wrdreg s2  }
0xa9: {  	[dreg:$0x3] =	wrdreg s4  }
0xaa: {  	[dreg:$0x4] =	wrdreg $0xC0  }
0xab: {  	_ =	task [dreg:s6], $0x5FFFF  }
0xac: {  	[dreg:$0x1] =	wrdreg $0xFFFFFFFF  }
0xad: {  	[dreg:$0x0] =	wrdreg $0x60  }
0xae: {  	[dreg:$0x2] =	wrdreg s24  }
0xaf: {  	[dreg:$0x3] =	wrdreg $0x55000  }
0xb0: {  	[dreg:$0x4] =	wrdreg $0x9  }
0xb1: {  	_ =	task.clear_ibuf [dreg:s6], $0x5FFFF;
	_ =	strace $0x90000052  }
0xb2: {  	s29 =	simm.s32 $0x9;
	_ =	strace $0x80000054  }
0xb3: {  	_ =	swait.ge [sflag:s29], $0x1  }
0xb4: {  	[sflag:s29] =	ssyncadd.s32 $0xFFFFFFFF  }
0xb5: {  	_ =	strace $0x90000054  }
0xb6: {  	_ =	sfence  }
0xb7: {  	s30 =	sld [smem:$0x0];
	_ =	sdelay $0x2  }
0xb8: {  	s31 =	sshll.u32 s1, $0xD;
	s1 =	sshrl.u32 s1, $0x2  }
0xb9: {  	s3 =	sand.u32 $0x4000, s31;
	s1 =	sadd.s32 s1, s30  }
0xba: {  	s0 =	sor.u32 s3, s0;
	s1 =	sshll.u32 s1, $0x11  }
0xbb: {  	s0 =	sor.u32 s1, s0  }
0xbc: {  	s0 =	sadd.s32 $0x8F2B, s0  }
0xbd: {  	[sflag:s0] =	ssyncadd.remote.s32 $0x1  }
0xbe: {  	_ =	sfence.sel $0xFFFF  }
0xbf: {  	[dreg:$0x0] =	wrdreg $0xFFFFFFFF;
	(pc) =	sbr.abs _section_cstart, $3  }
0xc0: {  	[dreg:$0x1] =	wrdreg $0xFFFFFFFF  }
0xc1: {  	_ =	task.clear_ibuf [dreg:s6], $0x2FFFF;
	_ =	strace $0x9FFFFFFF  }
0xc2: {  	(tm) =	ssettm $0x7FFFFFFF  }
0xc3: {  	_ =	shalt  }
tec
execute0_lowered:
.L_overlay_start_1:
0x0: {  	(tag) =	ssettag $0x1  }
0x1: {  	s0 =	stileid.u32;
	s4 =	rddreg [dreg:$0x0]  }
0x2: {  	s1 =	srdreg.scid;
	s2 =	rddreg [dreg:$0x1];
	s3 =	simm.s32 $0x0  }
0x3: {  	s13 =	simm.s32 $0x1500;
	s14 =	simm.s32 $0x5;
	s15 =	simm.s32 $0x3500  }
0x4: {  	s16 =	simm.s32 $0x1;
	s17 =	simm.s32 $0x80;
	s5 =	smul.u32 $0x15000, s0  }
0x5: {  	s18 =	simm.s32 $0x2;
	s19 =	simm.s32 $0x3;
	s9 =	smul.u32 $0x9C80, s0  }
0x6: {  	s20 =	simm.s32 $0x4;
	s7 =	sand.u32 $0x1, s1;
	s30 =	smul.u32 $0x27200, s0  }
0x7: {  	s22 =	simm.s32 $0x0;
	s29 =	sshll.u32 s0, $0x1;
	s8 =	smul.u32 $0x9C800, s7  }
0x8: {  	[smem:$0x7FF] =	sst s3;
	s1 =	sor.u32 s7, s29;
	s31 =	smul.u32 $0xA800, s7  }
0x9: {  	s10 =	ssub.s32 $0x2, s7;
	s6 =	smul.u32 $0x2A0, s1;
	s1 =	rddreg [dreg:$0x2]  }
0xa: {  	_ =	strace $0x80000053;
	s11 =	sadd.s32 s5, s4;
	s12 =	sshrl.u32 s10, $0x1  }
0xb: {  	s5 =	sshrl.u32 s30, $0x2;
	s21 =	sadd.s32 s9, s2;
	s8 =	sadd.s32 s9, s8  }
0xc: {  	s10 =	ssub.s32 s10, s12;
	s12 =	sadd.s32 s31, s11;
	s21 =	sshrl.u32 s21, $0x3  }
0xd: {  	s6 =	sadd.s32 s6, s4;
	s8 =	sshrl.u32 s8, $0x3;
	s12 =	sadd.s32 $0x2E5000, s12  }
0xe: {  	s8 =	sadd.s32 s8, s4;
	s4 =	sadd.s32 s5, s2;
	s6 =	sadd.s32 $0x3F800, s6  }
0xf: {  	s5 =	sadd.s32 $0x8000, s4;
	s7 =	sadd.s32 $0x44C00, s8;
	s8 =	smax.u32 s10, $0x1  }
0x10: {  	v0 =	vimm.f32 $0.0e+00;
	s9 =	sadd.s32 $0x2000, s4;
	s10 =	sadd.s32 $0x4000, s4;
	s11 =	sadd.s32 $0x6000, s4  }
.LBB2_1:
0x11: {  	s24 =	simm.s32 $0x100;
	s23 =	simm.s32 $0x0  }
.LBB2_2:
0x12: {  	p0 =	sne.s32 s24, $0x7F00;
	[tilespmem:s23+$0x1530] =	vst v0;
	s25 =	smov.u32 s24;
	s24 =	sadd.s32 $0x100, s24  }
.Ltmp0:
0x13: {  	[tilespmem:s23+$0x1520] =	vst v0;
	(pc) =	sbr.rel @p0 .LBB2_2-.Ltmp0, $3  }
0x14: {  	[tilespmem:s23+$0x1500] =	vst v0  }
0x15: {  	[tilespmem:s23+$0x1510] =	vst v0;
	_ =	sdelay $0x1  }
0x16: {  	s23 =	sshra.s32 s25, $0x2  }
0x17: {  	[tilespmem:s23+$0x1530] =	vst v0  }
0x18: {  	[tilespmem:s23+$0x1520] =	vst v0  }
0x19: {  	[tilespmem:s23+$0x1500] =	vst v0  }
0x1a: {  	[tilespmem:s23+$0x1510] =	vst v0  }
0x1b: {  	[spmem:s4] =	stream.linear.scatter [tilespmem:s13], [sflag:$0x5], $0x2000, $0x38;
	[tilespmem:$0xF180] =	vst v63  }
0x1c: {  	_ =	swait.ge [sflag:s14], $0x2000  }
0x1d: {  	[sflag:s14] =	ssyncset.done $0x0  }
0x1e: {  	[sflag:s14] =	ssyncadd.s32 $0xFFFFE000  }
0x1f: {  	[spmem:s9] =	stream.linear.scatter [tilespmem:s13], [sflag:$0x5], $0x2000, $0x38;
	[tilespmem:$0xF180] =	vst v63  }
0x20: {  	_ =	swait.ge [sflag:s14], $0x2000  }
0x21: {  	[sflag:s14] =	ssyncset.done $0x0  }
0x22: {  	[sflag:s14] =	ssyncadd.s32 $0xFFFFE000  }
0x23: {  	[spmem:s10] =	stream.linear.scatter [tilespmem:s13], [sflag:$0x5], $0x2000, $0x38;
	[tilespmem:$0xF180] =	vst v63  }
0x24: {  	_ =	swait.ge [sflag:s14], $0x2000  }
0x25: {  	[sflag:s14] =	ssyncset.done $0x0  }
0x26: {  	[sflag:s14] =	ssyncadd.s32 $0xFFFFE000  }
0x27: {  	[spmem:s11] =	stream.linear.scatter [tilespmem:s13], [sflag:$0x5], $0x2000, $0x38;
	[tilespmem:$0xF180] =	vst v63  }
0x28: {  	_ =	swait.ge [sflag:s14], $0x2000  }
0x29: {  	[sflag:s14] =	ssyncset.done $0x0  }
0x2a: {  	[sflag:s14] =	ssyncadd.s32 $0xFFFFE000  }
0x2b: {  	[spmem:s5] =	stream.linear.scatter [tilespmem:s13], [sflag:$0x5], $0x1C80, $0x38;
	[tilespmem:$0xF180] =	vst v63  }
0x2c: {  	_ =	swait.ge [sflag:s14], $0x1C80  }
0x2d: {  	[sflag:s14] =	ssyncset.done $0x0  }
0x2e: {  	[sflag:s14] =	ssyncadd.s32 $0xFFFFE380  }
0x2f: {  	s28 =	simm.s32 $0x0;
	[bflag:$0x0] =	sbarrier.arrive $0xFFFF  }
0x30: {  	[tilespmem:s28], [sflag:$0x5] =	stream.linear.gather [hbm4b:s6+s28], $0x1500, $0x38;
	[tilespmem:$0xF180] =	vst v63  }
0x31: {  	_ =	swait.ge [sflag:s14], $0x1500  }
0x32: {  	[sflag:s14] =	ssyncset.done $0x0  }
0x33: {  	s29 =	sadd.s32 $0xFFFFFC00, s12;
	[sflag:s14] =	ssyncadd.s32 $0xFFFFEB00  }
0x34: {  	[tilespmem:s13], [sflag:$0x1] =	stream.linear.gather [hbm4b:s29+s3], $0x2000, $0x38;
	[tilespmem:$0xF180] =	vst v63  }
0x35: {  	_ = 	snop  }
0x36: {  	[tilespmem:s15], [sflag:$0x2] =	stream.linear.gather [hbm4b:s12+s3], $0x2000, $0x38;
	[tilespmem:$0xF180] =	vst v63  }
0x37: {  	_ =	swait.ge [sflag:s16], $0x2000  }
0x38: {  	[sflag:s16] =	ssyncset.done $0x0  }
0x39: {  	s30 =	simm.s32 $0x0;
	[sflag:s16] =	ssyncadd.s32 $0xFFFFE000  }
0x3a: {  	[spmem:s2] =	stream.indirect.scatter.add.f32 [tilespmem:s13], [sflag:$0x3], $0x40, s30, s17, $0xb8;
	[tilespmem:$0xF180] =	vst v63  }
0x3b: {  	_ =	swait.ge [sflag:s18], $0x2000  }
0x3c: {  	[sflag:s18] =	ssyncset.done $0x0  }
0x3d: {  	s31 =	simm.s32 $0x80;
	[sflag:s18] =	ssyncadd.s32 $0xFFFFE000  }
0x3e: {  	[spmem:s2] =	stream.indirect.scatter.add.f32 [tilespmem:s15], [sflag:$0x4], $0x40, s31, s17, $0xb8;
	[tilespmem:$0xF180] =	vst v63  }
0x3f: {  	_ =	swait.ge [sflag:s19], $0x2000  }
0x40: {  	[sflag:s19] =	ssyncset.done $0x0  }
0x41: {  	[sflag:s19] =	ssyncadd.s32 $0xFFFFE000  }
0x42: {  	s23 =	simm.s32 $0x400;
	_ =	swait.ge [sflag:s20], $0x2000  }
0x43: {  	s25 =	simm.s32 $0x800;
	s24 =	sadd.s32 $0x800, s12;
	[sflag:s20] =	ssyncset.done $0x0  }
.LBB2_4:
0x44: {  	p0 =	sne.s32 s25, $0x5000;
	s26 =	sadd.s32 $0xFFFFFC00, s24;
	[sflag:s20] =	ssyncadd.s32 $0xFFFFE000  }
0x45: {  	[tilespmem:s13], [sflag:$0x1] =	stream.linear.gather [hbm4b:s26+s3], $0x2000, $0x38;
	[tilespmem:$0xF180] =	vst v63  }
0x46: {  	s26 =	smov.u32 s25;
	s25 =	sadd.s32 $0x400, s25  }
0x47: {  	[tilespmem:s15], [sflag:$0x2] =	stream.linear.gather [hbm4b:s24+s3], $0x2000, $0x38;
	[tilespmem:$0xF180] =	vst v63  }
0x48: {  	_ =	swait.ge [sflag:s16], $0x2000  }
0x49: {  	[sflag:s16] =	ssyncset.done $0x0  }
0x4a: {  	s28 =	sshra.s32 s23, $0x2;
	s23 =	smov.u32 s26;
	[sflag:s16] =	ssyncadd.s32 $0xFFFFE000  }
0x4b: {  	[spmem:s2] =	stream.indirect.scatter.add.f32 [tilespmem:s13], [sflag:$0x3], $0x40, s28, s17, $0xb8;
	[tilespmem:$0xF180] =	vst v63  }
0x4c: {  	_ =	swait.ge [sflag:s18], $0x2000  }
0x4d: {  	[sflag:s18] =	ssyncset.done $0x0  }
0x4e: {  	s26 =	sadd.s32 $0x80, s28;
	[sflag:s18] =	ssyncadd.s32 $0xFFFFE000  }
0x4f: {  	[spmem:s2] =	stream.indirect.scatter.add.f32 [tilespmem:s15], [sflag:$0x4], $0x40, s26, s17, $0xb8;
	[tilespmem:$0xF180] =	vst v63  }
.Ltmp1:
0x50: {  	_ =	swait.ge [sflag:s19], $0x2000;
	(pc) =	sbr.rel @p0 .LBB2_4-.Ltmp1, $4  }
0x51: {  	[sflag:s19] =	ssyncset.done $0x0  }
0x52: {  	[sflag:s19] =	ssyncadd.s32 $0xFFFFE000  }
0x53: {  	_ =	swait.ge [sflag:s20], $0x2000  }
0x54: {  	s24 =	sadd.s32 $0x800, s24;
	[sflag:s20] =	ssyncset.done $0x0  }
0x55: {  	s25 =	sadd.s32 $0xFFFFFC00, s24;
	[sflag:s20] =	ssyncadd.s32 $0xFFFFE000  }
0x56: {  	[tilespmem:s13], [sflag:$0x1] =	stream.linear.gather [hbm4b:s25+s3], $0x2000, $0x38;
	[tilespmem:$0xF180] =	vst v63  }
0x57: {  	_ = 	snop  }
0x58: {  	[tilespmem:s15], [sflag:$0x2] =	stream.linear.gather [hbm4b:s24+s3], $0x2000, $0x38;
	[tilespmem:$0xF180] =	vst v63  }
0x59: {  	_ =	swait.ge [sflag:s16], $0x2000  }
0x5a: {  	[sflag:s16] =	ssyncset.done $0x0  }
0x5b: {  	s23 =	sshra.s32 s23, $0x2;
	[sflag:s16] =	ssyncadd.s32 $0xFFFFE000  }
0x5c: {  	[spmem:s2] =	stream.indirect.scatter.add.f32 [tilespmem:s13], [sflag:$0x3], $0x40, s23, s17, $0xb8;
	[tilespmem:$0xF180] =	vst v63  }
0x5d: {  	_ =	swait.ge [sflag:s18], $0x2000  }
0x5e: {  	[sflag:s18] =	ssyncset.done $0x0  }
0x5f: {  	s23 =	sadd.s32 $0x80, s23;
	[sflag:s18] =	ssyncadd.s32 $0xFFFFE000  }
0x60: {  	[spmem:s2] =	stream.indirect.scatter.add.f32 [tilespmem:s15], [sflag:$0x4], $0x40, s23, s17, $0xb8;
	[tilespmem:$0xF180] =	vst v63  }
0x61: {  	_ =	swait.ge [sflag:s19], $0x2000  }
0x62: {  	[sflag:s19] =	ssyncset.done $0x0  }
0x63: {  	[sflag:s19] =	ssyncadd.s32 $0xFFFFE000  }
0x64: {  	_ =	swait.ge [sflag:s20], $0x2000  }
0x65: {  	s22 =	sadd.s32 $0x1, s22;
	[sflag:s20] =	ssyncset.done $0x0  }
0x66: {  	s31 =	sshll.u32 s0, $0x6;
	p0 =	sne.s32 s22, s8;
	[sflag:s20] =	ssyncadd.s32 $0xFFFFE000  }
.Ltmp2:
0x67: {  	s23 =	sor.u32 $0x1C05, s31;
	[bflag:$0x0] =	sbarrier.arrive $0xFFFF;
	(pc) =	sbr.rel @p0 .LBB2_1-.Ltmp2, $4  }
0x68: {  	[hbm:s7], [sflag:s23] =	dma.local [spmem:s21], $0x1390  }
0x69: {  	_ =	swait.ge [sflag:s14], $0x1390  }
0x6a: {  	[sflag:s14] =	ssyncset.done $0x0  }
0x6b: {  	[sflag:s14] =	ssyncadd.s32 $0xFFFFEC70  }
0x6c: {  	_ =	sfence.sel $0x180000  }
0x6d: {  	[bflag:$0x0] =	sbarrier.arrive $0xFFFF  }
0x6e: {  	p0 =	sne.s32 s0, $0x0;
	_ =	strace $0x90000053  }
0x6f: {  	s0 =	sadd.s32 @!p0 $0x100000, s1;
	[bflag:$0x2] =	sbarrier.arrive $0xFFFF  }
0x70: {  	[sflag:s0] =	ssyncadd.tile.s32 @!p0 $0x1;
	_ =	shalt  }
.Lfunc_end2:
_tile_overlayer_lowered:
.L_overlay_start_2:
0x71: {  	(tag) =	ssettag $0x2  }
0x72: {  	s0 =	rddreg [dreg:$0x0];
	s2 =	stileid.u32  }
0x73: {  	s1 =	rddreg [dreg:$0x1];
	p0 =	sne.s32 s2, $0x0  }
0x74: {  	s3 =	rddreg [dreg:$0x2];
	[bflag:$0x3] =	sbarrier.arrive $0xFFFF;
	s2 =	simm.s32 @!p0 $0x1C05  }
0x75: {  	[timem:s3], [sflag:s2] =	dma.local @!p0 [hbm:s0], s1  }
0x76: {  	s0 =	simm.s32 @!p0 $0x5  }
0x77: {  	_ =	swait.ge @!p0 [sflag:s0], s1  }
0x78: {  	s1 =	ssub.s32 @!p0 $0x0, s1;
	[sflag:s0] =	ssyncset.done @!p0 $0x0  }
0x79: {  	[sflag:s0] =	ssyncadd.s32 @!p0 s1  }
0x7a: {  	[bflag:$0x3] =	sbarrier.arrive $0xFFFF  }
0x7b: {  	_ =	shalt  }

// kernel: kernel.28.cloned.1.call-start
scs
__scs_entry_jumppad:
0x0: {  	(pc) =	sbr.rel $0x88, $3  }
0x1: {  	(tag) =	ssettag $0x0;
	lr =	simm.s32 $0x1  }
0x2: {  	[smem:$0x3F94] =	sst lr;
	_ =	strace $0xD0000000  }
0x3: {  	_ = 	snop  }
0x4: {  	_ = 	snop  }
0x5: {  	_ = 	snop  }
0x6: {  	_ = 	snop  }
0x7: {  	_ = 	snop  }
__scs_overlays_trampoline_lowered:
0x8: {  	[smem:$0x3FA3] =	sst s0  }
0x9: {  	[smem:$0x3FA4] =	sst s1  }
0xa: {  	[smem:$0x3FA5] =	sst s2  }
0xb: {  	[smem:$0x3FA6] =	sst s3  }
0xc: {  	[smem:$0x3FA7] =	sst s4  }
0xd: {  	[smem:$0x3FA8] =	sst s5  }
0xe: {  	[smem:$0x3FA9] =	sst s6  }
0xf: {  	[smem:$0x3FAA] =	sst s7  }
0x10: {  	[smem:$0x3FAB] =	sst s8  }
0x11: {  	[smem:$0x3FAC] =	sst s9;
	s0 =	simm.s32 @!p0 $0x0  }
0x12: {  	s1 =	sld [smem:$0x3F92];
	s0 =	simm.s32 @p0 $0x1  }
0x13: {  	[smem:$0x3FAD] =	sst s0;
	s0 =	simm.s32 @!p1 $0x0  }
0x14: {  	s2 =	sld [smem:$0x3F91];
	s0 =	simm.s32 @p1 $0x1  }
0x15: {  	[smem:$0x3FAE] =	sst s0;
	s0 =	simm.s32 @!p2 $0x0  }
0x16: {  	s3 =	sld [smem:$0x3FDB];
	s0 =	simm.s32 @p2 $0x1  }
0x17: {  	s4 =	simm.s32 $0x1BF5;
	[smem:$0x3FB0] =	sst s0  }
0x18: {  	s0 =	sld [smem:$0x3F93];
	_ =	swait.ge [sflag:s4], $0x0  }
0x19: {  	s7 =	sld [smem:$0x3F94]  }
0x1a: {  	s8 =	sadd.s32 $0xFFFFE003, lr  }
0x1b: {  	s9 =	sadd.s32 $0xFFFFFEF7, lr;
	s5 =	simm.s32 $0xFFFFFFFF;
	p2 =	slt.u32 s8, $0xFFFFF086  }
0x1c: {  	p1 =	slt.u32 s9, $0xF7A;
	s5 =	simm.s32 @!p2 $0x0  }
0x1d: {  	s5 =	simm.s32 @p1 $0x1;
	p0 =	seq.s32 s7, s2  }
0x1e: {  	s7 =	smul.u32 @!p0 $0xF7A, s2;
	p2 =	seq.s32 @!p0 s5, $0x0  }
0x1f: {  	s9 =	smul.u32 $0xF7A, s1;
	s8 =	simm.s32 @!p0 $0x1BF5;
	p2 =	por !p2, p0  }
0x20: {  	[sflag:s8] =	ssyncset.s32 @!p0 $0xFFFFF086;
	s6 =	sadd.s32 @!p0 s3, s7;
	s7 =	simm.s32 @!p0 $0x108  }
0x21: {  	s3 =	sadd.s32 s3, s9;
	s6 =	sadd.s32 @!p0 $0x88, s6;
	s7 =	simm.s32 @p2 $0x1082  }
0x22: {  	[simem:s7], [sflag:s8] =	dma.local @!p0 [hbm:s6], $0xF7A  }
0x23: {  	s9 =	sor.u32 $0xD0000000, s2;
	s6 =	simm.s32 $0x108;
	_ =	swait.ge @!p0 [sflag:s8], $0x0  }
0x24: {  	s3 =	sadd.s32 $0x88, s3;
	s6 =	simm.s32 @!p1 $0x1082;
	[sflag:s4] =	ssyncset.s32 $0xFFFFF086  }
0x25: {  	[simem:s6], [sflag:s4] =	dma.local [hbm:s3], $0xF7A  }
0x26: {  	[smem:$0x3F94] =	sst s1;
	(tag) =	ssettag s2;
	_ =	strace s9  }
0x27: {  	s1 =	sld [smem:$0x3FA4]  }
0x28: {  	s2 =	sld [smem:$0x3FA5]  }
0x29: {  	s4 =	sld [smem:$0x3FA7]  }
0x2a: {  	p0 =	seq.s32 s5, $0x0;
	s5 =	sld [smem:$0x3FA8]  }
0x2b: {  	s6 =	sld [smem:$0x3FA9]  }
0x2c: {  	s7 =	sld [smem:$0x3FAA]  }
0x2d: {  	s3 =	simm.s32 $0x108;
	s8 =	sld [smem:$0x3FAB]  }
0x2e: {  	s3 =	simm.s32 @!p0 $0x1082;
	s9 =	sld [smem:$0x3FAC]  }
0x2f: {  	lr =	sadd.s32 s0, s3;
	s0 =	sld [smem:$0x3FA3]  }
0x30: {  	s3 =	sld [smem:$0x3FA6]  }
0x31: {  	[smem:$0x3FAF] =	sst s10  }
0x32: {  	s10 =	sld [smem:$0x3FAD];
	_ =	sdelay $0x3  }
0x33: {  	p0 =	seq.s32 s10, $0x1;
	s10 =	sld [smem:$0x3FAF];
	_ =	sdelay $0x3  }
0x34: {  	[smem:$0x3FAF] =	sst s10  }
0x35: {  	s10 =	sld [smem:$0x3FAE];
	_ =	sdelay $0x3  }
0x36: {  	p1 =	seq.s32 s10, $0x1;
	s10 =	sld [smem:$0x3FAF];
	_ =	sdelay $0x3  }
0x37: {  	[smem:$0x3FAF] =	sst s10  }
0x38: {  	s10 =	sld [smem:$0x3FB0]  }
0x39: {  	_ = 	snop;
	(pc) =	sbr.ind lr, $3  }
0x3a: {  	_ = 	snop  }
0x3b: {  	_ = 	snop  }
0x3c: {  	p2 =	seq.s32 s10, $0x1;
	s10 =	sld [smem:$0x3FAF]  }
0x3d: {  	_ =	shalt  }
0x3e: {  	_ =	shalt  }
0x3f: {  	_ =	shalt  }
0x40: {  	_ =	shalt  }
0x41: {  	_ =	shalt  }
0x42: {  	_ =	shalt  }
0x43: {  	_ =	shalt  }
0x44: {  	_ =	shalt  }
0x45: {  	_ =	shalt  }
0x46: {  	_ =	shalt  }
0x47: {  	_ =	shalt  }
0x48: {  	_ =	shalt  }
0x49: {  	_ =	shalt  }
0x4a: {  	_ =	shalt  }
0x4b: {  	_ =	shalt  }
0x4c: {  	_ =	shalt  }
0x4d: {  	_ =	shalt  }
0x4e: {  	_ =	shalt  }
0x4f: {  	_ =	shalt  }
0x50: {  	_ =	shalt  }
0x51: {  	_ =	shalt  }
0x52: {  	_ =	shalt  }
0x53: {  	_ =	shalt  }
0x54: {  	_ =	shalt  }
0x55: {  	_ =	shalt  }
0x56: {  	_ =	shalt  }
0x57: {  	_ =	shalt  }
0x58: {  	_ =	shalt  }
0x59: {  	_ =	shalt  }
0x5a: {  	_ =	shalt  }
0x5b: {  	_ =	shalt  }
0x5c: {  	_ =	shalt  }
0x5d: {  	_ =	shalt  }
0x5e: {  	_ =	shalt  }
0x5f: {  	_ =	shalt  }
0x60: {  	_ =	shalt  }
0x61: {  	_ =	shalt  }
0x62: {  	_ =	shalt  }
0x63: {  	_ =	shalt  }
0x64: {  	_ =	shalt  }
0x65: {  	_ =	shalt  }
0x66: {  	_ =	shalt  }
0x67: {  	_ =	shalt  }
0x68: {  	_ =	shalt  }
0x69: {  	_ =	shalt  }
0x6a: {  	_ =	shalt  }
0x6b: {  	_ =	shalt  }
0x6c: {  	_ =	shalt  }
0x6d: {  	_ =	shalt  }
0x6e: {  	_ =	shalt  }
0x6f: {  	_ =	shalt  }
0x70: {  	_ =	shalt  }
0x71: {  	_ =	shalt  }
0x72: {  	_ =	shalt  }
0x73: {  	_ =	shalt  }
0x74: {  	_ =	shalt  }
0x75: {  	_ =	shalt  }
0x76: {  	_ =	shalt  }
0x77: {  	_ =	shalt  }
0x78: {  	_ =	shalt  }
0x79: {  	_ =	shalt  }
0x7a: {  	_ =	shalt  }
0x7b: {  	_ =	shalt  }
0x7c: {  	_ =	shalt  }
0x7d: {  	_ =	shalt  }
0x7e: {  	_ =	shalt  }
0x7f: {  	_ =	shalt  }
0x80: {  	_ =	shalt  }
0x81: {  	_ =	shalt  }
0x82: {  	_ =	shalt  }
0x83: {  	_ =	shalt  }
0x84: {  	_ =	shalt  }
0x85: {  	_ =	shalt  }
0x86: {  	_ =	shalt  }
0x87: {  	_ =	shalt  }
.Lfunc_end0:
.L_simem_size_0:
called_computation.5_lowered:
.L_overlay_start_0:
0x88: {  	s2 =	sld [smem:$0x3FD9]  }
0x89: {  	s3 =	sld [smem:$0x3FFE];
	_ =	sdelay $0x1  }
0x8a: {  	s1 =	srdreg.scid  }
0x8b: {  	s0 =	sand.u32 $0x1, s1  }
0x8c: {  	s17 =	sshll.u32 s0, $0xA;
	s2 =	sadd.s32 s3, s2  }
0x8d: {  	s2 =	sadd.s32 s2, s17  }
0x8e: {  	[smem:$0x3FBB] =	sst s2  }
0x8f: {  	_ = 	snop  }
0x90: {  	(tm) =	ssettm $0x1  }
0x91: {  	s18 =	sld [smem:$0x3FFB];
	_ =	sdelay $0x3  }
0x92: {  	_ =	strace s18  }
0x93: {  	s2 =	sld [smem:$0x3FFC];
	_ =	sdelay $0x3  }
0x94: {  	_ =	strace s2  }
0x95: {  	s2 =	sld [smem:$0x3FFD];
	_ =	sdelay $0x3  }
0x96: {  	_ =	strace s2  }
0x97: {  	_ =	strace $0x8FFFFFFF  }
0x98: {  	s19 =	sld [smem:$0x3FDB];
	_ =	sdelay $0x1  }
0x99: {  	s20 =	simm.s32 $_scs_section_size  }
0x9a: {  	s4 =	simm.s32 $_size__tile_overlayer_lowered;
	s5 =	simm.s32 $_tile_overlayer_lowered  }
0x9b: {  	s6 =	simm.s32 $0x1BFF;
	s21 =	sshll.u32 s5, $0x1;
	s3 =	sadd.s32 s20, s19  }
0x9c: {  	s22 =	simm.s32 $0x0;
	s4 =	sshll.u32 s4, $0x1;
	s5 =	sadd.s32 s21, s3  }
0x9d: {  	[timem:s22], [sflag:s6] =	dma.local [hbm:s5], s4  }
0x9e: {  	_ =	swait.ge [sflag:s6], s4  }
0x9f: {  	s4 =	ssub.s32 $0x0, s4;
	[sflag:s6] =	ssyncset.done $0x0  }
0xa0: {  	[sflag:s6] =	ssyncadd.s32 s4;
	_ =	sdelay $0x1  }
0xa1: {  	s23 =	simm.s32 $0x1B8B  }
0xa2: {  	_ =	swait.ge [sflag:s23], $0x1  }
0xa3: {  	[sflag:s23] =	ssyncset.done $0x0  }
0xa4: {  	[sflag:s23] =	ssyncadd.s32 $0xFFFFFFFF  }
0xa5: {  	s4 =	sld [smem:$0x0]  }
0xa6: {  	s5 =	sand.u32 $0xFFFFFFFE, s1  }
0xa7: {  	p0 =	sne.s32 s1, s5  }
0xa8: {  	s5 =	sshll.u32 @p0 s5, $0xE  }
0xa9: {  	s5 =	sadd.s32 @p0 $0x11B8D, s5;
	s6 =	sshll.u32 @p0 s4, $0x11  }
0xaa: {  	s5 =	sor.u32 @p0 s6, s5  }
0xab: {  	[sflag:s5] =	ssyncadd.remote.s32 @p0 $0x1;
	_ =	sdelay $0x1  }
0xac: {  	s5 =	simm.s32 @p0 $0x1B8D  }
0xad: {  	_ =	swait.eq @p0 [sflag:s5], $0x1  }
0xae: {  	[sflag:s5] =	ssyncadd.s32 @p0 $0xFFFFFFFF  }
0xaf: {  	s6 =	sshll.u32 @!p0 s1, $0xE  }
0xb0: {  	s6 =	sor.u32 @!p0 $0x4000, s6;
	s5 =	simm.s32 @!p0 $0x1B8D  }
0xb1: {  	s4 =	sshll.u32 @!p0 s4, $0x11;
	s6 =	sadd.s32 @!p0 $0x11B8D, s6;
	_ =	swait.eq @!p0 [sflag:s5], $0x1  }
0xb2: {  	s4 =	sor.u32 @!p0 s4, s6;
	[sflag:s5] =	ssyncadd.s32 @!p0 $0xFFFFFFFF  }
0xb3: {  	s25 =	simm.s32 $0x1B8E;
	s24 =	sld [smem:$0x3FFE];
	[sflag:s4] =	ssyncadd.remote.s32 @!p0 $0x1  }
0xb4: {  	s26 =	simm.s32 $execute0_lowered;
	[smem:$0x3FD2] =	sst s25  }
0xb5: {  	s5 =	sshll.u32 s26, $0x1;
	_ =	strace $0x80000055;
	[dreg:$0x1] =	wrdreg $0xFFFFFFFF  }
0xb6: {  	s28 =	simm.s32 $_size_execute0_lowered;
	s3 =	sadd.s32 s3, s5;
	[dreg:$0x0] =	wrdreg $0x0  }
0xb7: {  	s5 =	sshll.u32 s28, $0x1;
	[dreg:$0x2] =	wrdreg s3  }
0xb8: {  	[dreg:$0x3] =	wrdreg s5  }
0xb9: {  	[dreg:$0x4] =	wrdreg $0xC0  }
0xba: {  	_ =	task [dreg:s22], $0x5FFFF  }
0xbb: {  	[dreg:$0x1] =	wrdreg $0xFFFFFFFF  }
0xbc: {  	[dreg:$0x0] =	wrdreg $0x60  }
0xbd: {  	[dreg:$0x2] =	wrdreg s24  }
0xbe: {  	[dreg:$0x3] =	wrdreg $0x25000  }
0xbf: {  	[dreg:$0x4] =	wrdreg $0xA  }
0xc0: {  	_ =	task.clear_ibuf [dreg:s22], $0x5FFFF;
	_ =	strace $0x90000055  }
0xc1: {  	s29 =	simm.s32 $0xA;
	_ =	strace $0x80000057  }
0xc2: {  	_ =	swait.ge [sflag:s29], $0x1  }
0xc3: {  	[sflag:s29] =	ssyncadd.s32 $0xFFFFFFFF  }
0xc4: {  	_ =	strace $0x90000057  }
0xc5: {  	_ =	sfence  }
0xc6: {  	s30 =	sld [smem:$0x0];
	_ =	sdelay $0x2  }
0xc7: {  	s31 =	sshll.u32 s1, $0xD;
	s1 =	sshrl.u32 s1, $0x2  }
0xc8: {  	s4 =	sand.u32 $0x4000, s31;
	s1 =	sadd.s32 s1, s30  }
0xc9: {  	s0 =	sor.u32 s4, s0;
	s1 =	sshll.u32 s1, $0x11  }
0xca: {  	s0 =	sor.u32 s1, s0  }
0xcb: {  	s0 =	sadd.s32 $0x8F2B, s0  }
0xcc: {  	[sflag:s0] =	ssyncadd.remote.s32 $0x1  }
0xcd: {  	_ =	sfence.sel $0xFFFF  }
0xce: {  	[dreg:$0x0] =	wrdreg $0xFFFFFFFF;
	(pc) =	sbr.abs _section_cstart, $3  }
0xcf: {  	[dreg:$0x1] =	wrdreg $0xFFFFFFFF  }
0xd0: {  	_ =	task.clear_ibuf [dreg:s22], $0x2FFFF;
	_ =	strace $0x9FFFFFFF  }
0xd1: {  	(tm) =	ssettm $0x7FFFFFFF  }
tec
execute0_lowered:
.L_overlay_start_1:
0x0: {  	(tag) =	ssettag $0x1  }
0x1: {  	s0 =	stileid.u32;
	s4 =	rddreg [dreg:$0x0]  }
0x2: {  	s1 =	srdreg.scid;
	s2 =	rddreg [dreg:$0x1];
	s3 =	simm.s32 $0x0  }
0x3: {  	s13 =	simm.s32 $0x1500;
	s14 =	simm.s32 $0x5;
	s15 =	simm.s32 $0x1D00  }
0x4: {  	s16 =	simm.s32 $0x1;
	s17 =	simm.s32 $0x80;
	s5 =	smul.u32 $0x5400, s0  }
0x5: {  	s18 =	simm.s32 $0x2;
	s19 =	simm.s32 $0x3;
	s9 =	smul.u32 $0x2720, s0  }
0x6: {  	s20 =	simm.s32 $0x4;
	s7 =	sand.u32 $0x1, s1;
	s30 =	smul.u32 $0x9C80, s0  }
0x7: {  	s22 =	simm.s32 $0x0;
	s29 =	sshll.u32 s0, $0x1;
	s8 =	smul.u32 $0x27200, s7  }
0x8: {  	[smem:$0x7FF] =	sst s3;
	s1 =	sor.u32 s7, s29;
	s31 =	smul.u32 $0x2A00, s7  }
0x9: {  	s10 =	ssub.s32 $0x2, s7;
	s6 =	smul.u32 $0x2A0, s1;
	s1 =	rddreg [dreg:$0x2]  }
0xa: {  	_ =	strace $0x80000056;
	s11 =	sadd.s32 s5, s4;
	s12 =	sshrl.u32 s10, $0x1  }
0xb: {  	s5 =	sshrl.u32 s30, $0x2;
	s21 =	sadd.s32 s9, s2;
	s8 =	sadd.s32 s9, s8  }
0xc: {  	s10 =	ssub.s32 s10, s12;
	s12 =	sadd.s32 s31, s11;
	s21 =	sshrl.u32 s21, $0x3  }
0xd: {  	s6 =	sadd.s32 s6, s4;
	s8 =	sshrl.u32 s8, $0x3;
	s12 =	sadd.s32 $0x6BE00, s12  }
0xe: {  	s8 =	sadd.s32 s8, s4;
	s4 =	sadd.s32 s5, s2;
	s6 =	sadd.s32 $0x3F800, s6  }
0xf: {  	s5 =	sadd.s32 $0x2000, s4;
	s7 =	sadd.s32 $0x2C000, s8;
	s8 =	smax.u32 s10, $0x1  }
0x10: {  	v0 =	vimm.f32 $0.0e+00;
	s9 =	sadd.s32 $0x800, s4;
	s10 =	sadd.s32 $0x1000, s4;
	s11 =	sadd.s32 $0x1800, s4  }
.LBB2_1:
0x11: {  	s23 =	simm.s32 $0x40;
	s24 =	simm.s32 $0x0  }
.LBB2_2:
0x12: {  	p0 =	sne.s32 s23, $0x1FC0;
	[tilespmem:s24+$0x1500] =	vst v0;
	s24 =	smov.u32 s23;
	s23 =	sadd.s32 $0x40, s23  }
.Ltmp0:
0x13: {  	(pc) =	sbr.rel @p0 .LBB2_2-.Ltmp0, $2  }
0x14: {  	_ =	sdelay $0x2  }
0x15: {  	s24 =	sshra.s32 s24, $0x2  }
0x16: {  	[tilespmem:s24+$0x1500] =	vst v0  }
0x17: {  	[spmem:s4] =	stream.linear.scatter [tilespmem:s13], [sflag:$0x5], $0x800, $0x38;
	[tilespmem:$0x4C20] =	vst v63  }
0x18: {  	_ =	swait.ge [sflag:s14], $0x800  }
0x19: {  	[sflag:s14] =	ssyncset.done $0x0  }
0x1a: {  	[sflag:s14] =	ssyncadd.s32 $0xFFFFF800  }
0x1b: {  	[spmem:s9] =	stream.linear.scatter [tilespmem:s13], [sflag:$0x5], $0x800, $0x38;
	[tilespmem:$0x4C20] =	vst v63  }
0x1c: {  	_ =	swait.ge [sflag:s14], $0x800  }
0x1d: {  	[sflag:s14] =	ssyncset.done $0x0  }
0x1e: {  	[sflag:s14] =	ssyncadd.s32 $0xFFFFF800  }
0x1f: {  	[spmem:s10] =	stream.linear.scatter [tilespmem:s13], [sflag:$0x5], $0x800, $0x38;
	[tilespmem:$0x4C20] =	vst v63  }
0x20: {  	_ =	swait.ge [sflag:s14], $0x800  }
0x21: {  	[sflag:s14] =	ssyncset.done $0x0  }
0x22: {  	[sflag:s14] =	ssyncadd.s32 $0xFFFFF800  }
0x23: {  	[spmem:s11] =	stream.linear.scatter [tilespmem:s13], [sflag:$0x5], $0x800, $0x38;
	[tilespmem:$0x4C20] =	vst v63  }
0x24: {  	_ =	swait.ge [sflag:s14], $0x800  }
0x25: {  	[sflag:s14] =	ssyncset.done $0x0  }
0x26: {  	[sflag:s14] =	ssyncadd.s32 $0xFFFFF800  }
0x27: {  	[spmem:s5] =	stream.linear.scatter [tilespmem:s13], [sflag:$0x5], $0x720, $0x38;
	[tilespmem:$0x4C20] =	vst v63  }
0x28: {  	_ =	swait.ge [sflag:s14], $0x720  }
0x29: {  	[sflag:s14] =	ssyncset.done $0x0  }
0x2a: {  	[sflag:s14] =	ssyncadd.s32 $0xFFFFF8E0  }
0x2b: {  	s23 =	simm.s32 $0x0;
	[bflag:$0x0] =	sbarrier.arrive $0xFFFF  }
0x2c: {  	[tilespmem:s23], [sflag:$0x5] =	stream.linear.gather [hbm4b:s6+s23], $0x1500, $0x38;
	[tilespmem:$0x4C20] =	vst v63  }
0x2d: {  	_ =	swait.ge [sflag:s14], $0x1500  }
0x2e: {  	[sflag:s14] =	ssyncset.done $0x0  }
0x2f: {  	s29 =	sadd.s32 $0x0, s12;
	[sflag:s14] =	ssyncadd.s32 $0xFFFFEB00  }
0x30: {  	[tilespmem:s13], [sflag:$0x1] =	stream.linear.gather [hbm4b:s29+s3], $0x800, $0x38;
	[tilespmem:$0x4C20] =	vst v63  }
0x31: {  	s23 =	sadd.s32 $0x100, s29  }
0x32: {  	[tilespmem:s15], [sflag:$0x2] =	stream.linear.gather [hbm4b:s23+s3], $0x800, $0x38;
	[tilespmem:$0x4C20] =	vst v63  }
0x33: {  	_ =	swait.ge [sflag:s16], $0x800  }
0x34: {  	[sflag:s16] =	ssyncset.done $0x0  }
0x35: {  	s30 =	simm.s32 $0x0;
	[sflag:s16] =	ssyncadd.s32 $0xFFFFF800  }
0x36: {  	[spmem:s2] =	stream.indirect.scatter.add.f32 [tilespmem:s13], [sflag:$0x3], $0x10, s30, s17, $0xb8;
	[tilespmem:$0x4C20] =	vst v63  }
0x37: {  	_ =	swait.ge [sflag:s18], $0x800  }
0x38: {  	[sflag:s18] =	ssyncset.done $0x0  }
0x39: {  	s31 =	simm.s32 $0x80;
	[sflag:s18] =	ssyncadd.s32 $0xFFFFF800  }
0x3a: {  	[spmem:s2] =	stream.indirect.scatter.add.f32 [tilespmem:s15], [sflag:$0x4], $0x10, s31, s17, $0xb8;
	[tilespmem:$0x4C20] =	vst v63  }
0x3b: {  	_ =	swait.ge [sflag:s19], $0x800  }
0x3c: {  	[sflag:s19] =	ssyncset.done $0x0  }
0x3d: {  	[sflag:s19] =	ssyncadd.s32 $0xFFFFF800  }
0x3e: {  	s24 =	simm.s32 $0x200;
	_ =	swait.ge [sflag:s20], $0x800  }
0x3f: {  	s25 =	simm.s32 $0x400;
	s23 =	simm.s32 $0x180;
	[sflag:s20] =	ssyncset.done $0x0  }
.LBB2_4:
0x40: {  	s26 =	sadd.s32 s24, s12  }
0x41: {  	[sflag:s20] =	ssyncadd.s32 $0xFFFFF800;
	s24 =	smov.u32 s25;
	s28 =	sadd.s32 $0x200, s25  }
0x42: {  	[tilespmem:s13], [sflag:$0x1] =	stream.linear.gather [hbm4b:s26+s3], $0x800, $0x38;
	[tilespmem:$0x4C20] =	vst v63  }
0x43: {  	p0 =	sne.s32 s25, $0x2800;
	s25 =	sadd.s32 $0x100, s26  }
0x44: {  	[tilespmem:s15], [sflag:$0x2] =	stream.linear.gather [hbm4b:s25+s3], $0x800, $0x38;
	[tilespmem:$0x4C20] =	vst v63  }
0x45: {  	_ =	swait.ge [sflag:s16], $0x800  }
0x46: {  	[sflag:s16] =	ssyncset.done $0x0  }
0x47: {  	s25 =	sadd.s32 $0xFFFFFF80, s23;
	[sflag:s16] =	ssyncadd.s32 $0xFFFFF800  }
0x48: {  	[spmem:s2] =	stream.indirect.scatter.add.f32 [tilespmem:s13], [sflag:$0x3], $0x10, s25, s17, $0xb8;
	[tilespmem:$0x4C20] =	vst v63  }
0x49: {  	_ =	swait.ge [sflag:s18], $0x800  }
0x4a: {  	[sflag:s18] =	ssyncset.done $0x0  }
0x4b: {  	[sflag:s18] =	ssyncadd.s32 $0xFFFFF800  }
0x4c: {  	[spmem:s2] =	stream.indirect.scatter.add.f32 [tilespmem:s15], [sflag:$0x4], $0x10, s23, s17, $0xb8;
	[tilespmem:$0x4C20] =	vst v63  }
.Ltmp1:
0x4d: {  	_ =	swait.ge [sflag:s19], $0x800;
	(pc) =	sbr.rel @p0 .LBB2_4-.Ltmp1, $4  }
0x4e: {  	[sflag:s19] =	ssyncset.done $0x0  }
0x4f: {  	[sflag:s19] =	ssyncadd.s32 $0xFFFFF800  }
0x50: {  	_ =	swait.ge [sflag:s20], $0x800  }
0x51: {  	s25 =	smov.u32 s28;
	s23 =	sadd.s32 $0x100, s23;
	[sflag:s20] =	ssyncset.done $0x0  }
0x52: {  	s24 =	sadd.s32 s24, s12;
	[sflag:s20] =	ssyncadd.s32 $0xFFFFF800  }
0x53: {  	[tilespmem:s13], [sflag:$0x1] =	stream.linear.gather [hbm4b:s24+s3], $0x800, $0x38;
	[tilespmem:$0x4C20] =	vst v63  }
0x54: {  	s24 =	sadd.s32 $0x100, s24  }
0x55: {  	[tilespmem:s15], [sflag:$0x2] =	stream.linear.gather [hbm4b:s24+s3], $0x800, $0x38;
	[tilespmem:$0x4C20] =	vst v63  }
0x56: {  	_ =	swait.ge [sflag:s16], $0x800  }
0x57: {  	[sflag:s16] =	ssyncset.done $0x0  }
0x58: {  	s30 =	sadd.s32 $0xFFFFFF80, s23;
	[sflag:s16] =	ssyncadd.s32 $0xFFFFF800  }
0x59: {  	[spmem:s2] =	stream.indirect.scatter.add.f32 [tilespmem:s13], [sflag:$0x3], $0x10, s30, s17, $0xb8;
	[tilespmem:$0x4C20] =	vst v63  }
0x5a: {  	_ =	swait.ge [sflag:s18], $0x800  }
0x5b: {  	[sflag:s18] =	ssyncset.done $0x0  }
0x5c: {  	[sflag:s18] =	ssyncadd.s32 $0xFFFFF800  }
0x5d: {  	[spmem:s2] =	stream.indirect.scatter.add.f32 [tilespmem:s15], [sflag:$0x4], $0x10, s23, s17, $0xb8;
	[tilespmem:$0x4C20] =	vst v63  }
0x5e: {  	_ =	swait.ge [sflag:s19], $0x800  }
0x5f: {  	[sflag:s19] =	ssyncset.done $0x0  }
0x60: {  	[sflag:s19] =	ssyncadd.s32 $0xFFFFF800  }
0x61: {  	_ =	swait.ge [sflag:s20], $0x800  }
0x62: {  	s22 =	sadd.s32 $0x1, s22;
	[sflag:s20] =	ssyncset.done $0x0  }
0x63: {  	s31 =	sshll.u32 s0, $0x6;
	p0 =	sne.s32 s22, s8;
	[sflag:s20] =	ssyncadd.s32 $0xFFFFF800  }
.Ltmp2:
0x64: {  	s23 =	sor.u32 $0x1C05, s31;
	[bflag:$0x0] =	sbarrier.arrive $0xFFFF;
	(pc) =	sbr.rel @p0 .LBB2_1-.Ltmp2, $4  }
0x65: {  	[hbm:s7], [sflag:s23] =	dma.local [spmem:s21], $0x4E4  }
0x66: {  	_ =	swait.ge [sflag:s14], $0x4E4  }
0x67: {  	[sflag:s14] =	ssyncset.done $0x0  }
0x68: {  	[sflag:s14] =	ssyncadd.s32 $0xFFFFFB1C  }
0x69: {  	_ =	sfence.sel $0x180000  }
0x6a: {  	[bflag:$0x0] =	sbarrier.arrive $0xFFFF  }
0x6b: {  	p0 =	sne.s32 s0, $0x0;
	_ =	strace $0x90000056  }
0x6c: {  	s0 =	sadd.s32 @!p0 $0x100000, s1;
	[bflag:$0x2] =	sbarrier.arrive $0xFFFF  }
0x6d: {  	[sflag:s0] =	ssyncadd.tile.s32 @!p0 $0x1;
	_ =	shalt  }
.Lfunc_end2:
_tile_overlayer_lowered:
.L_overlay_start_2:
0x6e: {  	(tag) =	ssettag $0x2  }
0x6f: {  	s0 =	rddreg [dreg:$0x0];
	s2 =	stileid.u32  }
0x70: {  	s1 =	rddreg [dreg:$0x1];
	p0 =	sne.s32 s2, $0x0  }
0x71: {  	s3 =	rddreg [dreg:$0x2];
	[bflag:$0x3] =	sbarrier.arrive $0xFFFF;
	s2 =	simm.s32 @!p0 $0x1C05  }
0x72: {  	[timem:s3], [sflag:s2] =	dma.local @!p0 [hbm:s0], s1  }
0x73: {  	s0 =	simm.s32 @!p0 $0x5  }
0x74: {  	_ =	swait.ge @!p0 [sflag:s0], s1  }
0x75: {  	s1 =	ssub.s32 @!p0 $0x0, s1;
	[sflag:s0] =	ssyncset.done @!p0 $0x0  }
0x76: {  	[sflag:s0] =	ssyncadd.s32 @!p0 s1  }
0x77: {  	[bflag:$0x3] =	sbarrier.arrive $0xFFFF  }
0x78: {  	_ =	shalt  }

</sc_bundles>
